<compile_context>
chip_gen: v7x
topology: tpu7x:2x2x1
jax: 0.10.2.dev20260603
libtpu: 0.0.44.dev20260713+nightly
codegen_flags: <defaults>
</compile_context>

<pallas_src>
import functools

import jax
import jax.numpy as jnp
from jax import lax
from jax.experimental import pallas as pl
from jax.experimental.pallas import tpu as pltpu
from jax.experimental.pallas import tpu_sc as plsc

_VOCAB = 1000000
_DIM = 32
_BATCH = 16384
_N_NEG = 4096
_TEMP = 1.0

_L = 16
_NC = 2
_NS = 16
_NW = _NC * _NS
_S = 128
_NB = 8192
_VP = _NB * _S
_BPC = _NB // _NS
_QW = _N_NEG // _NW
_PW = _BATCH // _NW


def _iota():
    return lax.iota(jnp.int32, _L)


def _cumsum16(v, buf):
    for k in (1, 2, 4, 8):
        buf[pl.ds(0, _L)] = v
        sh = plsc.load_gather(buf, [jnp.maximum(_iota() - k, 0)])
        v = v + jnp.where(_iota() >= k, sh, 0.0)
    return v


def _linearize_table(table_t):
    D, V = table_t.shape
    BC = 32768
    G = (V + BC - 1) // BC
    R = BC // 4

    def body(in_ref, out_ref):
        x = in_ref[...]
        rowi = lax.broadcasted_iota(jnp.int32, (D, 128), 0)
        coli = lax.broadcasted_iota(jnp.int32, (D, 128), 1)
        w = jnp.zeros((R, 128), jnp.float32)
        for q in range(4):
            xq = x[:, q * R:(q + 1) * R]
            eq = (coli == rowi + 32 * q).astype(jnp.float32)
            w = w + jax.lax.dot_general(xq.astype(jnp.bfloat16),
                                        eq.astype(jnp.bfloat16),
                                        (((0,), (0,)), ((), ())),
                                        preferred_element_type=jnp.float32)
        out_ref[...] = w.reshape(R * 128)

    return pl.pallas_call(
        body,
        grid=(G,),
        in_specs=[pl.BlockSpec((D, BC), lambda i: (0, i))],
        out_specs=pl.BlockSpec((R * 128,), lambda i: (i,)),
        out_shape=jax.ShapeDtypeStruct((G * BC * D,), jnp.float32),
    )(table_t)


def _permute_idx(v):
    i = jnp.bitwise_and(v, jnp.int32(~32767))
    a = jnp.bitwise_and(v, jnp.int32(8191))
    q = jnp.bitwise_and(lax.shift_right_logical(v, 13), jnp.int32(3))
    return i + lax.shift_left(a, 2) + q


def _sc_sample(pp_blocks, ppt4, u, y, probs):
    mesh = plsc.VectorSubcoreMesh(core_axis_name="c", subcore_axis_name="s")

    @functools.partial(
        pl.kernel,
        mesh=mesh,
        compiler_params=pltpu.CompilerParams(needs_layout_passes=False,
                                             use_tc_tiling_on_sc=False),
        out_type=(
            jax.ShapeDtypeStruct((_N_NEG,), jnp.int32),
            jax.ShapeDtypeStruct((_N_NEG,), jnp.float32),
            jax.ShapeDtypeStruct((_BATCH,), jnp.float32),
        ),
        scratch_types=[
            pltpu.VMEM((32, _BPC), jnp.float32),
            pltpu.VMEM((_BPC,), jnp.float32),
            pltpu.VMEM_SHARED((_NB,), jnp.float32),
            pltpu.VMEM((_NB,), jnp.float32),
            pltpu.VMEM((128,), jnp.float32),
            pltpu.VMEM((128,), jnp.float32),
            pltpu.VMEM((_QW,), jnp.float32),
            pltpu.VMEM((_QW,), jnp.int32),
            pltpu.VMEM((_QW,), jnp.float32),
            pltpu.VMEM((_QW, _S), jnp.float32),
            pltpu.VMEM((_QW,), jnp.int32),
            pltpu.VMEM((_QW,), jnp.float32),
            pltpu.VMEM((_PW,), jnp.int32),
            pltpu.VMEM((_PW,), jnp.float32),
            pltpu.SemaphoreType.DMA,
        ],
    )
    def k(pp_ref, ppt_ref, u_ref, y_ref, probs_ref,
          sampled_out, sp_out, tp_out,
          tbuf, bsum, shared, C_v, incl_v, offs_v, u_v, b_v, cprev_v,
          rows_v, sampled_v, sp_v, y_v, tp_v, sem):
        c = lax.axis_index("c")
        s = lax.axis_index("s")
        w = s * _NC + c

        for p in range(4):
            pltpu.sync_copy(ppt_ref.at[s, pl.ds(p * 32, 32), :], tbuf)

            def bs_group(g, _):
                if p == 0:
                    acc0 = jnp.zeros((_L,), jnp.float32)
                else:
                    acc0 = bsum[pl.ds(g * _L, _L)]

                def bs_elem(e, acc):
                    return acc + tbuf[e, pl.ds(g * _L, _L)]

                acc = lax.fori_loop(0, 32, bs_elem, acc0)
                bsum[pl.ds(g * _L, _L)] = acc
                return 0

            lax.fori_loop(0, _BPC // _L, bs_group, 0)

        def scan_step(kk, carry):
            v = _cumsum16(bsum[pl.ds(kk * _L, _L)], incl_v) + carry
            bsum[pl.ds(kk * _L, _L)] = v
            return plsc.load_gather(bsum, [jnp.full((_L,), kk * _L + _L - 1,
                                                    jnp.int32)])

        lax.fori_loop(0, _BPC // _L, scan_step, jnp.zeros((_L,), jnp.float32))

        pltpu.sync_copy(bsum, shared.at[pl.ds(s * _BPC, _BPC)])
        plsc.subcore_barrier()
        pltpu.sync_copy(shared, C_v)
        totals = plsc.load_gather(C_v, [_iota() * _BPC + (_BPC - 1)])
        incl = _cumsum16(totals, offs_v)
        incl_v[pl.ds(0, _L)] = incl
        prev = plsc.load_gather(incl_v, [jnp.maximum(_iota() - 1, 0)])
        offs_v[pl.ds(0, _L)] = jnp.where(_iota() > 0, prev, 0.0)

        pltpu.sync_copy(u_ref.at[pl.ds(w * _QW, _QW)], u_v)

        def search_group(g, _):
            uu = u_v[pl.ds(g * _L, _L)]

            def step(_, lohi):
                lo, hi = lohi
                mid = lax.shift_right_logical(lo + hi, 1)
                val = (plsc.load_gather(C_v, [mid])
                       + plsc.load_gather(offs_v,
                                          [lax.shift_right_logical(mid, 9)]))
                pred = val < uu
                return (jnp.where(pred, mid + 1, lo),
                        jnp.where(pred, hi, mid))

            lo, hi = lax.fori_loop(
                0, 13, step,
                (jnp.zeros((_L,), jnp.int32), jnp.full((_L,), _NB, jnp.int32)))
            bb = jnp.minimum(lo, _NB - 1)
            b_v[pl.ds(g * _L, _L)] = bb
            bm1 = jnp.maximum(lo - 1, 0)
            cp = (plsc.load_gather(C_v, [bm1])
                  + plsc.load_gather(offs_v, [lax.shift_right_logical(bm1, 9)]))
            cprev_v[pl.ds(g * _L, _L)] = jnp.where(lo > 0, cp, 0.0)
            return 0

        lax.fori_loop(0, _QW // _L, search_group, 0)

        pltpu.async_copy(pp_ref.at[b_v], rows_v, sem).wait()

        def count_group(g, _):
            uu = u_v[pl.ds(g * _L, _L)]
            cp = cprev_v[pl.ds(g * _L, _L)]
            row = _iota() + g * _L

            def cstep(j, acc_cnt):
                acc, cnt = acc_cnt
                v = plsc.load_gather(rows_v, [row, jnp.full((_L,), j,
                                                            jnp.int32)])
                acc = acc + v
                cnt = cnt + jnp.where(cp + acc < uu, 1, 0).astype(jnp.int32)
                return (acc, cnt)

            acc, cnt = lax.fori_loop(
                0, _S, cstep,
                (jnp.zeros((_L,), jnp.float32), jnp.zeros((_L,), jnp.int32)))
            bb = b_v[pl.ds(g * _L, _L)]
            idx = jnp.minimum(bb * _S + cnt, _VOCAB - 1)
            sampled_v[pl.ds(g * _L, _L)] = idx
            return 0

        lax.fori_loop(0, _QW // _L, count_group, 0)

        pltpu.sync_copy(sampled_v, sampled_out.at[pl.ds(w * _QW, _QW)])

        pltpu.async_copy(probs_ref.at[sampled_v], sp_v, sem).wait()
        pltpu.sync_copy(sp_v, sp_out.at[pl.ds(w * _QW, _QW)])
        pltpu.sync_copy(y_ref.at[pl.ds(w * _PW, _PW)], y_v)
        for q in range(_PW // 128):
            idxs = y_v.at[pl.ds(q * 128, 128)]
            pltpu.async_copy(probs_ref.at[idxs],
                             tp_v.at[pl.ds(q * 128, 128)], sem).wait()
        pltpu.sync_copy(tp_v, tp_out.at[pl.ds(w * _PW, _PW)])

    return k(pp_blocks, ppt4, u, y, probs)


def _sc_table_gather(tbl2, y, sampled):
    mesh = plsc.VectorSubcoreMesh(core_axis_name="c", subcore_axis_name="s")

    @functools.partial(
        pl.kernel,
        mesh=mesh,
        compiler_params=pltpu.CompilerParams(needs_layout_passes=False,
                                             use_tc_tiling_on_sc=False),
        out_type=(
            jax.ShapeDtypeStruct((_N_NEG, _DIM), jnp.float32),
            jax.ShapeDtypeStruct((_BATCH, _DIM), jnp.float32),
        ),
        scratch_types=[
            pltpu.VMEM((_QW,), jnp.int32),
            pltpu.VMEM((_QW, _DIM), jnp.float32),
            pltpu.VMEM((_PW,), jnp.int32),
            pltpu.VMEM((_PW, _DIM), jnp.float32),
            pltpu.SemaphoreType.DMA,
        ],
    )
    def k(tbl_ref, y_ref, s_ref, eneg_out, epos_out,
          sampled_v, eneg_v, y_v, epos_v, sem):
        c = lax.axis_index("c")
        s = lax.axis_index("s")
        w = s * _NC + c

        def xform(ref, n):
            def st(t, _):
                ref[pl.ds(t * _L, _L)] = _permute_idx(ref[pl.ds(t * _L, _L)])
                return 0
            lax.fori_loop(0, n // _L, st, 0)

        pltpu.sync_copy(s_ref.at[pl.ds(w * _QW, _QW)], sampled_v)
        xform(sampled_v, _QW)
        pltpu.async_copy(tbl_ref.at[sampled_v], eneg_v, sem).wait()
        pltpu.sync_copy(eneg_v, eneg_out.at[pl.ds(w * _QW, _QW)])
        pltpu.sync_copy(y_ref.at[pl.ds(w * _PW, _PW)], y_v)
        xform(y_v, _PW)
        for q in range(_PW // 128):
            pltpu.async_copy(tbl_ref.at[y_v.at[pl.ds(q * 128, 128)]],
                             epos_v.at[pl.ds(q * 128, 128)], sem).wait()
        pltpu.sync_copy(epos_v, epos_out.at[pl.ds(w * _PW, _PW)])

    return k(tbl2, y, sampled)


def _fused_loss(hidden, y3, e_pos, e_neg, tp3, sp3, si3):
    B, D = hidden.shape
    N = e_neg.shape[0]
    BB = 512
    G = B // BB

    def body(h_ref, y_ref, ep_ref, en_ref, tp_ref, sp_ref, si_ref, out_ref,
             acc_ref):
        i = pl.program_id(0)

        @pl.when(i == 0)
        def _init():
            acc_ref[0] = 0.0
            acc_ref[1] = 0.0

        h = h_ref[...]
        en = en_ref[...]
        logits = jax.lax.dot_general(h.astype(jnp.bfloat16),
                                     en.astype(jnp.bfloat16),
                                     (((1,), (1,)), ((), ())),
                                     preferred_element_type=jnp.float32)
        yb = y_ref[0, 0, :]
        si = si_ref[0, 0, :]
        sp = sp_ref[0, 0, :]
        tp = tp_ref[0, 0, :]
        coll = yb[:, None] == si[None, :]
        neg = (jnp.where(coll, -1e9, logits) / _TEMP
               - jnp.log(sp + 1e-10)[None, :])
        pos = jnp.sum(h * ep_ref[...], axis=1) / _TEMP - jnp.log(tp + 1e-10)
        s = jnp.sum(jnp.exp(neg), axis=1) + jnp.exp(pos)
        per_row = jnp.log(s) - pos
        maskf = (yb != 0).astype(jnp.float32)
        acc_ref[0] += jnp.sum(per_row * maskf)
        acc_ref[1] += jnp.sum(maskf)

        @pl.when(i == G - 1)
        def _fin():
            out_ref[...] = jnp.reshape(acc_ref[0] / acc_ref[1], (1, 1))

    out = pl.pallas_call(
        body,
        grid=(G,),
        in_specs=[
            pl.BlockSpec((BB, D), lambda i: (i, 0)),
            pl.BlockSpec((1, 1, BB), lambda i: (i, 0, 0)),
            pl.BlockSpec((BB, D), lambda i: (i, 0)),
            pl.BlockSpec((N, D), lambda i: (0, 0)),
            pl.BlockSpec((1, 1, BB), lambda i: (i, 0, 0)),
            pl.BlockSpec((1, 1, N), lambda i: (0, 0, 0)),
            pl.BlockSpec((1, 1, N), lambda i: (0, 0, 0)),
        ],
        out_specs=pl.BlockSpec((1, 1), lambda i: (0, 0)),
        out_shape=jax.ShapeDtypeStruct((1, 1), jnp.float32),
        scratch_shapes=[pltpu.SMEM((2,), jnp.float32)],
    )(hidden, y3, e_pos, e_neg, tp3, sp3, si3)
    return out[0, 0]


def kernel(hidden, y, table, sampling_probs):
    hidden = hidden.reshape(-1, hidden.shape[-1])
    y = y.reshape(-1)
    B, D = hidden.shape
    N = _N_NEG

    u = jax.random.uniform(jax.random.key(42), (N,), dtype=jnp.float32)
    pp = jnp.concatenate(
        [sampling_probs, jnp.zeros((_VP - _VOCAB,), jnp.float32)])
    pp_blocks = pp.reshape(_NB, _S)
    ppt4 = pp.reshape(_NS, _BPC, _S).transpose(0, 2, 1)
    sampled, sp, tp = _sc_sample(pp_blocks, ppt4, u, y, sampling_probs)
    tbl_lin = _linearize_table(table.T)
    tbl2 = tbl_lin.reshape(-1, _DIM)
    e_neg, e_pos = _sc_table_gather(tbl2, y, sampled)

    BB = 512
    G = B // BB
    y3 = y.reshape(G, 1, BB)
    tp3 = tp.reshape(G, 1, BB)
    sp3 = sp.reshape(1, 1, N)
    si3 = sampled.reshape(1, 1, N)
    return _fused_loss(hidden, y3, e_pos, e_neg, tp3, sp3, si3)

# --- scband reference (transcript-rebuilt; emitter-appended) ---
"""Pipeline reference for scband-sampled-softmax-prediction-head-188978561129 (READ-ONLY COPY).

The authoritative reference and input builder live on the scoring server;
editing this copy changes nothing except your own understanding.
"""

import jax, jax.numpy as jnp
import numpy as np

VOCAB = 1000000
DIM = 32
BATCH = 16384
N_NEG = 4096
TEMP = 1.0
SMOOTH = 0.75
UMIX = 0.1


def setup_inputs(seed: int = 0) -> dict:
    key = jax.random.key(seed)
    k1, k2, k3, k4 = jax.random.split(key, 4)
    hidden = jax.random.normal(k1, (BATCH, DIM), dtype=jnp.float32)
    y = jax.random.randint(k2, (BATCH,), 0, VOCAB, dtype=jnp.int32)
    # popularity counts -> smoothed sampling distribution (buffer, built at init)
    n_obs = jax.random.randint(k3, (VOCAB,), 1, 1000).astype(jnp.float32)
    probs = (n_obs + 1e-10) ** SMOOTH
    probs = probs / probs.sum()
    uniform_probs = jnp.ones((VOCAB,), dtype=jnp.float32) / VOCAB
    probs = (1.0 - UMIX) * probs + UMIX * uniform_probs
    # track embedder weights (TrackEmbedder ~ embedding table lookup)
    table = jax.random.normal(k4, (VOCAB, DIM), dtype=jnp.float32) * 0.02
    return {"hidden": hidden, "y": y, "table": table, "sampling_probs": probs}


def reference(hidden, y, table, sampling_probs):
    # loss() path of SampledSoftmaxPredictionHead (train_mask=None)
    hidden = hidden.reshape(-1, hidden.shape[-1])
    y = y.reshape(-1)
    mask = y != 0
    # Sampler.forward: torch.multinomial(probs, N_NEG, replacement=True)
    # implemented via inverse-CDF sampling (faithful to multinomial w/ replacement)
    cdf = jnp.cumsum(sampling_probs)
    u = jax.random.uniform(jax.random.key(42), (N_NEG,), dtype=jnp.float32)
    sampled_indices = jnp.clip(jnp.searchsorted(cdf, u), 0, VOCAB - 1)
    true_probs = sampling_probs[y]
    sample_probs = sampling_probs[sampled_indices]
    # embedding gathers
    e_pos = jnp.take(table, y, axis=0)
    e_neg = jnp.take(table, sampled_indices, axis=0)
    pos_logits = (hidden * e_pos).sum(axis=1)
    neg_logits = hidden @ e_neg.T
    collision_mask = y[:, None] == sampled_indices[None, :]
    neg_logits = jnp.where(collision_mask, -1e9, neg_logits)
    # SampledSoftmaxLoss
    pos_logits = pos_logits / TEMP - jnp.log(true_probs + 1e-10)
    neg_logits = neg_logits / TEMP - jnp.log(sample_probs[None, :] + 1e-10)
    logits = jnp.concatenate([pos_logits[:, None], neg_logits], axis=1)
    # cross_entropy with labels all-zero -> mean(logsumexp - logits[:,0])
    lse = jax.scipy.special.logsumexp(logits, axis=1)
    per_row = lse - logits[:, 0]
    maskf = mask.astype(per_row.dtype)
    loss = jnp.sum(per_row * maskf) / jnp.sum(maskf)
    return loss

if __name__ == "__main__":
    import jax
    _d = setup_inputs()
    print(jax.jit(kernel)(*tuple(_d.values())))

</pallas_src>

<mosaic_0001>
#map = affine_map<(d0, d1) -> (0, 0)>
#map1 = affine_map<(d0, d1) -> (0)>
module attributes {stable_mosaic.version = 14 : i64} {
  func.func @k(%arg0: i32, %arg1: i32, %arg2: memref<1015808x32xf32, #tpu.memory_space<hbm>>, %arg3: memref<16384xi32, #tpu.memory_space<hbm>>, %arg4: memref<4096xi32, #tpu.memory_space<hbm>>, %arg5: memref<4096x32xf32, #tpu.memory_space<hbm>>, %arg6: memref<16384x32xf32, #tpu.memory_space<hbm>>, %arg7: memref<128xi32, #tpu.memory_space<vmem>>, %arg8: memref<128x32xf32, #tpu.memory_space<vmem>>, %arg9: memref<512xi32, #tpu.memory_space<vmem>>, %arg10: memref<512x32xf32, #tpu.memory_space<vmem>>, %arg11: memref<!tpu.dma_semaphore, #tpu.memory_space<semaphore_mem>>) attributes {dimension_semantics = [#tpu.dimension_semantics<core_parallel>, #tpu.dimension_semantics<subcore_parallel>], iteration_bounds = array<i64: 2, 16>, scalar_prefetch = 0 : i64, scratch_operands = 5 : i64, tpu.core_type = #tpu.core_type<sc_vector_subcore>, window_params = [{transform_indices = #map}, {transform_indices = #map1}, {transform_indices = #map1}, {transform_indices = #map}, {transform_indices = #map}]} {
    %mul3A = arith.constant 2 : i32
    %mul3A_0 = arith.muli %arg1, %mul3A : i32
    %add3A = arith.addi %mul3A_0, %arg0 : i32
    %mul3A_1 = arith.constant 128 : i32
    %mul3A_2 = arith.muli %add3A, %mul3A_1 : i32
    "tpu.region"() ({
      %run_scoped3A = tpu.sem_alloc : memref<!tpu.dma_semaphore, #tpu.memory_space<semaphore_mem>>
      %dma_start3A_90 = tpu.memref_slice %arg4[%mul3A_2] : memref<4096xi32, #tpu.memory_space<hbm>> -> memref<128xi32, #tpu.memory_space<hbm>>
      %dma_start3A_91 = tpu.memref_slice %arg4[%mul3A_2] : memref<4096xi32, #tpu.memory_space<hbm>> -> memref<128xi32, #tpu.memory_space<hbm>>
      tpu.enqueue_dma source(%dma_start3A_91 : memref<128xi32, #tpu.memory_space<hbm>>) target(%arg7 : memref<128xi32, #tpu.memory_space<vmem>>) target_semaphore(%run_scoped3A : memref<!tpu.dma_semaphore, #tpu.memory_space<semaphore_mem>>)
      %dma_wait3A_92 = tpu.memref_slice %arg4[%mul3A_2] : memref<4096xi32, #tpu.memory_space<hbm>> -> memref<128xi32, #tpu.memory_space<hbm>>
      %dma_wait3A_93 = tpu.memref_slice %arg4[%mul3A_2] : memref<4096xi32, #tpu.memory_space<hbm>> -> memref<128xi32, #tpu.memory_space<hbm>>
      tpu.wait_dma2 semaphore(%run_scoped3A : memref<!tpu.dma_semaphore, #tpu.memory_space<semaphore_mem>>) src(%dma_wait3A_93 : memref<128xi32, #tpu.memory_space<hbm>>) dst(%arg7 : memref<128xi32, #tpu.memory_space<vmem>>)
      tpu.yield
    }) : () -> ()
    %scan3A = arith.constant 0 : i32
    %scan3A_3 = arith.constant 0 : i32
    %scan3A_4 = arith.constant 8 : i32
    %scan3A_5 = arith.addi %scan3A_3, %scan3A_4 : i32
    %scan3A_6 = arith.constant 1 : i32
    %scan3A_7 = scf.for %scan3A_90 = %scan3A_3 to %scan3A_5 step %scan3A_6 iter_args(%scan3A_91 = %scan3A) -> (i32)  : i32 {
      %mul3A_92 = arith.constant 16 : i32
      %mul3A_93 = arith.muli %scan3A_90, %mul3A_92 : i32
      %get3A = arith.index_cast %mul3A_93 : i32 to index
      %get3A_94 = tpu.vector_load %arg7[%get3A] {strides = array<i32>} : memref<128xi32, #tpu.memory_space<vmem>>, vector<16xi32>,
      %and3A = arith.constant -32768 : i32
      %and3A_95 = vector.broadcast %and3A : i32 to vector<16xi32>
      %and3A_96 = arith.andi %get3A_94, %and3A_95 : vector<16xi32>
      %and3A_97 = arith.constant 8191 : i32
      %and3A_98 = vector.broadcast %and3A_97 : i32 to vector<16xi32>
      %and3A_99 = arith.andi %get3A_94, %and3A_98 : vector<16xi32>
      %shift_right_logical3A = arith.constant 13 : i32
      %shift_right_logical3A_100 = vector.broadcast %shift_right_logical3A : i32 to vector<16xi32>
      %shift_right_logical3A_101 = arith.shrui %get3A_94, %shift_right_logical3A_100 : vector<16xi32>
      %and3A_102 = arith.constant 3 : i32
      %and3A_103 = vector.broadcast %and3A_102 : i32 to vector<16xi32>
      %and3A_104 = arith.andi %shift_right_logical3A_101, %and3A_103 : vector<16xi32>
      %shift_left3A = arith.constant 2 : i32
      %shift_left3A_105 = vector.broadcast %shift_left3A : i32 to vector<16xi32>
      %shift_left3A_106 = arith.shli %and3A_99, %shift_left3A_105 : vector<16xi32>
      %add3A_107 = arith.addi %and3A_96, %shift_left3A_106 : vector<16xi32>
      %add3A_108 = arith.addi %add3A_107, %and3A_104 : vector<16xi32>
      %mul3A_109 = arith.constant 16 : i32
      %mul3A_110 = arith.muli %scan3A_90, %mul3A_109 : i32
      %swap3A = arith.index_cast %mul3A_110 : i32 to index
      %swap3A_111 = tpu.vector_load %arg7[%swap3A] {strides = array<i32>} : memref<128xi32, #tpu.memory_space<vmem>>, vector<16xi32>,
      tpu.vector_store %arg7[%swap3A], %add3A_108 {strides = array<i32>} : memref<128xi32, #tpu.memory_space<vmem>>, vector<16xi32>,
      %scan3A_112 = arith.constant 0 : i32
      scf.yield %scan3A_112 : i32
    }
    %scan3A_8 = arith.constant 8 : i32
    %dma_start3A = arith.constant 0 : i32
    %dma_start3A_9 = arith.constant 0 : i32
    %dma_start3A_10 = tpu.memref_slice %arg2[%dma_start3A, %dma_start3A_9] : memref<1015808x32xf32, #tpu.memory_space<hbm>> -> memref<1015808x32xf32, #tpu.memory_space<hbm>>
    tpu.enqueue_indirect_dma source(%dma_start3A_10 : memref<1015808x32xf32, #tpu.memory_space<hbm>>) target(%arg8 : memref<128x32xf32, #tpu.memory_space<vmem>>) offsets(%arg7 : memref<128xi32, #tpu.memory_space<vmem>>) semaphore(%arg11 : memref<!tpu.dma_semaphore, #tpu.memory_space<semaphore_mem>>)
    %dma_wait3A = arith.constant 0 : i32
    %dma_wait3A_11 = arith.constant 0 : i32
    %dma_wait3A_12 = tpu.memref_slice %arg2[%dma_wait3A, %dma_wait3A_11] : memref<1015808x32xf32, #tpu.memory_space<hbm>> -> memref<1015808x32xf32, #tpu.memory_space<hbm>>
    tpu.wait_indirect_dma semaphore(%arg11 : memref<!tpu.dma_semaphore, #tpu.memory_space<semaphore_mem>>) src(%dma_wait3A_12 : memref<1015808x32xf32, #tpu.memory_space<hbm>>) dst(%arg8 : memref<128x32xf32, #tpu.memory_space<vmem>>)
    %mul3A_13 = arith.constant 128 : i32
    %mul3A_14 = arith.muli %add3A, %mul3A_13 : i32
    "tpu.region"() ({
      %run_scoped3A = tpu.sem_alloc : memref<!tpu.dma_semaphore, #tpu.memory_space<semaphore_mem>>
      %dma_start3A_90 = arith.constant 0 : i32
      %dma_start3A_91 = tpu.memref_slice %arg5[%mul3A_14, %dma_start3A_90] : memref<4096x32xf32, #tpu.memory_space<hbm>> -> memref<128x32xf32, #tpu.memory_space<hbm>>
      %dma_start3A_92 = arith.constant 0 : i32
      %dma_start3A_93 = tpu.memref_slice %arg5[%mul3A_14, %dma_start3A_92] : memref<4096x32xf32, #tpu.memory_space<hbm>> -> memref<128x32xf32, #tpu.memory_space<hbm>>
      tpu.enqueue_dma source(%arg8 : memref<128x32xf32, #tpu.memory_space<vmem>>) target(%dma_start3A_93 : memref<128x32xf32, #tpu.memory_space<hbm>>) target_semaphore(%run_scoped3A : memref<!tpu.dma_semaphore, #tpu.memory_space<semaphore_mem>>)
      %dma_wait3A_94 = arith.constant 0 : i32
      %dma_wait3A_95 = tpu.memref_slice %arg5[%mul3A_14, %dma_wait3A_94] : memref<4096x32xf32, #tpu.memory_space<hbm>> -> memref<128x32xf32, #tpu.memory_space<hbm>>
      %dma_wait3A_96 = arith.constant 0 : i32
      %dma_wait3A_97 = tpu.memref_slice %arg5[%mul3A_14, %dma_wait3A_96] : memref<4096x32xf32, #tpu.memory_space<hbm>> -> memref<128x32xf32, #tpu.memory_space<hbm>>
      tpu.wait_dma2 semaphore(%run_scoped3A : memref<!tpu.dma_semaphore, #tpu.memory_space<semaphore_mem>>) src(%arg8 : memref<128x32xf32, #tpu.memory_space<vmem>>) dst(%dma_wait3A_97 : memref<128x32xf32, #tpu.memory_space<hbm>>)
      tpu.yield
    }) : () -> ()
    %mul3A_15 = arith.constant 512 : i32
    %mul3A_16 = arith.muli %add3A, %mul3A_15 : i32
    "tpu.region"() ({
      %run_scoped3A = tpu.sem_alloc : memref<!tpu.dma_semaphore, #tpu.memory_space<semaphore_mem>>
      %dma_start3A_90 = tpu.memref_slice %arg3[%mul3A_16] : memref<16384xi32, #tpu.memory_space<hbm>> -> memref<512xi32, #tpu.memory_space<hbm>>
      %dma_start3A_91 = tpu.memref_slice %arg3[%mul3A_16] : memref<16384xi32, #tpu.memory_space<hbm>> -> memref<512xi32, #tpu.memory_space<hbm>>
      tpu.enqueue_dma source(%dma_start3A_91 : memref<512xi32, #tpu.memory_space<hbm>>) target(%arg9 : memref<512xi32, #tpu.memory_space<vmem>>) target_semaphore(%run_scoped3A : memref<!tpu.dma_semaphore, #tpu.memory_space<semaphore_mem>>)
      %dma_wait3A_92 = tpu.memref_slice %arg3[%mul3A_16] : memref<16384xi32, #tpu.memory_space<hbm>> -> memref<512xi32, #tpu.memory_space<hbm>>
      %dma_wait3A_93 = tpu.memref_slice %arg3[%mul3A_16] : memref<16384xi32, #tpu.memory_space<hbm>> -> memref<512xi32, #tpu.memory_space<hbm>>
      tpu.wait_dma2 semaphore(%run_scoped3A : memref<!tpu.dma_semaphore, #tpu.memory_space<semaphore_mem>>) src(%dma_wait3A_93 : memref<512xi32, #tpu.memory_space<hbm>>) dst(%arg9 : memref<512xi32, #tpu.memory_space<vmem>>)
      tpu.yield
    }) : () -> ()
    %scan3A_17 = arith.constant 0 : i32
    %scan3A_18 = arith.constant 0 : i32
    %scan3A_19 = arith.constant 32 : i32
    %scan3A_20 = arith.addi %scan3A_18, %scan3A_19 : i32
    %scan3A_21 = arith.constant 1 : i32
    %scan3A_22 = scf.for %scan3A_90 = %scan3A_18 to %scan3A_20 step %scan3A_21 iter_args(%scan3A_91 = %scan3A_17) -> (i32)  : i32 {
      %mul3A_92 = arith.constant 16 : i32
      %mul3A_93 = arith.muli %scan3A_90, %mul3A_92 : i32
      %get3A = arith.index_cast %mul3A_93 : i32 to index
      %get3A_94 = tpu.vector_load %arg9[%get3A] {strides = array<i32>} : memref<512xi32, #tpu.memory_space<vmem>>, vector<16xi32>,
      %and3A = arith.constant -32768 : i32
      %and3A_95 = vector.broadcast %and3A : i32 to vector<16xi32>
      %and3A_96 = arith.andi %get3A_94, %and3A_95 : vector<16xi32>
      %and3A_97 = arith.constant 8191 : i32
      %and3A_98 = vector.broadcast %and3A_97 : i32 to vector<16xi32>
      %and3A_99 = arith.andi %get3A_94, %and3A_98 : vector<16xi32>
      %shift_right_logical3A = arith.constant 13 : i32
      %shift_right_logical3A_100 = vector.broadcast %shift_right_logical3A : i32 to vector<16xi32>
      %shift_right_logical3A_101 = arith.shrui %get3A_94, %shift_right_logical3A_100 : vector<16xi32>
      %and3A_102 = arith.constant 3 : i32
      %and3A_103 = vector.broadcast %and3A_102 : i32 to vector<16xi32>
      %and3A_104 = arith.andi %shift_right_logical3A_101, %and3A_103 : vector<16xi32>
      %shift_left3A = arith.constant 2 : i32
      %shift_left3A_105 = vector.broadcast %shift_left3A : i32 to vector<16xi32>
      %shift_left3A_106 = arith.shli %and3A_99, %shift_left3A_105 : vector<16xi32>
      %add3A_107 = arith.addi %and3A_96, %shift_left3A_106 : vector<16xi32>
      %add3A_108 = arith.addi %add3A_107, %and3A_104 : vector<16xi32>
      %mul3A_109 = arith.constant 16 : i32
      %mul3A_110 = arith.muli %scan3A_90, %mul3A_109 : i32
      %swap3A = arith.index_cast %mul3A_110 : i32 to index
      %swap3A_111 = tpu.vector_load %arg9[%swap3A] {strides = array<i32>} : memref<512xi32, #tpu.memory_space<vmem>>, vector<16xi32>,
      tpu.vector_store %arg9[%swap3A], %add3A_108 {strides = array<i32>} : memref<512xi32, #tpu.memory_space<vmem>>, vector<16xi32>,
      %scan3A_112 = arith.constant 0 : i32
      scf.yield %scan3A_112 : i32
    }
    %scan3A_23 = arith.constant 32 : i32
    %dma_start3A_24 = arith.constant 0 : i32
    %dma_start3A_25 = arith.constant 0 : i32
    %dma_start3A_26 = tpu.memref_slice %arg10[%dma_start3A_24, %dma_start3A_25] : memref<512x32xf32, #tpu.memory_space<vmem>> -> memref<128x32xf32, #tpu.memory_space<vmem>>
    %dma_start3A_27 = arith.constant 0 : i32
    %dma_start3A_28 = tpu.memref_slice %arg9[%dma_start3A_27] : memref<512xi32, #tpu.memory_space<vmem>> -> memref<128xi32, #tpu.memory_space<vmem>>
    %dma_start3A_29 = arith.constant 0 : i32
    %dma_start3A_30 = arith.constant 0 : i32
    %dma_start3A_31 = tpu.memref_slice %arg2[%dma_start3A_29, %dma_start3A_30] : memref<1015808x32xf32, #tpu.memory_space<hbm>> -> memref<1015808x32xf32, #tpu.memory_space<hbm>>
    tpu.enqueue_indirect_dma source(%dma_start3A_31 : memref<1015808x32xf32, #tpu.memory_space<hbm>>) target(%dma_start3A_26 : memref<128x32xf32, #tpu.memory_space<vmem>>) offsets(%dma_start3A_28 : memref<128xi32, #tpu.memory_space<vmem>>) semaphore(%arg11 : memref<!tpu.dma_semaphore, #tpu.memory_space<semaphore_mem>>)
    %dma_wait3A_32 = arith.constant 0 : i32
    %dma_wait3A_33 = arith.constant 0 : i32
    %dma_wait3A_34 = tpu.memref_slice %arg10[%dma_wait3A_32, %dma_wait3A_33] : memref<512x32xf32, #tpu.memory_space<vmem>> -> memref<128x32xf32, #tpu.memory_space<vmem>>
    %dma_wait3A_35 = arith.constant 0 : i32
    %dma_wait3A_36 = tpu.memref_slice %arg9[%dma_wait3A_35] : memref<512xi32, #tpu.memory_space<vmem>> -> memref<128xi32, #tpu.memory_space<vmem>>
    %dma_wait3A_37 = arith.constant 0 : i32
    %dma_wait3A_38 = arith.constant 0 : i32
    %dma_wait3A_39 = tpu.memref_slice %arg2[%dma_wait3A_37, %dma_wait3A_38] : memref<1015808x32xf32, #tpu.memory_space<hbm>> -> memref<1015808x32xf32, #tpu.memory_space<hbm>>
    tpu.wait_indirect_dma semaphore(%arg11 : memref<!tpu.dma_semaphore, #tpu.memory_space<semaphore_mem>>) src(%dma_wait3A_39 : memref<1015808x32xf32, #tpu.memory_space<hbm>>) dst(%dma_wait3A_34 : memref<128x32xf32, #tpu.memory_space<vmem>>)
    %dma_start3A_40 = arith.constant 128 : i32
    %dma_start3A_41 = arith.constant 0 : i32
    %dma_start3A_42 = tpu.memref_slice %arg10[%dma_start3A_40, %dma_start3A_41] : memref<512x32xf32, #tpu.memory_space<vmem>> -> memref<128x32xf32, #tpu.memory_space<vmem>>
    %dma_start3A_43 = arith.constant 128 : i32
    %dma_start3A_44 = tpu.memref_slice %arg9[%dma_start3A_43] : memref<512xi32, #tpu.memory_space<vmem>> -> memref<128xi32, #tpu.memory_space<vmem>>
    %dma_start3A_45 = arith.constant 0 : i32
    %dma_start3A_46 = arith.constant 0 : i32
    %dma_start3A_47 = tpu.memref_slice %arg2[%dma_start3A_45, %dma_start3A_46] : memref<1015808x32xf32, #tpu.memory_space<hbm>> -> memref<1015808x32xf32, #tpu.memory_space<hbm>>
    tpu.enqueue_indirect_dma source(%dma_start3A_47 : memref<1015808x32xf32, #tpu.memory_space<hbm>>) target(%dma_start3A_42 : memref<128x32xf32, #tpu.memory_space<vmem>>) offsets(%dma_start3A_44 : memref<128xi32, #tpu.memory_space<vmem>>) semaphore(%arg11 : memref<!tpu.dma_semaphore, #tpu.memory_space<semaphore_mem>>)
    %dma_wait3A_48 = arith.constant 128 : i32
    %dma_wait3A_49 = arith.constant 0 : i32
    %dma_wait3A_50 = tpu.memref_slice %arg10[%dma_wait3A_48, %dma_wait3A_49] : memref<512x32xf32, #tpu.memory_space<vmem>> -> memref<128x32xf32, #tpu.memory_space<vmem>>
    %dma_wait3A_51 = arith.constant 128 : i32
    %dma_wait3A_52 = tpu.memref_slice %arg9[%dma_wait3A_51] : memref<512xi32, #tpu.memory_space<vmem>> -> memref<128xi32, #tpu.memory_space<vmem>>
    %dma_wait3A_53 = arith.constant 0 : i32
    %dma_wait3A_54 = arith.constant 0 : i32
    %dma_wait3A_55 = tpu.memref_slice %arg2[%dma_wait3A_53, %dma_wait3A_54] : memref<1015808x32xf32, #tpu.memory_space<hbm>> -> memref<1015808x32xf32, #tpu.memory_space<hbm>>
    tpu.wait_indirect_dma semaphore(%arg11 : memref<!tpu.dma_semaphore, #tpu.memory_space<semaphore_mem>>) src(%dma_wait3A_55 : memref<1015808x32xf32, #tpu.memory_space<hbm>>) dst(%dma_wait3A_50 : memref<128x32xf32, #tpu.memory_space<vmem>>)
    %dma_start3A_56 = arith.constant 256 : i32
    %dma_start3A_57 = arith.constant 0 : i32
    %dma_start3A_58 = tpu.memref_slice %arg10[%dma_start3A_56, %dma_start3A_57] : memref<512x32xf32, #tpu.memory_space<vmem>> -> memref<128x32xf32, #tpu.memory_space<vmem>>
    %dma_start3A_59 = arith.constant 256 : i32
    %dma_start3A_60 = tpu.memref_slice %arg9[%dma_start3A_59] : memref<512xi32, #tpu.memory_space<vmem>> -> memref<128xi32, #tpu.memory_space<vmem>>
    %dma_start3A_61 = arith.constant 0 : i32
    %dma_start3A_62 = arith.constant 0 : i32
    %dma_start3A_63 = tpu.memref_slice %arg2[%dma_start3A_61, %dma_start3A_62] : memref<1015808x32xf32, #tpu.memory_space<hbm>> -> memref<1015808x32xf32, #tpu.memory_space<hbm>>
    tpu.enqueue_indirect_dma source(%dma_start3A_63 : memref<1015808x32xf32, #tpu.memory_space<hbm>>) target(%dma_start3A_58 : memref<128x32xf32, #tpu.memory_space<vmem>>) offsets(%dma_start3A_60 : memref<128xi32, #tpu.memory_space<vmem>>) semaphore(%arg11 : memref<!tpu.dma_semaphore, #tpu.memory_space<semaphore_mem>>)
    %dma_wait3A_64 = arith.constant 256 : i32
    %dma_wait3A_65 = arith.constant 0 : i32
    %dma_wait3A_66 = tpu.memref_slice %arg10[%dma_wait3A_64, %dma_wait3A_65] : memref<512x32xf32, #tpu.memory_space<vmem>> -> memref<128x32xf32, #tpu.memory_space<vmem>>
    %dma_wait3A_67 = arith.constant 256 : i32
    %dma_wait3A_68 = tpu.memref_slice %arg9[%dma_wait3A_67] : memref<512xi32, #tpu.memory_space<vmem>> -> memref<128xi32, #tpu.memory_space<vmem>>
    %dma_wait3A_69 = arith.constant 0 : i32
    %dma_wait3A_70 = arith.constant 0 : i32
    %dma_wait3A_71 = tpu.memref_slice %arg2[%dma_wait3A_69, %dma_wait3A_70] : memref<1015808x32xf32, #tpu.memory_space<hbm>> -> memref<1015808x32xf32, #tpu.memory_space<hbm>>
    tpu.wait_indirect_dma semaphore(%arg11 : memref<!tpu.dma_semaphore, #tpu.memory_space<semaphore_mem>>) src(%dma_wait3A_71 : memref<1015808x32xf32, #tpu.memory_space<hbm>>) dst(%dma_wait3A_66 : memref<128x32xf32, #tpu.memory_space<vmem>>)
    %dma_start3A_72 = arith.constant 384 : i32
    %dma_start3A_73 = arith.constant 0 : i32
    %dma_start3A_74 = tpu.memref_slice %arg10[%dma_start3A_72, %dma_start3A_73] : memref<512x32xf32, #tpu.memory_space<vmem>> -> memref<128x32xf32, #tpu.memory_space<vmem>>
    %dma_start3A_75 = arith.constant 384 : i32
    %dma_start3A_76 = tpu.memref_slice %arg9[%dma_start3A_75] : memref<512xi32, #tpu.memory_space<vmem>> -> memref<128xi32, #tpu.memory_space<vmem>>
    %dma_start3A_77 = arith.constant 0 : i32
    %dma_start3A_78 = arith.constant 0 : i32
    %dma_start3A_79 = tpu.memref_slice %arg2[%dma_start3A_77, %dma_start3A_78] : memref<1015808x32xf32, #tpu.memory_space<hbm>> -> memref<1015808x32xf32, #tpu.memory_space<hbm>>
    tpu.enqueue_indirect_dma source(%dma_start3A_79 : memref<1015808x32xf32, #tpu.memory_space<hbm>>) target(%dma_start3A_74 : memref<128x32xf32, #tpu.memory_space<vmem>>) offsets(%dma_start3A_76 : memref<128xi32, #tpu.memory_space<vmem>>) semaphore(%arg11 : memref<!tpu.dma_semaphore, #tpu.memory_space<semaphore_mem>>)
    %dma_wait3A_80 = arith.constant 384 : i32
    %dma_wait3A_81 = arith.constant 0 : i32
    %dma_wait3A_82 = tpu.memref_slice %arg10[%dma_wait3A_80, %dma_wait3A_81] : memref<512x32xf32, #tpu.memory_space<vmem>> -> memref<128x32xf32, #tpu.memory_space<vmem>>
    %dma_wait3A_83 = arith.constant 384 : i32
    %dma_wait3A_84 = tpu.memref_slice %arg9[%dma_wait3A_83] : memref<512xi32, #tpu.memory_space<vmem>> -> memref<128xi32, #tpu.memory_space<vmem>>
    %dma_wait3A_85 = arith.constant 0 : i32
    %dma_wait3A_86 = arith.constant 0 : i32
    %dma_wait3A_87 = tpu.memref_slice %arg2[%dma_wait3A_85, %dma_wait3A_86] : memref<1015808x32xf32, #tpu.memory_space<hbm>> -> memref<1015808x32xf32, #tpu.memory_space<hbm>>
    tpu.wait_indirect_dma semaphore(%arg11 : memref<!tpu.dma_semaphore, #tpu.memory_space<semaphore_mem>>) src(%dma_wait3A_87 : memref<1015808x32xf32, #tpu.memory_space<hbm>>) dst(%dma_wait3A_82 : memref<128x32xf32, #tpu.memory_space<vmem>>)
    %mul3A_88 = arith.constant 512 : i32
    %mul3A_89 = arith.muli %add3A, %mul3A_88 : i32
    "tpu.region"() ({
      %run_scoped3A = tpu.sem_alloc : memref<!tpu.dma_semaphore, #tpu.memory_space<semaphore_mem>>
      %dma_start3A_90 = arith.constant 0 : i32
      %dma_start3A_91 = tpu.memref_slice %arg6[%mul3A_89, %dma_start3A_90] : memref<16384x32xf32, #tpu.memory_space<hbm>> -> memref<512x32xf32, #tpu.memory_space<hbm>>
      %dma_start3A_92 = arith.constant 0 : i32
      %dma_start3A_93 = tpu.memref_slice %arg6[%mul3A_89, %dma_start3A_92] : memref<16384x32xf32, #tpu.memory_space<hbm>> -> memref<512x32xf32, #tpu.memory_space<hbm>>
      tpu.enqueue_dma source(%arg10 : memref<512x32xf32, #tpu.memory_space<vmem>>) target(%dma_start3A_93 : memref<512x32xf32, #tpu.memory_space<hbm>>) target_semaphore(%run_scoped3A : memref<!tpu.dma_semaphore, #tpu.memory_space<semaphore_mem>>)
      %dma_wait3A_94 = arith.constant 0 : i32
      %dma_wait3A_95 = tpu.memref_slice %arg6[%mul3A_89, %dma_wait3A_94] : memref<16384x32xf32, #tpu.memory_space<hbm>> -> memref<512x32xf32, #tpu.memory_space<hbm>>
      %dma_wait3A_96 = arith.constant 0 : i32
      %dma_wait3A_97 = tpu.memref_slice %arg6[%mul3A_89, %dma_wait3A_96] : memref<16384x32xf32, #tpu.memory_space<hbm>> -> memref<512x32xf32, #tpu.memory_space<hbm>>
      tpu.wait_dma2 semaphore(%run_scoped3A : memref<!tpu.dma_semaphore, #tpu.memory_space<semaphore_mem>>) src(%arg10 : memref<512x32xf32, #tpu.memory_space<vmem>>) dst(%dma_wait3A_97 : memref<512x32xf32, #tpu.memory_space<hbm>>)
      tpu.yield
    }) : () -> ()
    return
  }
}

#map = affine_map<(d0, d1) -> (0, 0)>
#map1 = affine_map<(d0, d1) -> (0, 0, 0)>
#map2 = affine_map<(d0, d1) -> (0)>
module attributes {stable_mosaic.version = 14 : i64} {
  func.func @k(%arg0: i32, %arg1: i32, %arg2: memref<8192x128xf32, #tpu.memory_space<hbm>>, %arg3: memref<16x128x512xf32, #tpu.memory_space<hbm>>, %arg4: memref<4096xf32, #tpu.memory_space<hbm>>, %arg5: memref<16384xi32, #tpu.memory_space<hbm>>, %arg6: memref<1000000xf32, #tpu.memory_space<hbm>>, %arg7: memref<4096xi32, #tpu.memory_space<hbm>>, %arg8: memref<4096xf32, #tpu.memory_space<hbm>>, %arg9: memref<16384xf32, #tpu.memory_space<hbm>>, %arg10: memref<32x512xf32, #tpu.memory_space<vmem>>, %arg11: memref<512xf32, #tpu.memory_space<vmem>>, %arg12: memref<8192xf32, #tpu.memory_space<vmem_shared>>, %arg13: memref<8192xf32, #tpu.memory_space<vmem>>, %arg14: memref<128xf32, #tpu.memory_space<vmem>>, %arg15: memref<128xf32, #tpu.memory_space<vmem>>, %arg16: memref<128xf32, #tpu.memory_space<vmem>>, %arg17: memref<128xi32, #tpu.memory_space<vmem>>, %arg18: memref<128xf32, #tpu.memory_space<vmem>>, %arg19: memref<128x128xf32, #tpu.memory_space<vmem>>, %arg20: memref<128xi32, #tpu.memory_space<vmem>>, %arg21: memref<128xf32, #tpu.memory_space<vmem>>, %arg22: memref<512xi32, #tpu.memory_space<vmem>>, %arg23: memref<512xf32, #tpu.memory_space<vmem>>, %arg24: memref<!tpu.dma_semaphore, #tpu.memory_space<semaphore_mem>>) attributes {dimension_semantics = [#tpu.dimension_semantics<core_parallel>, #tpu.dimension_semantics<subcore_parallel>], iteration_bounds = array<i64: 2, 16>, scalar_prefetch = 0 : i64, scratch_operands = 15 : i64, tpu.core_type = #tpu.core_type<sc_vector_subcore>, window_params = [{transform_indices = #map}, {transform_indices = #map1}, {transform_indices = #map2}, {transform_indices = #map2}, {transform_indices = #map2}, {transform_indices = #map2}, {transform_indices = #map2}, {transform_indices = #map2}]} {
    %mul3A = arith.constant 2 : i32
    %mul3A_0 = arith.muli %arg1, %mul3A : i32
    %add3A = arith.addi %mul3A_0, %arg0 : i32
    "tpu.region"() ({
      %run_scoped3A = tpu.sem_alloc : memref<!tpu.dma_semaphore, #tpu.memory_space<semaphore_mem>>
      %dma_start3A_207 = arith.constant 0 : i32
      %dma_start3A_208 = arith.constant 0 : i32
      %dma_start3A_209 = tpu.memref_slice %arg3[%arg1, %dma_start3A_207, %dma_start3A_208] : memref<16x128x512xf32, #tpu.memory_space<hbm>> -> memref<1x32x512xf32, #tpu.memory_space<hbm>>
      %dma_start3A_210 = tpu.memref_squeeze %dma_start3A_209 : memref<1x32x512xf32, #tpu.memory_space<hbm>> -> memref<32x512xf32, #tpu.memory_space<hbm>>
      %dma_start3A_211 = arith.constant 0 : i32
      %dma_start3A_212 = arith.constant 0 : i32
      %dma_start3A_213 = tpu.memref_slice %arg3[%arg1, %dma_start3A_211, %dma_start3A_212] : memref<16x128x512xf32, #tpu.memory_space<hbm>> -> memref<1x32x512xf32, #tpu.memory_space<hbm>>
      %dma_start3A_214 = tpu.memref_squeeze %dma_start3A_213 : memref<1x32x512xf32, #tpu.memory_space<hbm>> -> memref<32x512xf32, #tpu.memory_space<hbm>>
      tpu.enqueue_dma source(%dma_start3A_214 : memref<32x512xf32, #tpu.memory_space<hbm>>) target(%arg10 : memref<32x512xf32, #tpu.memory_space<vmem>>) target_semaphore(%run_scoped3A : memref<!tpu.dma_semaphore, #tpu.memory_space<semaphore_mem>>)
      %dma_wait3A_215 = arith.constant 0 : i32
      %dma_wait3A_216 = arith.constant 0 : i32
      %dma_wait3A_217 = tpu.memref_slice %arg3[%arg1, %dma_wait3A_215, %dma_wait3A_216] : memref<16x128x512xf32, #tpu.memory_space<hbm>> -> memref<1x32x512xf32, #tpu.memory_space<hbm>>
      %dma_wait3A_218 = tpu.memref_squeeze %dma_wait3A_217 : memref<1x32x512xf32, #tpu.memory_space<hbm>> -> memref<32x512xf32, #tpu.memory_space<hbm>>
      %dma_wait3A_219 = arith.constant 0 : i32
      %dma_wait3A_220 = arith.constant 0 : i32
      %dma_wait3A_221 = tpu.memref_slice %arg3[%arg1, %dma_wait3A_219, %dma_wait3A_220] : memref<16x128x512xf32, #tpu.memory_space<hbm>> -> memref<1x32x512xf32, #tpu.memory_space<hbm>>
      %dma_wait3A_222 = tpu.memref_squeeze %dma_wait3A_221 : memref<1x32x512xf32, #tpu.memory_space<hbm>> -> memref<32x512xf32, #tpu.memory_space<hbm>>
      tpu.wait_dma2 semaphore(%run_scoped3A : memref<!tpu.dma_semaphore, #tpu.memory_space<semaphore_mem>>) src(%dma_wait3A_222 : memref<32x512xf32, #tpu.memory_space<hbm>>) dst(%arg10 : memref<32x512xf32, #tpu.memory_space<vmem>>)
      tpu.yield
    }) : () -> ()
    %scan3A = arith.constant 0 : i32
    %scan3A_1 = arith.constant 0 : i32
    %scan3A_2 = arith.constant 32 : i32
    %scan3A_3 = arith.addi %scan3A_1, %scan3A_2 : i32
    %scan3A_4 = arith.constant 1 : i32
    %scan3A_5 = scf.for %scan3A_207 = %scan3A_1 to %scan3A_3 step %scan3A_4 iter_args(%scan3A_208 = %scan3A) -> (i32)  : i32 {
      %broadcast_in_dim3A_209 = arith.constant 0.000000e+00 : f32
      %broadcast_in_dim3A_210 = vector.broadcast %broadcast_in_dim3A_209 : f32 to vector<16xf32>
      %scan3A_211 = arith.constant 0 : i32
      %scan3A_212 = arith.constant 32 : i32
      %scan3A_213 = arith.addi %scan3A_211, %scan3A_212 : i32
      %scan3A_214 = arith.constant 1 : i32
      %scan3A_215 = scf.for %scan3A_222 = %scan3A_211 to %scan3A_213 step %scan3A_214 iter_args(%scan3A_223 = %broadcast_in_dim3A_210) -> (vector<16xf32>)  : i32 {
        %mul3A_224 = arith.constant 16 : i32
        %mul3A_225 = arith.muli %scan3A_207, %mul3A_224 : i32
        %get3A = arith.index_cast %scan3A_222 : i32 to index
        %get3A_226 = arith.index_cast %mul3A_225 : i32 to index
        %get3A_227 = tpu.vector_load %arg10[%get3A, %get3A_226] {strides = array<i32>} : memref<32x512xf32, #tpu.memory_space<vmem>>, vector<16xf32>,
        %add3A_228 = arith.addf %scan3A_223, %get3A_227 : vector<16xf32>
        scf.yield %add3A_228 : vector<16xf32>
      }
      %scan3A_216 = arith.constant 32 : i32
      %mul3A_217 = arith.constant 16 : i32
      %mul3A_218 = arith.muli %scan3A_207, %mul3A_217 : i32
      %swap3A_219 = arith.index_cast %mul3A_218 : i32 to index
      %swap3A_220 = tpu.vector_load %arg11[%swap3A_219] {strides = array<i32>} : memref<512xf32, #tpu.memory_space<vmem>>, vector<16xf32>,
      tpu.vector_store %arg11[%swap3A_219], %scan3A_215 {strides = array<i32>} : memref<512xf32, #tpu.memory_space<vmem>>, vector<16xf32>,
      %scan3A_221 = arith.constant 0 : i32
      scf.yield %scan3A_221 : i32
    }
    %scan3A_6 = arith.constant 32 : i32
    "tpu.region"() ({
      %run_scoped3A = tpu.sem_alloc : memref<!tpu.dma_semaphore, #tpu.memory_space<semaphore_mem>>
      %dma_start3A_207 = arith.constant 32 : i32
      %dma_start3A_208 = arith.constant 0 : i32
      %dma_start3A_209 = tpu.memref_slice %arg3[%arg1, %dma_start3A_207, %dma_start3A_208] : memref<16x128x512xf32, #tpu.memory_space<hbm>> -> memref<1x32x512xf32, #tpu.memory_space<hbm>>
      %dma_start3A_210 = tpu.memref_squeeze %dma_start3A_209 : memref<1x32x512xf32, #tpu.memory_space<hbm>> -> memref<32x512xf32, #tpu.memory_space<hbm>>
      %dma_start3A_211 = arith.constant 32 : i32
      %dma_start3A_212 = arith.constant 0 : i32
      %dma_start3A_213 = tpu.memref_slice %arg3[%arg1, %dma_start3A_211, %dma_start3A_212] : memref<16x128x512xf32, #tpu.memory_space<hbm>> -> memref<1x32x512xf32, #tpu.memory_space<hbm>>
      %dma_start3A_214 = tpu.memref_squeeze %dma_start3A_213 : memref<1x32x512xf32, #tpu.memory_space<hbm>> -> memref<32x512xf32, #tpu.memory_space<hbm>>
      tpu.enqueue_dma source(%dma_start3A_214 : memref<32x512xf32, #tpu.memory_space<hbm>>) target(%arg10 : memref<32x512xf32, #tpu.memory_space<vmem>>) target_semaphore(%run_scoped3A : memref<!tpu.dma_semaphore, #tpu.memory_space<semaphore_mem>>)
      %dma_wait3A_215 = arith.constant 32 : i32
      %dma_wait3A_216 = arith.constant 0 : i32
      %dma_wait3A_217 = tpu.memref_slice %arg3[%arg1, %dma_wait3A_215, %dma_wait3A_216] : memref<16x128x512xf32, #tpu.memory_space<hbm>> -> memref<1x32x512xf32, #tpu.memory_space<hbm>>
      %dma_wait3A_218 = tpu.memref_squeeze %dma_wait3A_217 : memref<1x32x512xf32, #tpu.memory_space<hbm>> -> memref<32x512xf32, #tpu.memory_space<hbm>>
      %dma_wait3A_219 = arith.constant 32 : i32
      %dma_wait3A_220 = arith.constant 0 : i32
      %dma_wait3A_221 = tpu.memref_slice %arg3[%arg1, %dma_wait3A_219, %dma_wait3A_220] : memref<16x128x512xf32, #tpu.memory_space<hbm>> -> memref<1x32x512xf32, #tpu.memory_space<hbm>>
      %dma_wait3A_222 = tpu.memref_squeeze %dma_wait3A_221 : memref<1x32x512xf32, #tpu.memory_space<hbm>> -> memref<32x512xf32, #tpu.memory_space<hbm>>
      tpu.wait_dma2 semaphore(%run_scoped3A : memref<!tpu.dma_semaphore, #tpu.memory_space<semaphore_mem>>) src(%dma_wait3A_222 : memref<32x512xf32, #tpu.memory_space<hbm>>) dst(%arg10 : memref<32x512xf32, #tpu.memory_space<vmem>>)
      tpu.yield
    }) : () -> ()
    %scan3A_7 = arith.constant 0 : i32
    %scan3A_8 = arith.constant 0 : i32
    %scan3A_9 = arith.constant 32 : i32
    %scan3A_10 = arith.addi %scan3A_8, %scan3A_9 : i32
    %scan3A_11 = arith.constant 1 : i32
    %scan3A_12 = scf.for %scan3A_207 = %scan3A_8 to %scan3A_10 step %scan3A_11 iter_args(%scan3A_208 = %scan3A_7) -> (i32)  : i32 {
      %mul3A_209 = arith.constant 16 : i32
      %mul3A_210 = arith.muli %scan3A_207, %mul3A_209 : i32
      %get3A = arith.index_cast %mul3A_210 : i32 to index
      %get3A_211 = tpu.vector_load %arg11[%get3A] {strides = array<i32>} : memref<512xf32, #tpu.memory_space<vmem>>, vector<16xf32>,
      %scan3A_212 = arith.constant 0 : i32
      %scan3A_213 = arith.constant 32 : i32
      %scan3A_214 = arith.addi %scan3A_212, %scan3A_213 : i32
      %scan3A_215 = arith.constant 1 : i32
      %scan3A_216 = scf.for %scan3A_223 = %scan3A_212 to %scan3A_214 step %scan3A_215 iter_args(%scan3A_224 = %get3A_211) -> (vector<16xf32>)  : i32 {
        %mul3A_225 = arith.constant 16 : i32
        %mul3A_226 = arith.muli %scan3A_207, %mul3A_225 : i32
        %get3A_227 = arith.index_cast %scan3A_223 : i32 to index
        %get3A_228 = arith.index_cast %mul3A_226 : i32 to index
        %get3A_229 = tpu.vector_load %arg10[%get3A_227, %get3A_228] {strides = array<i32>} : memref<32x512xf32, #tpu.memory_space<vmem>>, vector<16xf32>,
        %add3A_230 = arith.addf %scan3A_224, %get3A_229 : vector<16xf32>
        scf.yield %add3A_230 : vector<16xf32>
      }
      %scan3A_217 = arith.constant 32 : i32
      %mul3A_218 = arith.constant 16 : i32
      %mul3A_219 = arith.muli %scan3A_207, %mul3A_218 : i32
      %swap3A_220 = arith.index_cast %mul3A_219 : i32 to index
      %swap3A_221 = tpu.vector_load %arg11[%swap3A_220] {strides = array<i32>} : memref<512xf32, #tpu.memory_space<vmem>>, vector<16xf32>,
      tpu.vector_store %arg11[%swap3A_220], %scan3A_216 {strides = array<i32>} : memref<512xf32, #tpu.memory_space<vmem>>, vector<16xf32>,
      %scan3A_222 = arith.constant 0 : i32
      scf.yield %scan3A_222 : i32
    }
    %scan3A_13 = arith.constant 32 : i32
    "tpu.region"() ({
      %run_scoped3A = tpu.sem_alloc : memref<!tpu.dma_semaphore, #tpu.memory_space<semaphore_mem>>
      %dma_start3A_207 = arith.constant 64 : i32
      %dma_start3A_208 = arith.constant 0 : i32
      %dma_start3A_209 = tpu.memref_slice %arg3[%arg1, %dma_start3A_207, %dma_start3A_208] : memref<16x128x512xf32, #tpu.memory_space<hbm>> -> memref<1x32x512xf32, #tpu.memory_space<hbm>>
      %dma_start3A_210 = tpu.memref_squeeze %dma_start3A_209 : memref<1x32x512xf32, #tpu.memory_space<hbm>> -> memref<32x512xf32, #tpu.memory_space<hbm>>
      %dma_start3A_211 = arith.constant 64 : i32
      %dma_start3A_212 = arith.constant 0 : i32
      %dma_start3A_213 = tpu.memref_slice %arg3[%arg1, %dma_start3A_211, %dma_start3A_212] : memref<16x128x512xf32, #tpu.memory_space<hbm>> -> memref<1x32x512xf32, #tpu.memory_space<hbm>>
      %dma_start3A_214 = tpu.memref_squeeze %dma_start3A_213 : memref<1x32x512xf32, #tpu.memory_space<hbm>> -> memref<32x512xf32, #tpu.memory_space<hbm>>
      tpu.enqueue_dma source(%dma_start3A_214 : memref<32x512xf32, #tpu.memory_space<hbm>>) target(%arg10 : memref<32x512xf32, #tpu.memory_space<vmem>>) target_semaphore(%run_scoped3A : memref<!tpu.dma_semaphore, #tpu.memory_space<semaphore_mem>>)
      %dma_wait3A_215 = arith.constant 64 : i32
      %dma_wait3A_216 = arith.constant 0 : i32
      %dma_wait3A_217 = tpu.memref_slice %arg3[%arg1, %dma_wait3A_215, %dma_wait3A_216] : memref<16x128x512xf32, #tpu.memory_space<hbm>> -> memref<1x32x512xf32, #tpu.memory_space<hbm>>
      %dma_wait3A_218 = tpu.memref_squeeze %dma_wait3A_217 : memref<1x32x512xf32, #tpu.memory_space<hbm>> -> memref<32x512xf32, #tpu.memory_space<hbm>>
      %dma_wait3A_219 = arith.constant 64 : i32
      %dma_wait3A_220 = arith.constant 0 : i32
      %dma_wait3A_221 = tpu.memref_slice %arg3[%arg1, %dma_wait3A_219, %dma_wait3A_220] : memref<16x128x512xf32, #tpu.memory_space<hbm>> -> memref<1x32x512xf32, #tpu.memory_space<hbm>>
      %dma_wait3A_222 = tpu.memref_squeeze %dma_wait3A_221 : memref<1x32x512xf32, #tpu.memory_space<hbm>> -> memref<32x512xf32, #tpu.memory_space<hbm>>
      tpu.wait_dma2 semaphore(%run_scoped3A : memref<!tpu.dma_semaphore, #tpu.memory_space<semaphore_mem>>) src(%dma_wait3A_222 : memref<32x512xf32, #tpu.memory_space<hbm>>) dst(%arg10 : memref<32x512xf32, #tpu.memory_space<vmem>>)
      tpu.yield
    }) : () -> ()
    %scan3A_14 = arith.constant 0 : i32
    %scan3A_15 = arith.constant 0 : i32
    %scan3A_16 = arith.constant 32 : i32
    %scan3A_17 = arith.addi %scan3A_15, %scan3A_16 : i32
    %scan3A_18 = arith.constant 1 : i32
    %scan3A_19 = scf.for %scan3A_207 = %scan3A_15 to %scan3A_17 step %scan3A_18 iter_args(%scan3A_208 = %scan3A_14) -> (i32)  : i32 {
      %mul3A_209 = arith.constant 16 : i32
      %mul3A_210 = arith.muli %scan3A_207, %mul3A_209 : i32
      %get3A = arith.index_cast %mul3A_210 : i32 to index
      %get3A_211 = tpu.vector_load %arg11[%get3A] {strides = array<i32>} : memref<512xf32, #tpu.memory_space<vmem>>, vector<16xf32>,
      %scan3A_212 = arith.constant 0 : i32
      %scan3A_213 = arith.constant 32 : i32
      %scan3A_214 = arith.addi %scan3A_212, %scan3A_213 : i32
      %scan3A_215 = arith.constant 1 : i32
      %scan3A_216 = scf.for %scan3A_223 = %scan3A_212 to %scan3A_214 step %scan3A_215 iter_args(%scan3A_224 = %get3A_211) -> (vector<16xf32>)  : i32 {
        %mul3A_225 = arith.constant 16 : i32
        %mul3A_226 = arith.muli %scan3A_207, %mul3A_225 : i32
        %get3A_227 = arith.index_cast %scan3A_223 : i32 to index
        %get3A_228 = arith.index_cast %mul3A_226 : i32 to index
        %get3A_229 = tpu.vector_load %arg10[%get3A_227, %get3A_228] {strides = array<i32>} : memref<32x512xf32, #tpu.memory_space<vmem>>, vector<16xf32>,
        %add3A_230 = arith.addf %scan3A_224, %get3A_229 : vector<16xf32>
        scf.yield %add3A_230 : vector<16xf32>
      }
      %scan3A_217 = arith.constant 32 : i32
      %mul3A_218 = arith.constant 16 : i32
      %mul3A_219 = arith.muli %scan3A_207, %mul3A_218 : i32
      %swap3A_220 = arith.index_cast %mul3A_219 : i32 to index
      %swap3A_221 = tpu.vector_load %arg11[%swap3A_220] {strides = array<i32>} : memref<512xf32, #tpu.memory_space<vmem>>, vector<16xf32>,
      tpu.vector_store %arg11[%swap3A_220], %scan3A_216 {strides = array<i32>} : memref<512xf32, #tpu.memory_space<vmem>>, vector<16xf32>,
      %scan3A_222 = arith.constant 0 : i32
      scf.yield %scan3A_222 : i32
    }
    %scan3A_20 = arith.constant 32 : i32
    "tpu.region"() ({
      %run_scoped3A = tpu.sem_alloc : memref<!tpu.dma_semaphore, #tpu.memory_space<semaphore_mem>>
      %dma_start3A_207 = arith.constant 96 : i32
      %dma_start3A_208 = arith.constant 0 : i32
      %dma_start3A_209 = tpu.memref_slice %arg3[%arg1, %dma_start3A_207, %dma_start3A_208] : memref<16x128x512xf32, #tpu.memory_space<hbm>> -> memref<1x32x512xf32, #tpu.memory_space<hbm>>
      %dma_start3A_210 = tpu.memref_squeeze %dma_start3A_209 : memref<1x32x512xf32, #tpu.memory_space<hbm>> -> memref<32x512xf32, #tpu.memory_space<hbm>>
      %dma_start3A_211 = arith.constant 96 : i32
      %dma_start3A_212 = arith.constant 0 : i32
      %dma_start3A_213 = tpu.memref_slice %arg3[%arg1, %dma_start3A_211, %dma_start3A_212] : memref<16x128x512xf32, #tpu.memory_space<hbm>> -> memref<1x32x512xf32, #tpu.memory_space<hbm>>
      %dma_start3A_214 = tpu.memref_squeeze %dma_start3A_213 : memref<1x32x512xf32, #tpu.memory_space<hbm>> -> memref<32x512xf32, #tpu.memory_space<hbm>>
      tpu.enqueue_dma source(%dma_start3A_214 : memref<32x512xf32, #tpu.memory_space<hbm>>) target(%arg10 : memref<32x512xf32, #tpu.memory_space<vmem>>) target_semaphore(%run_scoped3A : memref<!tpu.dma_semaphore, #tpu.memory_space<semaphore_mem>>)
      %dma_wait3A_215 = arith.constant 96 : i32
      %dma_wait3A_216 = arith.constant 0 : i32
      %dma_wait3A_217 = tpu.memref_slice %arg3[%arg1, %dma_wait3A_215, %dma_wait3A_216] : memref<16x128x512xf32, #tpu.memory_space<hbm>> -> memref<1x32x512xf32, #tpu.memory_space<hbm>>
      %dma_wait3A_218 = tpu.memref_squeeze %dma_wait3A_217 : memref<1x32x512xf32, #tpu.memory_space<hbm>> -> memref<32x512xf32, #tpu.memory_space<hbm>>
      %dma_wait3A_219 = arith.constant 96 : i32
      %dma_wait3A_220 = arith.constant 0 : i32
      %dma_wait3A_221 = tpu.memref_slice %arg3[%arg1, %dma_wait3A_219, %dma_wait3A_220] : memref<16x128x512xf32, #tpu.memory_space<hbm>> -> memref<1x32x512xf32, #tpu.memory_space<hbm>>
      %dma_wait3A_222 = tpu.memref_squeeze %dma_wait3A_221 : memref<1x32x512xf32, #tpu.memory_space<hbm>> -> memref<32x512xf32, #tpu.memory_space<hbm>>
      tpu.wait_dma2 semaphore(%run_scoped3A : memref<!tpu.dma_semaphore, #tpu.memory_space<semaphore_mem>>) src(%dma_wait3A_222 : memref<32x512xf32, #tpu.memory_space<hbm>>) dst(%arg10 : memref<32x512xf32, #tpu.memory_space<vmem>>)
      tpu.yield
    }) : () -> ()
    %scan3A_21 = arith.constant 0 : i32
    %scan3A_22 = arith.constant 0 : i32
    %scan3A_23 = arith.constant 32 : i32
    %scan3A_24 = arith.addi %scan3A_22, %scan3A_23 : i32
    %scan3A_25 = arith.constant 1 : i32
    %scan3A_26 = scf.for %scan3A_207 = %scan3A_22 to %scan3A_24 step %scan3A_25 iter_args(%scan3A_208 = %scan3A_21) -> (i32)  : i32 {
      %mul3A_209 = arith.constant 16 : i32
      %mul3A_210 = arith.muli %scan3A_207, %mul3A_209 : i32
      %get3A = arith.index_cast %mul3A_210 : i32 to index
      %get3A_211 = tpu.vector_load %arg11[%get3A] {strides = array<i32>} : memref<512xf32, #tpu.memory_space<vmem>>, vector<16xf32>,
      %scan3A_212 = arith.constant 0 : i32
      %scan3A_213 = arith.constant 32 : i32
      %scan3A_214 = arith.addi %scan3A_212, %scan3A_213 : i32
      %scan3A_215 = arith.constant 1 : i32
      %scan3A_216 = scf.for %scan3A_223 = %scan3A_212 to %scan3A_214 step %scan3A_215 iter_args(%scan3A_224 = %get3A_211) -> (vector<16xf32>)  : i32 {
        %mul3A_225 = arith.constant 16 : i32
        %mul3A_226 = arith.muli %scan3A_207, %mul3A_225 : i32
        %get3A_227 = arith.index_cast %scan3A_223 : i32 to index
        %get3A_228 = arith.index_cast %mul3A_226 : i32 to index
        %get3A_229 = tpu.vector_load %arg10[%get3A_227, %get3A_228] {strides = array<i32>} : memref<32x512xf32, #tpu.memory_space<vmem>>, vector<16xf32>,
        %add3A_230 = arith.addf %scan3A_224, %get3A_229 : vector<16xf32>
        scf.yield %add3A_230 : vector<16xf32>
      }
      %scan3A_217 = arith.constant 32 : i32
      %mul3A_218 = arith.constant 16 : i32
      %mul3A_219 = arith.muli %scan3A_207, %mul3A_218 : i32
      %swap3A_220 = arith.index_cast %mul3A_219 : i32 to index
      %swap3A_221 = tpu.vector_load %arg11[%swap3A_220] {strides = array<i32>} : memref<512xf32, #tpu.memory_space<vmem>>, vector<16xf32>,
      tpu.vector_store %arg11[%swap3A_220], %scan3A_216 {strides = array<i32>} : memref<512xf32, #tpu.memory_space<vmem>>, vector<16xf32>,
      %scan3A_222 = arith.constant 0 : i32
      scf.yield %scan3A_222 : i32
    }
    %scan3A_27 = arith.constant 32 : i32
    %broadcast_in_dim3A = arith.constant 0.000000e+00 : f32
    %broadcast_in_dim3A_28 = vector.broadcast %broadcast_in_dim3A : f32 to vector<16xf32>
    %scan3A_29 = arith.constant 0 : i32
    %scan3A_30 = arith.constant 32 : i32
    %scan3A_31 = arith.addi %scan3A_29, %scan3A_30 : i32
    %scan3A_32 = arith.constant 1 : i32
    %scan3A_33 = scf.for %scan3A_207 = %scan3A_29 to %scan3A_31 step %scan3A_32 iter_args(%scan3A_208 = %broadcast_in_dim3A_28) -> (vector<16xf32>)  : i32 {
      %mul3A_209 = arith.constant 16 : i32
      %mul3A_210 = arith.muli %scan3A_207, %mul3A_209 : i32
      %get3A = arith.index_cast %mul3A_210 : i32 to index
      %get3A_211 = tpu.vector_load %arg11[%get3A] {strides = array<i32>} : memref<512xf32, #tpu.memory_space<vmem>>, vector<16xf32>,
      %swap3A_212 = arith.constant 0 : index
      %swap3A_213 = tpu.vector_load %arg14[%swap3A_212] {strides = array<i32>} : memref<128xf32, #tpu.memory_space<vmem>>, vector<16xf32>,
      tpu.vector_store %arg14[%swap3A_212], %get3A_211 {strides = array<i32>} : memref<128xf32, #tpu.memory_space<vmem>>, vector<16xf32>,
      %iota3A_214 = tpu.iota {dimensions = array<i32: 0>} : vector<16xi32>
      %sub3A_215 = arith.constant 1 : i32
      %sub3A_216 = vector.broadcast %sub3A_215 : i32 to vector<16xi32>
      %sub3A_217 = arith.subi %iota3A_214, %sub3A_216 : vector<16xi32>
      %max3A_218 = arith.constant 0 : i32
      %max3A_219 = vector.broadcast %max3A_218 : i32 to vector<16xi32>
      %max3A_220 = arith.maxsi %sub3A_217, %max3A_219 : vector<16xi32>
      %gather3A_221 = tpu.vector_load_idx %arg14[%max3A_220] : memref<128xf32, #tpu.memory_space<vmem>>[vector<16xi32>], vector<16xf32>,
      %iota3A_222 = tpu.iota {dimensions = array<i32: 0>} : vector<16xi32>
      %ge3A_223 = arith.constant 1 : i32
      %ge3A_224 = vector.broadcast %ge3A_223 : i32 to vector<16xi32>
      %ge3A_225 = arith.cmpi sge, %iota3A_222, %ge3A_224 : vector<16xi32>
      %jit3A_226 = arith.constant 0.000000e+00 : f32
      %broadcast_in_dim3A_227 = vector.broadcast %jit3A_226 : f32 to vector<16xf32>
      %select_n3A_228 = arith.select %ge3A_225, %gather3A_221, %broadcast_in_dim3A_227 : vector<16xi1>, vector<16xf32>
      %add3A_229 = arith.addf %get3A_211, %select_n3A_228 : vector<16xf32>
      %swap3A_230 = arith.constant 0 : index
      %swap3A_231 = tpu.vector_load %arg14[%swap3A_230] {strides = array<i32>} : memref<128xf32, #tpu.memory_space<vmem>>, vector<16xf32>,
      tpu.vector_store %arg14[%swap3A_230], %add3A_229 {strides = array<i32>} : memref<128xf32, #tpu.memory_space<vmem>>, vector<16xf32>,
      %iota3A_232 = tpu.iota {dimensions = array<i32: 0>} : vector<16xi32>
      %sub3A_233 = arith.constant 2 : i32
      %sub3A_234 = vector.broadcast %sub3A_233 : i32 to vector<16xi32>
      %sub3A_235 = arith.subi %iota3A_232, %sub3A_234 : vector<16xi32>
      %max3A_236 = arith.constant 0 : i32
      %max3A_237 = vector.broadcast %max3A_236 : i32 to vector<16xi32>
      %max3A_238 = arith.maxsi %sub3A_235, %max3A_237 : vector<16xi32>
      %gather3A_239 = tpu.vector_load_idx %arg14[%max3A_238] : memref<128xf32, #tpu.memory_space<vmem>>[vector<16xi32>], vector<16xf32>,
      %iota3A_240 = tpu.iota {dimensions = array<i32: 0>} : vector<16xi32>
      %ge3A_241 = arith.constant 2 : i32
      %ge3A_242 = vector.broadcast %ge3A_241 : i32 to vector<16xi32>
      %ge3A_243 = arith.cmpi sge, %iota3A_240, %ge3A_242 : vector<16xi32>
      %jit3A_244 = arith.constant 0.000000e+00 : f32
      %broadcast_in_dim3A_245 = vector.broadcast %jit3A_244 : f32 to vector<16xf32>
      %select_n3A_246 = arith.select %ge3A_243, %gather3A_239, %broadcast_in_dim3A_245 : vector<16xi1>, vector<16xf32>
      %add3A_247 = arith.addf %add3A_229, %select_n3A_246 : vector<16xf32>
      %swap3A_248 = arith.constant 0 : index
      %swap3A_249 = tpu.vector_load %arg14[%swap3A_248] {strides = array<i32>} : memref<128xf32, #tpu.memory_space<vmem>>, vector<16xf32>,
      tpu.vector_store %arg14[%swap3A_248], %add3A_247 {strides = array<i32>} : memref<128xf32, #tpu.memory_space<vmem>>, vector<16xf32>,
      %iota3A_250 = tpu.iota {dimensions = array<i32: 0>} : vector<16xi32>
      %sub3A_251 = arith.constant 4 : i32
      %sub3A_252 = vector.broadcast %sub3A_251 : i32 to vector<16xi32>
      %sub3A_253 = arith.subi %iota3A_250, %sub3A_252 : vector<16xi32>
      %max3A_254 = arith.constant 0 : i32
      %max3A_255 = vector.broadcast %max3A_254 : i32 to vector<16xi32>
      %max3A_256 = arith.maxsi %sub3A_253, %max3A_255 : vector<16xi32>
      %gather3A_257 = tpu.vector_load_idx %arg14[%max3A_256] : memref<128xf32, #tpu.memory_space<vmem>>[vector<16xi32>], vector<16xf32>,
      %iota3A_258 = tpu.iota {dimensions = array<i32: 0>} : vector<16xi32>
      %ge3A_259 = arith.constant 4 : i32
      %ge3A_260 = vector.broadcast %ge3A_259 : i32 to vector<16xi32>
      %ge3A_261 = arith.cmpi sge, %iota3A_258, %ge3A_260 : vector<16xi32>
      %jit3A_262 = arith.constant 0.000000e+00 : f32
      %broadcast_in_dim3A_263 = vector.broadcast %jit3A_262 : f32 to vector<16xf32>
      %select_n3A_264 = arith.select %ge3A_261, %gather3A_257, %broadcast_in_dim3A_263 : vector<16xi1>, vector<16xf32>
      %add3A_265 = arith.addf %add3A_247, %select_n3A_264 : vector<16xf32>
      %swap3A_266 = arith.constant 0 : index
      %swap3A_267 = tpu.vector_load %arg14[%swap3A_266] {strides = array<i32>} : memref<128xf32, #tpu.memory_space<vmem>>, vector<16xf32>,
      tpu.vector_store %arg14[%swap3A_266], %add3A_265 {strides = array<i32>} : memref<128xf32, #tpu.memory_space<vmem>>, vector<16xf32>,
      %iota3A_268 = tpu.iota {dimensions = array<i32: 0>} : vector<16xi32>
      %sub3A_269 = arith.constant 8 : i32
      %sub3A_270 = vector.broadcast %sub3A_269 : i32 to vector<16xi32>
      %sub3A_271 = arith.subi %iota3A_268, %sub3A_270 : vector<16xi32>
      %max3A_272 = arith.constant 0 : i32
      %max3A_273 = vector.broadcast %max3A_272 : i32 to vector<16xi32>
      %max3A_274 = arith.maxsi %sub3A_271, %max3A_273 : vector<16xi32>
      %gather3A_275 = tpu.vector_load_idx %arg14[%max3A_274] : memref<128xf32, #tpu.memory_space<vmem>>[vector<16xi32>], vector<16xf32>,
      %iota3A_276 = tpu.iota {dimensions = array<i32: 0>} : vector<16xi32>
      %ge3A_277 = arith.constant 8 : i32
      %ge3A_278 = vector.broadcast %ge3A_277 : i32 to vector<16xi32>
      %ge3A_279 = arith.cmpi sge, %iota3A_276, %ge3A_278 : vector<16xi32>
      %jit3A_280 = arith.constant 0.000000e+00 : f32
      %broadcast_in_dim3A_281 = vector.broadcast %jit3A_280 : f32 to vector<16xf32>
      %select_n3A_282 = arith.select %ge3A_279, %gather3A_275, %broadcast_in_dim3A_281 : vector<16xi1>, vector<16xf32>
      %add3A_283 = arith.addf %add3A_265, %select_n3A_282 : vector<16xf32>
      %add3A_284 = arith.addf %add3A_283, %scan3A_208 : vector<16xf32>
      %mul3A_285 = arith.constant 16 : i32
      %mul3A_286 = arith.muli %scan3A_207, %mul3A_285 : i32
      %swap3A_287 = arith.index_cast %mul3A_286 : i32 to index
      %swap3A_288 = tpu.vector_load %arg11[%swap3A_287] {strides = array<i32>} : memref<512xf32, #tpu.memory_space<vmem>>, vector<16xf32>,
      tpu.vector_store %arg11[%swap3A_287], %add3A_284 {strides = array<i32>} : memref<512xf32, #tpu.memory_space<vmem>>, vector<16xf32>,
      %mul3A_289 = arith.constant 16 : i32
      %mul3A_290 = arith.muli %scan3A_207, %mul3A_289 : i32
      %add3A_291 = arith.constant 16 : i32
      %add3A_292 = arith.addi %mul3A_290, %add3A_291 : i32
      %sub3A_293 = arith.constant 1 : i32
      %sub3A_294 = arith.subi %add3A_292, %sub3A_293 : i32
      %broadcast_in_dim3A_295 = vector.broadcast %sub3A_294 : i32 to vector<16xi32>
      %gather3A_296 = tpu.vector_load_idx %arg11[%broadcast_in_dim3A_295] : memref<512xf32, #tpu.memory_space<vmem>>[vector<16xi32>], vector<16xf32>,
      scf.yield %gather3A_296 : vector<16xf32>
    }
    %scan3A_34 = arith.constant 32 : i32
    %mul3A_35 = arith.constant 512 : i32
    %mul3A_36 = arith.muli %arg1, %mul3A_35 : i32
    "tpu.region"() ({
      %run_scoped3A = tpu.sem_alloc : memref<!tpu.dma_semaphore, #tpu.memory_space<semaphore_mem>>
      %dma_start3A_207 = tpu.memref_slice %arg12[%mul3A_36] : memref<8192xf32, #tpu.memory_space<vmem_shared>> -> memref<512xf32, #tpu.memory_space<vmem_shared>>
      %dma_start3A_208 = tpu.memref_slice %arg12[%mul3A_36] : memref<8192xf32, #tpu.memory_space<vmem_shared>> -> memref<512xf32, #tpu.memory_space<vmem_shared>>
      tpu.enqueue_dma source(%arg11 : memref<512xf32, #tpu.memory_space<vmem>>) target(%dma_start3A_208 : memref<512xf32, #tpu.memory_space<vmem_shared>>) target_semaphore(%run_scoped3A : memref<!tpu.dma_semaphore, #tpu.memory_space<semaphore_mem>>)
      %dma_wait3A_209 = tpu.memref_slice %arg12[%mul3A_36] : memref<8192xf32, #tpu.memory_space<vmem_shared>> -> memref<512xf32, #tpu.memory_space<vmem_shared>>
      %dma_wait3A_210 = tpu.memref_slice %arg12[%mul3A_36] : memref<8192xf32, #tpu.memory_space<vmem_shared>> -> memref<512xf32, #tpu.memory_space<vmem_shared>>
      tpu.wait_dma2 semaphore(%run_scoped3A : memref<!tpu.dma_semaphore, #tpu.memory_space<semaphore_mem>>) src(%arg11 : memref<512xf32, #tpu.memory_space<vmem>>) dst(%dma_wait3A_210 : memref<512xf32, #tpu.memory_space<vmem_shared>>)
      tpu.yield
    }) : () -> ()
    %barrier3A = arith.constant 0 : index
    tpu.barrier barrier_id(%barrier3A)
    "tpu.region"() ({
      %run_scoped3A = tpu.sem_alloc : memref<!tpu.dma_semaphore, #tpu.memory_space<semaphore_mem>>
      tpu.enqueue_dma source(%arg12 : memref<8192xf32, #tpu.memory_space<vmem_shared>>) target(%arg13 : memref<8192xf32, #tpu.memory_space<vmem>>) target_semaphore(%run_scoped3A : memref<!tpu.dma_semaphore, #tpu.memory_space<semaphore_mem>>)
      tpu.wait_dma2 semaphore(%run_scoped3A : memref<!tpu.dma_semaphore, #tpu.memory_space<semaphore_mem>>) src(%arg12 : memref<8192xf32, #tpu.memory_space<vmem_shared>>) dst(%arg13 : memref<8192xf32, #tpu.memory_space<vmem>>)
      tpu.yield
    }) : () -> ()
    %iota3A = tpu.iota {dimensions = array<i32: 0>} : vector<16xi32>
    %mul3A_37 = arith.constant 512 : i32
    %mul3A_38 = vector.broadcast %mul3A_37 : i32 to vector<16xi32>
    %mul3A_39 = arith.muli %iota3A, %mul3A_38 : vector<16xi32>
    %add3A_40 = arith.constant 511 : i32
    %add3A_41 = vector.broadcast %add3A_40 : i32 to vector<16xi32>
    %add3A_42 = arith.addi %mul3A_39, %add3A_41 : vector<16xi32>
    %gather3A = tpu.vector_load_idx %arg13[%add3A_42] : memref<8192xf32, #tpu.memory_space<vmem>>[vector<16xi32>], vector<16xf32>,
    %swap3A = arith.constant 0 : index
    %swap3A_43 = tpu.vector_load %arg15[%swap3A] {strides = array<i32>} : memref<128xf32, #tpu.memory_space<vmem>>, vector<16xf32>,
    tpu.vector_store %arg15[%swap3A], %gather3A {strides = array<i32>} : memref<128xf32, #tpu.memory_space<vmem>>, vector<16xf32>,
    %iota3A_44 = tpu.iota {dimensions = array<i32: 0>} : vector<16xi32>
    %sub3A = arith.constant 1 : i32
    %sub3A_45 = vector.broadcast %sub3A : i32 to vector<16xi32>
    %sub3A_46 = arith.subi %iota3A_44, %sub3A_45 : vector<16xi32>
    %max3A = arith.constant 0 : i32
    %max3A_47 = vector.broadcast %max3A : i32 to vector<16xi32>
    %max3A_48 = arith.maxsi %sub3A_46, %max3A_47 : vector<16xi32>
    %gather3A_49 = tpu.vector_load_idx %arg15[%max3A_48] : memref<128xf32, #tpu.memory_space<vmem>>[vector<16xi32>], vector<16xf32>,
    %iota3A_50 = tpu.iota {dimensions = array<i32: 0>} : vector<16xi32>
    %ge3A = arith.constant 1 : i32
    %ge3A_51 = vector.broadcast %ge3A : i32 to vector<16xi32>
    %ge3A_52 = arith.cmpi sge, %iota3A_50, %ge3A_51 : vector<16xi32>
    %jit3A = arith.constant 0.000000e+00 : f32
    %broadcast_in_dim3A_53 = vector.broadcast %jit3A : f32 to vector<16xf32>
    %select_n3A = arith.select %ge3A_52, %gather3A_49, %broadcast_in_dim3A_53 : vector<16xi1>, vector<16xf32>
    %add3A_54 = arith.addf %gather3A, %select_n3A : vector<16xf32>
    %swap3A_55 = arith.constant 0 : index
    %swap3A_56 = tpu.vector_load %arg15[%swap3A_55] {strides = array<i32>} : memref<128xf32, #tpu.memory_space<vmem>>, vector<16xf32>,
    tpu.vector_store %arg15[%swap3A_55], %add3A_54 {strides = array<i32>} : memref<128xf32, #tpu.memory_space<vmem>>, vector<16xf32>,
    %iota3A_57 = tpu.iota {dimensions = array<i32: 0>} : vector<16xi32>
    %sub3A_58 = arith.constant 2 : i32
    %sub3A_59 = vector.broadcast %sub3A_58 : i32 to vector<16xi32>
    %sub3A_60 = arith.subi %iota3A_57, %sub3A_59 : vector<16xi32>
    %max3A_61 = arith.constant 0 : i32
    %max3A_62 = vector.broadcast %max3A_61 : i32 to vector<16xi32>
    %max3A_63 = arith.maxsi %sub3A_60, %max3A_62 : vector<16xi32>
    %gather3A_64 = tpu.vector_load_idx %arg15[%max3A_63] : memref<128xf32, #tpu.memory_space<vmem>>[vector<16xi32>], vector<16xf32>,
    %iota3A_65 = tpu.iota {dimensions = array<i32: 0>} : vector<16xi32>
    %ge3A_66 = arith.constant 2 : i32
    %ge3A_67 = vector.broadcast %ge3A_66 : i32 to vector<16xi32>
    %ge3A_68 = arith.cmpi sge, %iota3A_65, %ge3A_67 : vector<16xi32>
    %jit3A_69 = arith.constant 0.000000e+00 : f32
    %broadcast_in_dim3A_70 = vector.broadcast %jit3A_69 : f32 to vector<16xf32>
    %select_n3A_71 = arith.select %ge3A_68, %gather3A_64, %broadcast_in_dim3A_70 : vector<16xi1>, vector<16xf32>
    %add3A_72 = arith.addf %add3A_54, %select_n3A_71 : vector<16xf32>
    %swap3A_73 = arith.constant 0 : index
    %swap3A_74 = tpu.vector_load %arg15[%swap3A_73] {strides = array<i32>} : memref<128xf32, #tpu.memory_space<vmem>>, vector<16xf32>,
    tpu.vector_store %arg15[%swap3A_73], %add3A_72 {strides = array<i32>} : memref<128xf32, #tpu.memory_space<vmem>>, vector<16xf32>,
    %iota3A_75 = tpu.iota {dimensions = array<i32: 0>} : vector<16xi32>
    %sub3A_76 = arith.constant 4 : i32
    %sub3A_77 = vector.broadcast %sub3A_76 : i32 to vector<16xi32>
    %sub3A_78 = arith.subi %iota3A_75, %sub3A_77 : vector<16xi32>
    %max3A_79 = arith.constant 0 : i32
    %max3A_80 = vector.broadcast %max3A_79 : i32 to vector<16xi32>
    %max3A_81 = arith.maxsi %sub3A_78, %max3A_80 : vector<16xi32>
    %gather3A_82 = tpu.vector_load_idx %arg15[%max3A_81] : memref<128xf32, #tpu.memory_space<vmem>>[vector<16xi32>], vector<16xf32>,
    %iota3A_83 = tpu.iota {dimensions = array<i32: 0>} : vector<16xi32>
    %ge3A_84 = arith.constant 4 : i32
    %ge3A_85 = vector.broadcast %ge3A_84 : i32 to vector<16xi32>
    %ge3A_86 = arith.cmpi sge, %iota3A_83, %ge3A_85 : vector<16xi32>
    %jit3A_87 = arith.constant 0.000000e+00 : f32
    %broadcast_in_dim3A_88 = vector.broadcast %jit3A_87 : f32 to vector<16xf32>
    %select_n3A_89 = arith.select %ge3A_86, %gather3A_82, %broadcast_in_dim3A_88 : vector<16xi1>, vector<16xf32>
    %add3A_90 = arith.addf %add3A_72, %select_n3A_89 : vector<16xf32>
    %swap3A_91 = arith.constant 0 : index
    %swap3A_92 = tpu.vector_load %arg15[%swap3A_91] {strides = array<i32>} : memref<128xf32, #tpu.memory_space<vmem>>, vector<16xf32>,
    tpu.vector_store %arg15[%swap3A_91], %add3A_90 {strides = array<i32>} : memref<128xf32, #tpu.memory_space<vmem>>, vector<16xf32>,
    %iota3A_93 = tpu.iota {dimensions = array<i32: 0>} : vector<16xi32>
    %sub3A_94 = arith.constant 8 : i32
    %sub3A_95 = vector.broadcast %sub3A_94 : i32 to vector<16xi32>
    %sub3A_96 = arith.subi %iota3A_93, %sub3A_95 : vector<16xi32>
    %max3A_97 = arith.constant 0 : i32
    %max3A_98 = vector.broadcast %max3A_97 : i32 to vector<16xi32>
    %max3A_99 = arith.maxsi %sub3A_96, %max3A_98 : vector<16xi32>
    %gather3A_100 = tpu.vector_load_idx %arg15[%max3A_99] : memref<128xf32, #tpu.memory_space<vmem>>[vector<16xi32>], vector<16xf32>,
    %iota3A_101 = tpu.iota {dimensions = array<i32: 0>} : vector<16xi32>
    %ge3A_102 = arith.constant 8 : i32
    %ge3A_103 = vector.broadcast %ge3A_102 : i32 to vector<16xi32>
    %ge3A_104 = arith.cmpi sge, %iota3A_101, %ge3A_103 : vector<16xi32>
    %jit3A_105 = arith.constant 0.000000e+00 : f32
    %broadcast_in_dim3A_106 = vector.broadcast %jit3A_105 : f32 to vector<16xf32>
    %select_n3A_107 = arith.select %ge3A_104, %gather3A_100, %broadcast_in_dim3A_106 : vector<16xi1>, vector<16xf32>
    %add3A_108 = arith.addf %add3A_90, %select_n3A_107 : vector<16xf32>
    %swap3A_109 = arith.constant 0 : index
    %swap3A_110 = tpu.vector_load %arg14[%swap3A_109] {strides = array<i32>} : memref<128xf32, #tpu.memory_space<vmem>>, vector<16xf32>,
    tpu.vector_store %arg14[%swap3A_109], %add3A_108 {strides = array<i32>} : memref<128xf32, #tpu.memory_space<vmem>>, vector<16xf32>,
    %iota3A_111 = tpu.iota {dimensions = array<i32: 0>} : vector<16xi32>
    %sub3A_112 = arith.constant 1 : i32
    %sub3A_113 = vector.broadcast %sub3A_112 : i32 to vector<16xi32>
    %sub3A_114 = arith.subi %iota3A_111, %sub3A_113 : vector<16xi32>
    %max3A_115 = arith.constant 0 : i32
    %max3A_116 = vector.broadcast %max3A_115 : i32 to vector<16xi32>
    %max3A_117 = arith.maxsi %sub3A_114, %max3A_116 : vector<16xi32>
    %gather3A_118 = tpu.vector_load_idx %arg14[%max3A_117] : memref<128xf32, #tpu.memory_space<vmem>>[vector<16xi32>], vector<16xf32>,
    %iota3A_119 = tpu.iota {dimensions = array<i32: 0>} : vector<16xi32>
    %gt3A = arith.constant 0 : i32
    %gt3A_120 = vector.broadcast %gt3A : i32 to vector<16xi32>
    %gt3A_121 = arith.cmpi sgt, %iota3A_119, %gt3A_120 : vector<16xi32>
    %jit3A_122 = arith.constant 0.000000e+00 : f32
    %broadcast_in_dim3A_123 = vector.broadcast %jit3A_122 : f32 to vector<16xf32>
    %select_n3A_124 = arith.select %gt3A_121, %gather3A_118, %broadcast_in_dim3A_123 : vector<16xi1>, vector<16xf32>
    %swap3A_125 = arith.constant 0 : index
    %swap3A_126 = tpu.vector_load %arg15[%swap3A_125] {strides = array<i32>} : memref<128xf32, #tpu.memory_space<vmem>>, vector<16xf32>,
    tpu.vector_store %arg15[%swap3A_125], %select_n3A_124 {strides = array<i32>} : memref<128xf32, #tpu.memory_space<vmem>>, vector<16xf32>,
    %mul3A_127 = arith.constant 128 : i32
    %mul3A_128 = arith.muli %add3A, %mul3A_127 : i32
    "tpu.region"() ({
      %run_scoped3A = tpu.sem_alloc : memref<!tpu.dma_semaphore, #tpu.memory_space<semaphore_mem>>
      %dma_start3A_207 = tpu.memref_slice %arg4[%mul3A_128] : memref<4096xf32, #tpu.memory_space<hbm>> -> memref<128xf32, #tpu.memory_space<hbm>>
      %dma_start3A_208 = tpu.memref_slice %arg4[%mul3A_128] : memref<4096xf32, #tpu.memory_space<hbm>> -> memref<128xf32, #tpu.memory_space<hbm>>
      tpu.enqueue_dma source(%dma_start3A_208 : memref<128xf32, #tpu.memory_space<hbm>>) target(%arg16 : memref<128xf32, #tpu.memory_space<vmem>>) target_semaphore(%run_scoped3A : memref<!tpu.dma_semaphore, #tpu.memory_space<semaphore_mem>>)
      %dma_wait3A_209 = tpu.memref_slice %arg4[%mul3A_128] : memref<4096xf32, #tpu.memory_space<hbm>> -> memref<128xf32, #tpu.memory_space<hbm>>
      %dma_wait3A_210 = tpu.memref_slice %arg4[%mul3A_128] : memref<4096xf32, #tpu.memory_space<hbm>> -> memref<128xf32, #tpu.memory_space<hbm>>
      tpu.wait_dma2 semaphore(%run_scoped3A : memref<!tpu.dma_semaphore, #tpu.memory_space<semaphore_mem>>) src(%dma_wait3A_210 : memref<128xf32, #tpu.memory_space<hbm>>) dst(%arg16 : memref<128xf32, #tpu.memory_space<vmem>>)
      tpu.yield
    }) : () -> ()
    %scan3A_129 = arith.constant 0 : i32
    %scan3A_130 = arith.constant 0 : i32
    %scan3A_131 = arith.constant 8 : i32
    %scan3A_132 = arith.addi %scan3A_130, %scan3A_131 : i32
    %scan3A_133 = arith.constant 1 : i32
    %scan3A_134 = scf.for %scan3A_207 = %scan3A_130 to %scan3A_132 step %scan3A_133 iter_args(%scan3A_208 = %scan3A_129) -> (i32)  : i32 {
      %mul3A_209 = arith.constant 16 : i32
      %mul3A_210 = arith.muli %scan3A_207, %mul3A_209 : i32
      %get3A = arith.index_cast %mul3A_210 : i32 to index
      %get3A_211 = tpu.vector_load %arg16[%get3A] {strides = array<i32>} : memref<128xf32, #tpu.memory_space<vmem>>, vector<16xf32>,
      %broadcast_in_dim3A_212 = arith.constant 0 : i32
      %broadcast_in_dim3A_213 = vector.broadcast %broadcast_in_dim3A_212 : i32 to vector<16xi32>
      %broadcast_in_dim3A_214 = arith.constant 8192 : i32
      %broadcast_in_dim3A_215 = vector.broadcast %broadcast_in_dim3A_214 : i32 to vector<16xi32>
      %scan3A_216 = arith.constant 0 : i32
      %scan3A_217 = arith.constant 13 : i32
      %scan3A_218 = arith.addi %scan3A_216, %scan3A_217 : i32
      %scan3A_219 = arith.constant 1 : i32
      %scan3A_220:2 = scf.for %scan3A_250 = %scan3A_216 to %scan3A_218 step %scan3A_219 iter_args(%scan3A_251 = %broadcast_in_dim3A_213, %scan3A_252 = %broadcast_in_dim3A_215) -> (vector<16xi32>, vector<16xi32>)  : i32 {
        %add3A_253 = arith.addi %scan3A_251, %scan3A_252 : vector<16xi32>
        %shift_right_logical3A_254 = arith.constant 1 : i32
        %shift_right_logical3A_255 = vector.broadcast %shift_right_logical3A_254 : i32 to vector<16xi32>
        %shift_right_logical3A_256 = arith.shrui %add3A_253, %shift_right_logical3A_255 : vector<16xi32>
        %gather3A_257 = tpu.vector_load_idx %arg13[%shift_right_logical3A_256] : memref<8192xf32, #tpu.memory_space<vmem>>[vector<16xi32>], vector<16xf32>,
        %shift_right_logical3A_258 = arith.constant 9 : i32
        %shift_right_logical3A_259 = vector.broadcast %shift_right_logical3A_258 : i32 to vector<16xi32>
        %shift_right_logical3A_260 = arith.shrui %shift_right_logical3A_256, %shift_right_logical3A_259 : vector<16xi32>
        %gather3A_261 = tpu.vector_load_idx %arg15[%shift_right_logical3A_260] : memref<128xf32, #tpu.memory_space<vmem>>[vector<16xi32>], vector<16xf32>,
        %add3A_262 = arith.addf %gather3A_257, %gather3A_261 : vector<16xf32>
        %lt3A = arith.cmpf olt, %add3A_262, %get3A_211 : vector<16xf32>
        %add3A_263 = arith.constant 1 : i32
        %add3A_264 = vector.broadcast %add3A_263 : i32 to vector<16xi32>
        %add3A_265 = arith.addi %shift_right_logical3A_256, %add3A_264 : vector<16xi32>
        %select_n3A_266 = arith.select %lt3A, %add3A_265, %scan3A_251 : vector<16xi1>, vector<16xi32>
        %select_n3A_267 = arith.select %lt3A, %scan3A_252, %shift_right_logical3A_256 : vector<16xi1>, vector<16xi32>
        scf.yield %select_n3A_266, %select_n3A_267 : vector<16xi32>, vector<16xi32>
      }
      %scan3A_221 = arith.constant 13 : i32
      %min3A = arith.constant 8191 : i32
      %min3A_222 = vector.broadcast %min3A : i32 to vector<16xi32>
      %min3A_223 = arith.minsi %scan3A_220#0, %min3A_222 : vector<16xi32>
      %mul3A_224 = arith.constant 16 : i32
      %mul3A_225 = arith.muli %scan3A_207, %mul3A_224 : i32
      %swap3A_226 = arith.index_cast %mul3A_225 : i32 to index
      %swap3A_227 = tpu.vector_load %arg17[%swap3A_226] {strides = array<i32>} : memref<128xi32, #tpu.memory_space<vmem>>, vector<16xi32>,
      tpu.vector_store %arg17[%swap3A_226], %min3A_223 {strides = array<i32>} : memref<128xi32, #tpu.memory_space<vmem>>, vector<16xi32>,
      %sub3A_228 = arith.constant 1 : i32
      %sub3A_229 = vector.broadcast %sub3A_228 : i32 to vector<16xi32>
      %sub3A_230 = arith.subi %scan3A_220#0, %sub3A_229 : vector<16xi32>
      %max3A_231 = arith.constant 0 : i32
      %max3A_232 = vector.broadcast %max3A_231 : i32 to vector<16xi32>
      %max3A_233 = arith.maxsi %sub3A_230, %max3A_232 : vector<16xi32>
      %gather3A_234 = tpu.vector_load_idx %arg13[%max3A_233] : memref<8192xf32, #tpu.memory_space<vmem>>[vector<16xi32>], vector<16xf32>,
      %shift_right_logical3A = arith.constant 9 : i32
      %shift_right_logical3A_235 = vector.broadcast %shift_right_logical3A : i32 to vector<16xi32>
      %shift_right_logical3A_236 = arith.shrui %max3A_233, %shift_right_logical3A_235 : vector<16xi32>
      %gather3A_237 = tpu.vector_load_idx %arg15[%shift_right_logical3A_236] : memref<128xf32, #tpu.memory_space<vmem>>[vector<16xi32>], vector<16xf32>,
      %add3A_238 = arith.addf %gather3A_234, %gather3A_237 : vector<16xf32>
      %gt3A_239 = arith.constant 0 : i32
      %gt3A_240 = vector.broadcast %gt3A_239 : i32 to vector<16xi32>
      %gt3A_241 = arith.cmpi sgt, %scan3A_220#0, %gt3A_240 : vector<16xi32>
      %jit3A_242 = arith.constant 0.000000e+00 : f32
      %broadcast_in_dim3A_243 = vector.broadcast %jit3A_242 : f32 to vector<16xf32>
      %select_n3A_244 = arith.select %gt3A_241, %add3A_238, %broadcast_in_dim3A_243 : vector<16xi1>, vector<16xf32>
      %mul3A_245 = arith.constant 16 : i32
      %mul3A_246 = arith.muli %scan3A_207, %mul3A_245 : i32
      %swap3A_247 = arith.index_cast %mul3A_246 : i32 to index
      %swap3A_248 = tpu.vector_load %arg18[%swap3A_247] {strides = array<i32>} : memref<128xf32, #tpu.memory_space<vmem>>, vector<16xf32>,
      tpu.vector_store %arg18[%swap3A_247], %select_n3A_244 {strides = array<i32>} : memref<128xf32, #tpu.memory_space<vmem>>, vector<16xf32>,
      %scan3A_249 = arith.constant 0 : i32
      scf.yield %scan3A_249 : i32
    }
    %scan3A_135 = arith.constant 8 : i32
    %dma_start3A = arith.constant 0 : i32
    %dma_start3A_136 = arith.constant 0 : i32
    %dma_start3A_137 = tpu.memref_slice %arg2[%dma_start3A, %dma_start3A_136] : memref<8192x128xf32, #tpu.memory_space<hbm>> -> memref<8192x128xf32, #tpu.memory_space<hbm>>
    tpu.enqueue_indirect_dma source(%dma_start3A_137 : memref<8192x128xf32, #tpu.memory_space<hbm>>) target(%arg19 : memref<128x128xf32, #tpu.memory_space<vmem>>) offsets(%arg17 : memref<128xi32, #tpu.memory_space<vmem>>) semaphore(%arg24 : memref<!tpu.dma_semaphore, #tpu.memory_space<semaphore_mem>>)
    %dma_wait3A = arith.constant 0 : i32
    %dma_wait3A_138 = arith.constant 0 : i32
    %dma_wait3A_139 = tpu.memref_slice %arg2[%dma_wait3A, %dma_wait3A_138] : memref<8192x128xf32, #tpu.memory_space<hbm>> -> memref<8192x128xf32, #tpu.memory_space<hbm>>
    tpu.wait_indirect_dma semaphore(%arg24 : memref<!tpu.dma_semaphore, #tpu.memory_space<semaphore_mem>>) src(%dma_wait3A_139 : memref<8192x128xf32, #tpu.memory_space<hbm>>) dst(%arg19 : memref<128x128xf32, #tpu.memory_space<vmem>>)
    %scan3A_140 = arith.constant 0 : i32
    %scan3A_141 = arith.constant 0 : i32
    %scan3A_142 = arith.constant 8 : i32
    %scan3A_143 = arith.addi %scan3A_141, %scan3A_142 : i32
    %scan3A_144 = arith.constant 1 : i32
    %scan3A_145 = scf.for %scan3A_207 = %scan3A_141 to %scan3A_143 step %scan3A_144 iter_args(%scan3A_208 = %scan3A_140) -> (i32)  : i32 {
      %mul3A_209 = arith.constant 16 : i32
      %mul3A_210 = arith.muli %scan3A_207, %mul3A_209 : i32
      %get3A = arith.index_cast %mul3A_210 : i32 to index
      %get3A_211 = tpu.vector_load %arg16[%get3A] {strides = array<i32>} : memref<128xf32, #tpu.memory_space<vmem>>, vector<16xf32>,
      %mul3A_212 = arith.constant 16 : i32
      %mul3A_213 = arith.muli %scan3A_207, %mul3A_212 : i32
      %get3A_214 = arith.index_cast %mul3A_213 : i32 to index
      %get3A_215 = tpu.vector_load %arg18[%get3A_214] {strides = array<i32>} : memref<128xf32, #tpu.memory_space<vmem>>, vector<16xf32>,
      %iota3A_216 = tpu.iota {dimensions = array<i32: 0>} : vector<16xi32>
      %mul3A_217 = arith.constant 16 : i32
      %mul3A_218 = arith.muli %scan3A_207, %mul3A_217 : i32
      %add3A_219 = vector.broadcast %mul3A_218 : i32 to vector<16xi32>
      %add3A_220 = arith.addi %iota3A_216, %add3A_219 : vector<16xi32>
      %broadcast_in_dim3A_221 = arith.constant 0.000000e+00 : f32
      %broadcast_in_dim3A_222 = vector.broadcast %broadcast_in_dim3A_221 : f32 to vector<16xf32>
      %broadcast_in_dim3A_223 = arith.constant 0 : i32
      %broadcast_in_dim3A_224 = vector.broadcast %broadcast_in_dim3A_223 : i32 to vector<16xi32>
      %scan3A_225 = arith.constant 0 : i32
      %scan3A_226 = arith.constant 128 : i32
      %scan3A_227 = arith.addi %scan3A_225, %scan3A_226 : i32
      %scan3A_228 = arith.constant 1 : i32
      %scan3A_229:2 = scf.for %scan3A_246 = %scan3A_225 to %scan3A_227 step %scan3A_228 iter_args(%scan3A_247 = %broadcast_in_dim3A_222, %scan3A_248 = %broadcast_in_dim3A_224) -> (vector<16xf32>, vector<16xi32>)  : i32 {
        %broadcast_in_dim3A_249 = vector.broadcast %scan3A_246 : i32 to vector<16xi32>
        %gather3A_250 = tpu.vector_load_idx %arg19[%add3A_220, %broadcast_in_dim3A_249] : memref<128x128xf32, #tpu.memory_space<vmem>>[vector<16xi32>, vector<16xi32>], vector<16xf32>,
        %add3A_251 = arith.addf %scan3A_247, %gather3A_250 : vector<16xf32>
        %add3A_252 = arith.addf %get3A_215, %add3A_251 : vector<16xf32>
        %lt3A = arith.cmpf olt, %add3A_252, %get3A_211 : vector<16xf32>
        %jit3A_253 = arith.constant 1 : i32
        %jit3A_254 = arith.constant 0 : i32
        %broadcast_in_dim3A_255 = vector.broadcast %jit3A_253 : i32 to vector<16xi32>
        %broadcast_in_dim3A_256 = vector.broadcast %jit3A_254 : i32 to vector<16xi32>
        %select_n3A_257 = arith.select %lt3A, %broadcast_in_dim3A_255, %broadcast_in_dim3A_256 : vector<16xi1>, vector<16xi32>
        %add3A_258 = arith.addi %scan3A_248, %select_n3A_257 : vector<16xi32>
        scf.yield %add3A_251, %add3A_258 : vector<16xf32>, vector<16xi32>
      }
      %scan3A_230 = arith.constant 128 : i32
      %mul3A_231 = arith.constant 16 : i32
      %mul3A_232 = arith.muli %scan3A_207, %mul3A_231 : i32
      %get3A_233 = arith.index_cast %mul3A_232 : i32 to index
      %get3A_234 = tpu.vector_load %arg17[%get3A_233] {strides = array<i32>} : memref<128xi32, #tpu.memory_space<vmem>>, vector<16xi32>,
      %mul3A_235 = arith.constant 128 : i32
      %mul3A_236 = vector.broadcast %mul3A_235 : i32 to vector<16xi32>
      %mul3A_237 = arith.muli %get3A_234, %mul3A_236 : vector<16xi32>
      %add3A_238 = arith.addi %mul3A_237, %scan3A_229#1 : vector<16xi32>
      %min3A = arith.constant 999999 : i32
      %min3A_239 = vector.broadcast %min3A : i32 to vector<16xi32>
      %min3A_240 = arith.minsi %add3A_238, %min3A_239 : vector<16xi32>
      %mul3A_241 = arith.constant 16 : i32
      %mul3A_242 = arith.muli %scan3A_207, %mul3A_241 : i32
      %swap3A_243 = arith.index_cast %mul3A_242 : i32 to index
      %swap3A_244 = tpu.vector_load %arg20[%swap3A_243] {strides = array<i32>} : memref<128xi32, #tpu.memory_space<vmem>>, vector<16xi32>,
      tpu.vector_store %arg20[%swap3A_243], %min3A_240 {strides = array<i32>} : memref<128xi32, #tpu.memory_space<vmem>>, vector<16xi32>,
      %scan3A_245 = arith.constant 0 : i32
      scf.yield %scan3A_245 : i32
    }
    %scan3A_146 = arith.constant 8 : i32
    %mul3A_147 = arith.constant 128 : i32
    %mul3A_148 = arith.muli %add3A, %mul3A_147 : i32
    "tpu.region"() ({
      %run_scoped3A = tpu.sem_alloc : memref<!tpu.dma_semaphore, #tpu.memory_space<semaphore_mem>>
      %dma_start3A_207 = tpu.memref_slice %arg7[%mul3A_148] : memref<4096xi32, #tpu.memory_space<hbm>> -> memref<128xi32, #tpu.memory_space<hbm>>
      %dma_start3A_208 = tpu.memref_slice %arg7[%mul3A_148] : memref<4096xi32, #tpu.memory_space<hbm>> -> memref<128xi32, #tpu.memory_space<hbm>>
      tpu.enqueue_dma source(%arg20 : memref<128xi32, #tpu.memory_space<vmem>>) target(%dma_start3A_208 : memref<128xi32, #tpu.memory_space<hbm>>) target_semaphore(%run_scoped3A : memref<!tpu.dma_semaphore, #tpu.memory_space<semaphore_mem>>)
      %dma_wait3A_209 = tpu.memref_slice %arg7[%mul3A_148] : memref<4096xi32, #tpu.memory_space<hbm>> -> memref<128xi32, #tpu.memory_space<hbm>>
      %dma_wait3A_210 = tpu.memref_slice %arg7[%mul3A_148] : memref<4096xi32, #tpu.memory_space<hbm>> -> memref<128xi32, #tpu.memory_space<hbm>>
      tpu.wait_dma2 semaphore(%run_scoped3A : memref<!tpu.dma_semaphore, #tpu.memory_space<semaphore_mem>>) src(%arg20 : memref<128xi32, #tpu.memory_space<vmem>>) dst(%dma_wait3A_210 : memref<128xi32, #tpu.memory_space<hbm>>)
      tpu.yield
    }) : () -> ()
    %dma_start3A_149 = arith.constant 0 : i32
    %dma_start3A_150 = tpu.memref_slice %arg6[%dma_start3A_149] : memref<1000000xf32, #tpu.memory_space<hbm>> -> memref<1000000xf32, #tpu.memory_space<hbm>>
    tpu.enqueue_indirect_dma source(%dma_start3A_150 : memref<1000000xf32, #tpu.memory_space<hbm>>) target(%arg21 : memref<128xf32, #tpu.memory_space<vmem>>) offsets(%arg20 : memref<128xi32, #tpu.memory_space<vmem>>) semaphore(%arg24 : memref<!tpu.dma_semaphore, #tpu.memory_space<semaphore_mem>>)
    %dma_wait3A_151 = arith.constant 0 : i32
    %dma_wait3A_152 = tpu.memref_slice %arg6[%dma_wait3A_151] : memref<1000000xf32, #tpu.memory_space<hbm>> -> memref<1000000xf32, #tpu.memory_space<hbm>>
    tpu.wait_indirect_dma semaphore(%arg24 : memref<!tpu.dma_semaphore, #tpu.memory_space<semaphore_mem>>) src(%dma_wait3A_152 : memref<1000000xf32, #tpu.memory_space<hbm>>) dst(%arg21 : memref<128xf32, #tpu.memory_space<vmem>>)
    %mul3A_153 = arith.constant 128 : i32
    %mul3A_154 = arith.muli %add3A, %mul3A_153 : i32
    "tpu.region"() ({
      %run_scoped3A = tpu.sem_alloc : memref<!tpu.dma_semaphore, #tpu.memory_space<semaphore_mem>>
      %dma_start3A_207 = tpu.memref_slice %arg8[%mul3A_154] : memref<4096xf32, #tpu.memory_space<hbm>> -> memref<128xf32, #tpu.memory_space<hbm>>
      %dma_start3A_208 = tpu.memref_slice %arg8[%mul3A_154] : memref<4096xf32, #tpu.memory_space<hbm>> -> memref<128xf32, #tpu.memory_space<hbm>>
      tpu.enqueue_dma source(%arg21 : memref<128xf32, #tpu.memory_space<vmem>>) target(%dma_start3A_208 : memref<128xf32, #tpu.memory_space<hbm>>) target_semaphore(%run_scoped3A : memref<!tpu.dma_semaphore, #tpu.memory_space<semaphore_mem>>)
      %dma_wait3A_209 = tpu.memref_slice %arg8[%mul3A_154] : memref<4096xf32, #tpu.memory_space<hbm>> -> memref<128xf32, #tpu.memory_space<hbm>>
      %dma_wait3A_210 = tpu.memref_slice %arg8[%mul3A_154] : memref<4096xf32, #tpu.memory_space<hbm>> -> memref<128xf32, #tpu.memory_space<hbm>>
      tpu.wait_dma2 semaphore(%run_scoped3A : memref<!tpu.dma_semaphore, #tpu.memory_space<semaphore_mem>>) src(%arg21 : memref<128xf32, #tpu.memory_space<vmem>>) dst(%dma_wait3A_210 : memref<128xf32, #tpu.memory_space<hbm>>)
      tpu.yield
    }) : () -> ()
    %mul3A_155 = arith.constant 512 : i32
    %mul3A_156 = arith.muli %add3A, %mul3A_155 : i32
    "tpu.region"() ({
      %run_scoped3A = tpu.sem_alloc : memref<!tpu.dma_semaphore, #tpu.memory_space<semaphore_mem>>
      %dma_start3A_207 = tpu.memref_slice %arg5[%mul3A_156] : memref<16384xi32, #tpu.memory_space<hbm>> -> memref<512xi32, #tpu.memory_space<hbm>>
      %dma_start3A_208 = tpu.memref_slice %arg5[%mul3A_156] : memref<16384xi32, #tpu.memory_space<hbm>> -> memref<512xi32, #tpu.memory_space<hbm>>
      tpu.enqueue_dma source(%dma_start3A_208 : memref<512xi32, #tpu.memory_space<hbm>>) target(%arg22 : memref<512xi32, #tpu.memory_space<vmem>>) target_semaphore(%run_scoped3A : memref<!tpu.dma_semaphore, #tpu.memory_space<semaphore_mem>>)
      %dma_wait3A_209 = tpu.memref_slice %arg5[%mul3A_156] : memref<16384xi32, #tpu.memory_space<hbm>> -> memref<512xi32, #tpu.memory_space<hbm>>
      %dma_wait3A_210 = tpu.memref_slice %arg5[%mul3A_156] : memref<16384xi32, #tpu.memory_space<hbm>> -> memref<512xi32, #tpu.memory_space<hbm>>
      tpu.wait_dma2 semaphore(%run_scoped3A : memref<!tpu.dma_semaphore, #tpu.memory_space<semaphore_mem>>) src(%dma_wait3A_210 : memref<512xi32, #tpu.memory_space<hbm>>) dst(%arg22 : memref<512xi32, #tpu.memory_space<vmem>>)
      tpu.yield
    }) : () -> ()
    %dma_start3A_157 = arith.constant 0 : i32
    %dma_start3A_158 = tpu.memref_slice %arg23[%dma_start3A_157] : memref<512xf32, #tpu.memory_space<vmem>> -> memref<128xf32, #tpu.memory_space<vmem>>
    %dma_start3A_159 = arith.constant 0 : i32
    %dma_start3A_160 = tpu.memref_slice %arg22[%dma_start3A_159] : memref<512xi32, #tpu.memory_space<vmem>> -> memref<128xi32, #tpu.memory_space<vmem>>
    %dma_start3A_161 = arith.constant 0 : i32
    %dma_start3A_162 = tpu.memref_slice %arg6[%dma_start3A_161] : memref<1000000xf32, #tpu.memory_space<hbm>> -> memref<1000000xf32, #tpu.memory_space<hbm>>
    tpu.enqueue_indirect_dma source(%dma_start3A_162 : memref<1000000xf32, #tpu.memory_space<hbm>>) target(%dma_start3A_158 : memref<128xf32, #tpu.memory_space<vmem>>) offsets(%dma_start3A_160 : memref<128xi32, #tpu.memory_space<vmem>>) semaphore(%arg24 : memref<!tpu.dma_semaphore, #tpu.memory_space<semaphore_mem>>)
    %dma_wait3A_163 = arith.constant 0 : i32
    %dma_wait3A_164 = tpu.memref_slice %arg23[%dma_wait3A_163] : memref<512xf32, #tpu.memory_space<vmem>> -> memref<128xf32, #tpu.memory_space<vmem>>
    %dma_wait3A_165 = arith.constant 0 : i32
    %dma_wait3A_166 = tpu.memref_slice %arg22[%dma_wait3A_165] : memref<512xi32, #tpu.memory_space<vmem>> -> memref<128xi32, #tpu.memory_space<vmem>>
    %dma_wait3A_167 = arith.constant 0 : i32
    %dma_wait3A_168 = tpu.memref_slice %arg6[%dma_wait3A_167] : memref<1000000xf32, #tpu.memory_space<hbm>> -> memref<1000000xf32, #tpu.memory_space<hbm>>
    tpu.wait_indirect_dma semaphore(%arg24 : memref<!tpu.dma_semaphore, #tpu.memory_space<semaphore_mem>>) src(%dma_wait3A_168 : memref<1000000xf32, #tpu.memory_space<hbm>>) dst(%dma_wait3A_164 : memref<128xf32, #tpu.memory_space<vmem>>)
    %dma_start3A_169 = arith.constant 128 : i32
    %dma_start3A_170 = tpu.memref_slice %arg23[%dma_start3A_169] : memref<512xf32, #tpu.memory_space<vmem>> -> memref<128xf32, #tpu.memory_space<vmem>>
    %dma_start3A_171 = arith.constant 128 : i32
    %dma_start3A_172 = tpu.memref_slice %arg22[%dma_start3A_171] : memref<512xi32, #tpu.memory_space<vmem>> -> memref<128xi32, #tpu.memory_space<vmem>>
    %dma_start3A_173 = arith.constant 0 : i32
    %dma_start3A_174 = tpu.memref_slice %arg6[%dma_start3A_173] : memref<1000000xf32, #tpu.memory_space<hbm>> -> memref<1000000xf32, #tpu.memory_space<hbm>>
    tpu.enqueue_indirect_dma source(%dma_start3A_174 : memref<1000000xf32, #tpu.memory_space<hbm>>) target(%dma_start3A_170 : memref<128xf32, #tpu.memory_space<vmem>>) offsets(%dma_start3A_172 : memref<128xi32, #tpu.memory_space<vmem>>) semaphore(%arg24 : memref<!tpu.dma_semaphore, #tpu.memory_space<semaphore_mem>>)
    %dma_wait3A_175 = arith.constant 128 : i32
    %dma_wait3A_176 = tpu.memref_slice %arg23[%dma_wait3A_175] : memref<512xf32, #tpu.memory_space<vmem>> -> memref<128xf32, #tpu.memory_space<vmem>>
    %dma_wait3A_177 = arith.constant 128 : i32
    %dma_wait3A_178 = tpu.memref_slice %arg22[%dma_wait3A_177] : memref<512xi32, #tpu.memory_space<vmem>> -> memref<128xi32, #tpu.memory_space<vmem>>
    %dma_wait3A_179 = arith.constant 0 : i32
    %dma_wait3A_180 = tpu.memref_slice %arg6[%dma_wait3A_179] : memref<1000000xf32, #tpu.memory_space<hbm>> -> memref<1000000xf32, #tpu.memory_space<hbm>>
    tpu.wait_indirect_dma semaphore(%arg24 : memref<!tpu.dma_semaphore, #tpu.memory_space<semaphore_mem>>) src(%dma_wait3A_180 : memref<1000000xf32, #tpu.memory_space<hbm>>) dst(%dma_wait3A_176 : memref<128xf32, #tpu.memory_space<vmem>>)
    %dma_start3A_181 = arith.constant 256 : i32
    %dma_start3A_182 = tpu.memref_slice %arg23[%dma_start3A_181] : memref<512xf32, #tpu.memory_space<vmem>> -> memref<128xf32, #tpu.memory_space<vmem>>
    %dma_start3A_183 = arith.constant 256 : i32
    %dma_start3A_184 = tpu.memref_slice %arg22[%dma_start3A_183] : memref<512xi32, #tpu.memory_space<vmem>> -> memref<128xi32, #tpu.memory_space<vmem>>
    %dma_start3A_185 = arith.constant 0 : i32
    %dma_start3A_186 = tpu.memref_slice %arg6[%dma_start3A_185] : memref<1000000xf32, #tpu.memory_space<hbm>> -> memref<1000000xf32, #tpu.memory_space<hbm>>
    tpu.enqueue_indirect_dma source(%dma_start3A_186 : memref<1000000xf32, #tpu.memory_space<hbm>>) target(%dma_start3A_182 : memref<128xf32, #tpu.memory_space<vmem>>) offsets(%dma_start3A_184 : memref<128xi32, #tpu.memory_space<vmem>>) semaphore(%arg24 : memref<!tpu.dma_semaphore, #tpu.memory_space<semaphore_mem>>)
    %dma_wait3A_187 = arith.constant 256 : i32
    %dma_wait3A_188 = tpu.memref_slice %arg23[%dma_wait3A_187] : memref<512xf32, #tpu.memory_space<vmem>> -> memref<128xf32, #tpu.memory_space<vmem>>
    %dma_wait3A_189 = arith.constant 256 : i32
    %dma_wait3A_190 = tpu.memref_slice %arg22[%dma_wait3A_189] : memref<512xi32, #tpu.memory_space<vmem>> -> memref<128xi32, #tpu.memory_space<vmem>>
    %dma_wait3A_191 = arith.constant 0 : i32
    %dma_wait3A_192 = tpu.memref_slice %arg6[%dma_wait3A_191] : memref<1000000xf32, #tpu.memory_space<hbm>> -> memref<1000000xf32, #tpu.memory_space<hbm>>
    tpu.wait_indirect_dma semaphore(%arg24 : memref<!tpu.dma_semaphore, #tpu.memory_space<semaphore_mem>>) src(%dma_wait3A_192 : memref<1000000xf32, #tpu.memory_space<hbm>>) dst(%dma_wait3A_188 : memref<128xf32, #tpu.memory_space<vmem>>)
    %dma_start3A_193 = arith.constant 384 : i32
    %dma_start3A_194 = tpu.memref_slice %arg23[%dma_start3A_193] : memref<512xf32, #tpu.memory_space<vmem>> -> memref<128xf32, #tpu.memory_space<vmem>>
    %dma_start3A_195 = arith.constant 384 : i32
    %dma_start3A_196 = tpu.memref_slice %arg22[%dma_start3A_195] : memref<512xi32, #tpu.memory_space<vmem>> -> memref<128xi32, #tpu.memory_space<vmem>>
    %dma_start3A_197 = arith.constant 0 : i32
    %dma_start3A_198 = tpu.memref_slice %arg6[%dma_start3A_197] : memref<1000000xf32, #tpu.memory_space<hbm>> -> memref<1000000xf32, #tpu.memory_space<hbm>>
    tpu.enqueue_indirect_dma source(%dma_start3A_198 : memref<1000000xf32, #tpu.memory_space<hbm>>) target(%dma_start3A_194 : memref<128xf32, #tpu.memory_space<vmem>>) offsets(%dma_start3A_196 : memref<128xi32, #tpu.memory_space<vmem>>) semaphore(%arg24 : memref<!tpu.dma_semaphore, #tpu.memory_space<semaphore_mem>>)
    %dma_wait3A_199 = arith.constant 384 : i32
    %dma_wait3A_200 = tpu.memref_slice %arg23[%dma_wait3A_199] : memref<512xf32, #tpu.memory_space<vmem>> -> memref<128xf32, #tpu.memory_space<vmem>>
    %dma_wait3A_201 = arith.constant 384 : i32
    %dma_wait3A_202 = tpu.memref_slice %arg22[%dma_wait3A_201] : memref<512xi32, #tpu.memory_space<vmem>> -> memref<128xi32, #tpu.memory_space<vmem>>
    %dma_wait3A_203 = arith.constant 0 : i32
    %dma_wait3A_204 = tpu.memref_slice %arg6[%dma_wait3A_203] : memref<1000000xf32, #tpu.memory_space<hbm>> -> memref<1000000xf32, #tpu.memory_space<hbm>>
    tpu.wait_indirect_dma semaphore(%arg24 : memref<!tpu.dma_semaphore, #tpu.memory_space<semaphore_mem>>) src(%dma_wait3A_204 : memref<1000000xf32, #tpu.memory_space<hbm>>) dst(%dma_wait3A_200 : memref<128xf32, #tpu.memory_space<vmem>>)
    %mul3A_205 = arith.constant 512 : i32
    %mul3A_206 = arith.muli %add3A, %mul3A_205 : i32
    "tpu.region"() ({
      %run_scoped3A = tpu.sem_alloc : memref<!tpu.dma_semaphore, #tpu.memory_space<semaphore_mem>>
      %dma_start3A_207 = tpu.memref_slice %arg9[%mul3A_206] : memref<16384xf32, #tpu.memory_space<hbm>> -> memref<512xf32, #tpu.memory_space<hbm>>
      %dma_start3A_208 = tpu.memref_slice %arg9[%mul3A_206] : memref<16384xf32, #tpu.memory_space<hbm>> -> memref<512xf32, #tpu.memory_space<hbm>>
      tpu.enqueue_dma source(%arg23 : memref<512xf32, #tpu.memory_space<vmem>>) target(%dma_start3A_208 : memref<512xf32, #tpu.memory_space<hbm>>) target_semaphore(%run_scoped3A : memref<!tpu.dma_semaphore, #tpu.memory_space<semaphore_mem>>)
      %dma_wait3A_209 = tpu.memref_slice %arg9[%mul3A_206] : memref<16384xf32, #tpu.memory_space<hbm>> -> memref<512xf32, #tpu.memory_space<hbm>>
      %dma_wait3A_210 = tpu.memref_slice %arg9[%mul3A_206] : memref<16384xf32, #tpu.memory_space<hbm>> -> memref<512xf32, #tpu.memory_space<hbm>>
      tpu.wait_dma2 semaphore(%run_scoped3A : memref<!tpu.dma_semaphore, #tpu.memory_space<semaphore_mem>>) src(%arg23 : memref<512xf32, #tpu.memory_space<vmem>>) dst(%dma_wait3A_210 : memref<512xf32, #tpu.memory_space<hbm>>)
      tpu.yield
    }) : () -> ()
    return
  }
}

module attributes {stable_mosaic.version = 14 : i64} {
  func.func @body(%arg0: i32, %arg1: memref<32x32768xf32, #tpu.memory_space<vmem>>, %arg2: memref<1048576xf32, #tpu.memory_space<vmem>>) attributes {dimension_semantics = [#tpu.dimension_semantics<arbitrary>], iteration_bounds = array<i64: 31>, scalar_prefetch = 0 : i64, scratch_operands = 0 : i64, tpu.core_type = #tpu.core_type<tc>, window_params = [{transform_indices = @transform_0, window_bounds = array<i64: 32, 32768>}, {transform_indices = @transform_1, window_bounds = array<i64: 1048576>}]} {
    %get3A = arith.constant 0 : index
    %get3A_0 = arith.constant 0 : index
    %get3A_1 = vector.load %arg1[%get3A, %get3A_0] : memref<32x32768xf32, #tpu.memory_space<vmem>>, vector<32x32768xf32>
    %iota3A = tpu.iota {dimensions = array<i32: 0>} : vector<32x128xi32>
    %iota3A_2 = tpu.iota {dimensions = array<i32: 1>} : vector<32x128xi32>
    %broadcast_in_dim3A = arith.constant 0.000000e+00 : f32
    %broadcast_in_dim3A_3 = vector.broadcast %broadcast_in_dim3A : f32 to vector<8192x128xf32>
    %slice3A = vector.extract_strided_slice %get3A_1 {offsets = [0, 0], sizes = [32, 8192], strides = [1, 1]} : vector<32x32768xf32> to vector<32x8192xf32>
    %add3A = arith.constant 0 : i32
    %add3A_4 = vector.broadcast %add3A : i32 to vector<32x128xi32>
    %add3A_5 = arith.addi %iota3A, %add3A_4 : vector<32x128xi32>
    %eq3A = arith.cmpi eq, %iota3A_2, %add3A_5 : vector<32x128xi32>
    %convert_element_type3A = arith.extui %eq3A : vector<32x128xi1> to vector<32x128xi32>
    %convert_element_type3A_6 = arith.sitofp %convert_element_type3A : vector<32x128xi32> to vector<32x128xf32>
    %convert_element_type3A_7 = arith.truncf %slice3A : vector<32x8192xf32> to vector<32x8192xbf16>
    %convert_element_type3A_8 = arith.truncf %convert_element_type3A_6 : vector<32x128xf32> to vector<32x128xbf16>
    %dot_general3A = arith.constant dense<0.000000e+00> : vector<8192x128xf32>
    %dot_general3A_9 = tpu.matmul %convert_element_type3A_7, %convert_element_type3A_8, %dot_general3A {dimension_numbers = #tpu.dot_dimension_numbers<[0], [0], [1], [1], [0, 1, 1, 1], [], []>, transpose_lhs_hint = false} : vector<32x8192xbf16>, vector<32x128xbf16>, vector<8192x128xf32> -> vector<8192x128xf32>
    %add3A_10 = arith.addf %broadcast_in_dim3A_3, %dot_general3A_9 : vector<8192x128xf32>
    %slice3A_11 = vector.extract_strided_slice %get3A_1 {offsets = [0, 8192], sizes = [32, 8192], strides = [1, 1]} : vector<32x32768xf32> to vector<32x8192xf32>
    %add3A_12 = arith.constant 32 : i32
    %add3A_13 = vector.broadcast %add3A_12 : i32 to vector<32x128xi32>
    %add3A_14 = arith.addi %iota3A, %add3A_13 : vector<32x128xi32>
    %eq3A_15 = arith.cmpi eq, %iota3A_2, %add3A_14 : vector<32x128xi32>
    %convert_element_type3A_16 = arith.extui %eq3A_15 : vector<32x128xi1> to vector<32x128xi32>
    %convert_element_type3A_17 = arith.sitofp %convert_element_type3A_16 : vector<32x128xi32> to vector<32x128xf32>
    %convert_element_type3A_18 = arith.truncf %slice3A_11 : vector<32x8192xf32> to vector<32x8192xbf16>
    %convert_element_type3A_19 = arith.truncf %convert_element_type3A_17 : vector<32x128xf32> to vector<32x128xbf16>
    %dot_general3A_20 = arith.constant dense<0.000000e+00> : vector<8192x128xf32>
    %dot_general3A_21 = tpu.matmul %convert_element_type3A_18, %convert_element_type3A_19, %dot_general3A_20 {dimension_numbers = #tpu.dot_dimension_numbers<[0], [0], [1], [1], [0, 1, 1, 1], [], []>, transpose_lhs_hint = false} : vector<32x8192xbf16>, vector<32x128xbf16>, vector<8192x128xf32> -> vector<8192x128xf32>
    %add3A_22 = arith.addf %add3A_10, %dot_general3A_21 : vector<8192x128xf32>
    %slice3A_23 = vector.extract_strided_slice %get3A_1 {offsets = [0, 16384], sizes = [32, 8192], strides = [1, 1]} : vector<32x32768xf32> to vector<32x8192xf32>
    %add3A_24 = arith.constant 64 : i32
    %add3A_25 = vector.broadcast %add3A_24 : i32 to vector<32x128xi32>
    %add3A_26 = arith.addi %iota3A, %add3A_25 : vector<32x128xi32>
    %eq3A_27 = arith.cmpi eq, %iota3A_2, %add3A_26 : vector<32x128xi32>
    %convert_element_type3A_28 = arith.extui %eq3A_27 : vector<32x128xi1> to vector<32x128xi32>
    %convert_element_type3A_29 = arith.sitofp %convert_element_type3A_28 : vector<32x128xi32> to vector<32x128xf32>
    %convert_element_type3A_30 = arith.truncf %slice3A_23 : vector<32x8192xf32> to vector<32x8192xbf16>
    %convert_element_type3A_31 = arith.truncf %convert_element_type3A_29 : vector<32x128xf32> to vector<32x128xbf16>
    %dot_general3A_32 = arith.constant dense<0.000000e+00> : vector<8192x128xf32>
    %dot_general3A_33 = tpu.matmul %convert_element_type3A_30, %convert_element_type3A_31, %dot_general3A_32 {dimension_numbers = #tpu.dot_dimension_numbers<[0], [0], [1], [1], [0, 1, 1, 1], [], []>, transpose_lhs_hint = false} : vector<32x8192xbf16>, vector<32x128xbf16>, vector<8192x128xf32> -> vector<8192x128xf32>
    %add3A_34 = arith.addf %add3A_22, %dot_general3A_33 : vector<8192x128xf32>
    %slice3A_35 = vector.extract_strided_slice %get3A_1 {offsets = [0, 24576], sizes = [32, 8192], strides = [1, 1]} : vector<32x32768xf32> to vector<32x8192xf32>
    %add3A_36 = arith.constant 96 : i32
    %add3A_37 = vector.broadcast %add3A_36 : i32 to vector<32x128xi32>
    %add3A_38 = arith.addi %iota3A, %add3A_37 : vector<32x128xi32>
    %eq3A_39 = arith.cmpi eq, %iota3A_2, %add3A_38 : vector<32x128xi32>
    %convert_element_type3A_40 = arith.extui %eq3A_39 : vector<32x128xi1> to vector<32x128xi32>
    %convert_element_type3A_41 = arith.sitofp %convert_element_type3A_40 : vector<32x128xi32> to vector<32x128xf32>
    %convert_element_type3A_42 = arith.truncf %slice3A_35 : vector<32x8192xf32> to vector<32x8192xbf16>
    %convert_element_type3A_43 = arith.truncf %convert_element_type3A_41 : vector<32x128xf32> to vector<32x128xbf16>
    %dot_general3A_44 = arith.constant dense<0.000000e+00> : vector<8192x128xf32>
    %dot_general3A_45 = tpu.matmul %convert_element_type3A_42, %convert_element_type3A_43, %dot_general3A_44 {dimension_numbers = #tpu.dot_dimension_numbers<[0], [0], [1], [1], [0, 1, 1, 1], [], []>, transpose_lhs_hint = false} : vector<32x8192xbf16>, vector<32x128xbf16>, vector<8192x128xf32> -> vector<8192x128xf32>
    %add3A_46 = arith.addf %add3A_34, %dot_general3A_45 : vector<8192x128xf32>
    %reshape3A = vector.shape_cast %add3A_46 : vector<8192x128xf32> to vector<1048576xf32>
    %swap3A = arith.constant 0 : index
    %swap3A_47 = vector.load %arg2[%swap3A] : memref<1048576xf32, #tpu.memory_space<vmem>>, vector<1048576xf32>
    tpu.vector_store %arg2[%swap3A], %reshape3A {strides = array<i32>} : memref<1048576xf32, #tpu.memory_space<vmem>>, vector<1048576xf32>,
    return
  }
  func.func @transform_0(%arg0: i32) -> (i32, i32) {
    %c0_i32 = arith.constant 0 : i32
    %c0_i32_0 = arith.constant 0 : i32
    return %c0_i32, %arg0 : i32, i32
  }
  func.func @transform_1(%arg0: i32) -> i32 {
    %c0_i32 = arith.constant 0 : i32
    return %arg0 : i32
  }
}

module attributes {stable_mosaic.version = 14 : i64} {
  func.func @body(%arg0: i32, %arg1: memref<512x32xf32, #tpu.memory_space<vmem>>, %arg2: memref<1x1x512xi32, #tpu.memory_space<vmem>>, %arg3: memref<512x32xf32, #tpu.memory_space<vmem>>, %arg4: memref<4096x32xf32, #tpu.memory_space<vmem>>, %arg5: memref<1x1x512xf32, #tpu.memory_space<vmem>>, %arg6: memref<1x1x4096xf32, #tpu.memory_space<vmem>>, %arg7: memref<1x1x4096xi32, #tpu.memory_space<vmem>>, %arg8: memref<1x1xf32, #tpu.memory_space<vmem>>, %arg9: memref<2xf32, #tpu.memory_space<smem>>) attributes {dimension_semantics = [#tpu.dimension_semantics<arbitrary>], iteration_bounds = array<i64: 32>, scalar_prefetch = 0 : i64, scratch_operands = 1 : i64, tpu.core_type = #tpu.core_type<tc>, window_params = [{transform_indices = @transform_0, window_bounds = array<i64: 512, 32>}, {transform_indices = @transform_1, window_bounds = array<i64: 1, 1, 512>}, {transform_indices = @transform_2, window_bounds = array<i64: 512, 32>}, {pipeline_mode = #tpu.pipeline_mode<synchronous>, transform_indices = @transform_3, window_bounds = array<i64: 4096, 32>}, {transform_indices = @transform_4, window_bounds = array<i64: 1, 1, 512>}, {pipeline_mode = #tpu.pipeline_mode<synchronous>, transform_indices = @transform_5, window_bounds = array<i64: 1, 1, 4096>}, {pipeline_mode = #tpu.pipeline_mode<synchronous>, transform_indices = @transform_6, window_bounds = array<i64: 1, 1, 4096>}, {pipeline_mode = #tpu.pipeline_mode<synchronous>, transform_indices = @transform_7, window_bounds = array<i64: 1, 1>}]} {
    %eq3A = arith.constant 0 : i32
    %eq3A_0 = arith.cmpi eq, %arg0, %eq3A : i32
    %convert_element_type3A = arith.extui %eq3A_0 : i1 to i32
    %cond3A = arith.constant 0 : i32
    %cond3A_1 = arith.cmpi ne, %convert_element_type3A, %cond3A : i32
    scf.if %cond3A_1 {
      %swap3A_88 = arith.constant 0.000000e+00 : f32
      %swap3A_89 = arith.constant 0 : index
      %swap3A_90 = memref.load %arg9[%swap3A_89] : memref<2xf32, #tpu.memory_space<smem>>
      memref.store %swap3A_88, %arg9[%swap3A_89] : memref<2xf32, #tpu.memory_space<smem>>
      %swap3A_91 = arith.constant 0.000000e+00 : f32
      %swap3A_92 = arith.constant 1 : index
      %swap3A_93 = memref.load %arg9[%swap3A_92] : memref<2xf32, #tpu.memory_space<smem>>
      memref.store %swap3A_91, %arg9[%swap3A_92] : memref<2xf32, #tpu.memory_space<smem>>
    } else {
    }
    %get3A = arith.constant 0 : index
    %get3A_2 = arith.constant 0 : index
    %get3A_3 = vector.load %arg1[%get3A, %get3A_2] : memref<512x32xf32, #tpu.memory_space<vmem>>, vector<512x32xf32>
    %get3A_4 = arith.constant 0 : index
    %get3A_5 = arith.constant 0 : index
    %get3A_6 = vector.load %arg4[%get3A_4, %get3A_5] : memref<4096x32xf32, #tpu.memory_space<vmem>>, vector<4096x32xf32>
    %convert_element_type3A_7 = arith.truncf %get3A_3 : vector<512x32xf32> to vector<512x32xbf16>
    %convert_element_type3A_8 = arith.truncf %get3A_6 : vector<4096x32xf32> to vector<4096x32xbf16>
    %dot_general3A = arith.constant dense<0.000000e+00> : vector<512x4096xf32>
    %dot_general3A_9 = tpu.matmul %convert_element_type3A_7, %convert_element_type3A_8, %dot_general3A {dimension_numbers = #tpu.dot_dimension_numbers<[1], [1], [0], [0], [0, 0, 1, 0], [], []>, transpose_lhs_hint = false} : vector<512x32xbf16>, vector<4096x32xbf16>, vector<512x4096xf32> -> vector<512x4096xf32>
    %get3A_10 = arith.constant 0 : index
    %get3A_11 = arith.constant 0 : index
    %get3A_12 = arith.constant 0 : index
    %get3A_13 = vector.load %arg2[%get3A_10, %get3A_11, %get3A_12] : memref<1x1x512xi32, #tpu.memory_space<vmem>>, vector<1x1x512xi32>
    %get3A_14 = vector.shape_cast %get3A_13 : vector<1x1x512xi32> to vector<512xi32>
    %get3A_15 = arith.constant 0 : index
    %get3A_16 = arith.constant 0 : index
    %get3A_17 = arith.constant 0 : index
    %get3A_18 = vector.load %arg7[%get3A_15, %get3A_16, %get3A_17] : memref<1x1x4096xi32, #tpu.memory_space<vmem>>, vector<1x1x4096xi32>
    %get3A_19 = vector.shape_cast %get3A_18 : vector<1x1x4096xi32> to vector<4096xi32>
    %get3A_20 = arith.constant 0 : index
    %get3A_21 = arith.constant 0 : index
    %get3A_22 = arith.constant 0 : index
    %get3A_23 = vector.load %arg6[%get3A_20, %get3A_21, %get3A_22] : memref<1x1x4096xf32, #tpu.memory_space<vmem>>, vector<1x1x4096xf32>
    %get3A_24 = vector.shape_cast %get3A_23 : vector<1x1x4096xf32> to vector<4096xf32>
    %get3A_25 = arith.constant 0 : index
    %get3A_26 = arith.constant 0 : index
    %get3A_27 = arith.constant 0 : index
    %get3A_28 = vector.load %arg5[%get3A_25, %get3A_26, %get3A_27] : memref<1x1x512xf32, #tpu.memory_space<vmem>>, vector<1x1x512xf32>
    %get3A_29 = vector.shape_cast %get3A_28 : vector<1x1x512xf32> to vector<512xf32>
    %broadcast_in_dim3A = vector.shape_cast %get3A_14 : vector<512xi32> to vector<512x1xi32>
    %broadcast_in_dim3A_30 = vector.shape_cast %get3A_19 : vector<4096xi32> to vector<1x4096xi32>
    %eq3A_31 = vector.broadcast %broadcast_in_dim3A : vector<512x1xi32> to vector<512x4096xi32>
    %eq3A_32 = vector.broadcast %broadcast_in_dim3A_30 : vector<1x4096xi32> to vector<512x4096xi32>
    %eq3A_33 = arith.cmpi eq, %eq3A_31, %eq3A_32 : vector<512x4096xi32>
    %jit3A = arith.constant -1.000000e+09 : f32
    %broadcast_in_dim3A_34 = vector.broadcast %jit3A : f32 to vector<512x4096xf32>
    %select_n3A = arith.select %eq3A_33, %broadcast_in_dim3A_34, %dot_general3A_9 : vector<512x4096xi1>, vector<512x4096xf32>
    %div3A = arith.constant 1.000000e+00 : f32
    %div3A_35 = vector.broadcast %div3A : f32 to vector<512x4096xf32>
    %div3A_36 = arith.divf %select_n3A, %div3A_35 : vector<512x4096xf32>
    %add3A = arith.constant 1.000000e-10 : f32
    %add3A_37 = vector.broadcast %add3A : f32 to vector<4096xf32>
    %add3A_38 = arith.addf %get3A_24, %add3A_37 : vector<4096xf32>
    %log3A = math.log %add3A_38 : vector<4096xf32>
    %broadcast_in_dim3A_39 = vector.shape_cast %log3A : vector<4096xf32> to vector<1x4096xf32>
    %sub3A = vector.broadcast %broadcast_in_dim3A_39 : vector<1x4096xf32> to vector<512x4096xf32>
    %sub3A_40 = arith.subf %div3A_36, %sub3A : vector<512x4096xf32>
    %get3A_41 = arith.constant 0 : index
    %get3A_42 = arith.constant 0 : index
    %get3A_43 = vector.load %arg3[%get3A_41, %get3A_42] : memref<512x32xf32, #tpu.memory_space<vmem>>, vector<512x32xf32>
    %mul3A = arith.mulf %get3A_3, %get3A_43 : vector<512x32xf32>
    %reduce_sum3A = arith.constant dense<0.000000e+00> : vector<512xf32>
    %reduce_sum3A_44 = vector.multi_reduction <add>, %mul3A, %reduce_sum3A [1] : vector<512x32xf32> to vector<512xf32>
    %div3A_45 = arith.constant 1.000000e+00 : f32
    %div3A_46 = vector.broadcast %div3A_45 : f32 to vector<512xf32>
    %div3A_47 = arith.divf %reduce_sum3A_44, %div3A_46 : vector<512xf32>
    %add3A_48 = arith.constant 1.000000e-10 : f32
    %add3A_49 = vector.broadcast %add3A_48 : f32 to vector<512xf32>
    %add3A_50 = arith.addf %get3A_29, %add3A_49 : vector<512xf32>
    %log3A_51 = math.log %add3A_50 : vector<512xf32>
    %sub3A_52 = arith.subf %div3A_47, %log3A_51 : vector<512xf32>
    %exp3A = math.exp %sub3A_40 : vector<512x4096xf32>
    %reduce_sum3A_53 = arith.constant dense<0.000000e+00> : vector<512xf32>
    %reduce_sum3A_54 = vector.multi_reduction <add>, %exp3A, %reduce_sum3A_53 [1] : vector<512x4096xf32> to vector<512xf32>
    %exp3A_55 = math.exp %sub3A_52 : vector<512xf32>
    %add3A_56 = arith.addf %reduce_sum3A_54, %exp3A_55 : vector<512xf32>
    %log3A_57 = math.log %add3A_56 : vector<512xf32>
    %sub3A_58 = arith.subf %log3A_57, %sub3A_52 : vector<512xf32>
    %ne3A = arith.constant 0 : i32
    %ne3A_59 = vector.broadcast %ne3A : i32 to vector<512xi32>
    %ne3A_60 = arith.cmpi ne, %get3A_14, %ne3A_59 : vector<512xi32>
    %convert_element_type3A_61 = arith.extui %ne3A_60 : vector<512xi1> to vector<512xi32>
    %convert_element_type3A_62 = arith.sitofp %convert_element_type3A_61 : vector<512xi32> to vector<512xf32>
    %get3A_63 = arith.constant 0 : index
    %get3A_64 = memref.load %arg9[%get3A_63] : memref<2xf32, #tpu.memory_space<smem>>
    %mul3A_65 = arith.mulf %sub3A_58, %convert_element_type3A_62 : vector<512xf32>
    %reduce_sum3A_66 = vector.shape_cast %mul3A_65 : vector<512xf32> to vector<1x512xf32>
    %reduce_sum3A_67 = arith.constant dense<0.000000e+00> : vector<1xf32>
    %reduce_sum3A_68 = vector.multi_reduction <add>, %reduce_sum3A_66, %reduce_sum3A_67 [1] : vector<1x512xf32> to vector<1xf32>
    %reduce_sum3A_69 = vector.shape_cast %reduce_sum3A_68 : vector<1xf32> to vector<1x1xf32>
    %reduce_sum3A_70 = vector.extract %reduce_sum3A_69[0, 0] : f32 from vector<1x1xf32>
    %add3A_71 = arith.addf %get3A_64, %reduce_sum3A_70 : f32
    %swap3A = arith.constant 0 : index
    %swap3A_72 = memref.load %arg9[%swap3A] : memref<2xf32, #tpu.memory_space<smem>>
    memref.store %add3A_71, %arg9[%swap3A] : memref<2xf32, #tpu.memory_space<smem>>
    %get3A_73 = arith.constant 1 : index
    %get3A_74 = memref.load %arg9[%get3A_73] : memref<2xf32, #tpu.memory_space<smem>>
    %reduce_sum3A_75 = vector.shape_cast %convert_element_type3A_62 : vector<512xf32> to vector<1x512xf32>
    %reduce_sum3A_76 = arith.constant dense<0.000000e+00> : vector<1xf32>
    %reduce_sum3A_77 = vector.multi_reduction <add>, %reduce_sum3A_75, %reduce_sum3A_76 [1] : vector<1x512xf32> to vector<1xf32>
    %reduce_sum3A_78 = vector.shape_cast %reduce_sum3A_77 : vector<1xf32> to vector<1x1xf32>
    %reduce_sum3A_79 = vector.extract %reduce_sum3A_78[0, 0] : f32 from vector<1x1xf32>
    %add3A_80 = arith.addf %get3A_74, %reduce_sum3A_79 : f32
    %swap3A_81 = arith.constant 1 : index
    %swap3A_82 = memref.load %arg9[%swap3A_81] : memref<2xf32, #tpu.memory_space<smem>>
    memref.store %add3A_80, %arg9[%swap3A_81] : memref<2xf32, #tpu.memory_space<smem>>
    %eq3A_83 = arith.constant 31 : i32
    %eq3A_84 = arith.cmpi eq, %arg0, %eq3A_83 : i32
    %convert_element_type3A_85 = arith.extui %eq3A_84 : i1 to i32
    %cond3A_86 = arith.constant 0 : i32
    %cond3A_87 = arith.cmpi ne, %convert_element_type3A_85, %cond3A_86 : i32
    scf.if %cond3A_87 {
      %get3A_88 = arith.constant 0 : index
      %get3A_89 = memref.load %arg9[%get3A_88] : memref<2xf32, #tpu.memory_space<smem>>
      %get3A_90 = arith.constant 1 : index
      %get3A_91 = memref.load %arg9[%get3A_90] : memref<2xf32, #tpu.memory_space<smem>>
      %div3A_92 = arith.divf %get3A_89, %get3A_91 : f32
      %reshape3A = vector.broadcast %div3A_92 : f32 to vector<1x1xf32>
      %swap3A_93 = arith.constant 0 : index
      %swap3A_94 = arith.constant 0 : index
      %swap3A_95 = vector.load %arg8[%swap3A_93, %swap3A_94] : memref<1x1xf32, #tpu.memory_space<vmem>>, vector<1x1xf32>
      tpu.vector_store %arg8[%swap3A_93, %swap3A_94], %reshape3A {strides = array<i32>} : memref<1x1xf32, #tpu.memory_space<vmem>>, vector<1x1xf32>,
    } else {
    }
    return
  }
  func.func @transform_0(%arg0: i32) -> (i32, i32) {
    %c0_i32 = arith.constant 0 : i32
    %c0_i32_0 = arith.constant 0 : i32
    return %arg0, %c0_i32 : i32, i32
  }
  func.func @transform_1(%arg0: i32) -> (i32, i32, i32) {
    %c0_i32 = arith.constant 0 : i32
    %c0_i32_0 = arith.constant 0 : i32
    %c0_i32_1 = arith.constant 0 : i32
    return %arg0, %c0_i32, %c0_i32_0 : i32, i32, i32
  }
  func.func @transform_2(%arg0: i32) -> (i32, i32) {
    %c0_i32 = arith.constant 0 : i32
    %c0_i32_0 = arith.constant 0 : i32
    return %arg0, %c0_i32 : i32, i32
  }
  func.func @transform_3(%arg0: i32) -> (i32, i32) {
    %c0_i32 = arith.constant 0 : i32
    %c0_i32_0 = arith.constant 0 : i32
    %c0_i32_1 = arith.constant 0 : i32
    return %c0_i32, %c0_i32_0 : i32, i32
  }
  func.func @transform_4(%arg0: i32) -> (i32, i32, i32) {
    %c0_i32 = arith.constant 0 : i32
    %c0_i32_0 = arith.constant 0 : i32
    %c0_i32_1 = arith.constant 0 : i32
    return %arg0, %c0_i32, %c0_i32_0 : i32, i32, i32
  }
  func.func @transform_5(%arg0: i32) -> (i32, i32, i32) {
    %c0_i32 = arith.constant 0 : i32
    %c0_i32_0 = arith.constant 0 : i32
    %c0_i32_1 = arith.constant 0 : i32
    %c0_i32_2 = arith.constant 0 : i32
    return %c0_i32, %c0_i32_0, %c0_i32_1 : i32, i32, i32
  }
  func.func @transform_6(%arg0: i32) -> (i32, i32, i32) {
    %c0_i32 = arith.constant 0 : i32
    %c0_i32_0 = arith.constant 0 : i32
    %c0_i32_1 = arith.constant 0 : i32
    %c0_i32_2 = arith.constant 0 : i32
    return %c0_i32, %c0_i32_0, %c0_i32_1 : i32, i32, i32
  }
  func.func @transform_7(%arg0: i32) -> (i32, i32) {
    %c0_i32 = arith.constant 0 : i32
    %c0_i32_0 = arith.constant 0 : i32
    %c0_i32_1 = arith.constant 0 : i32
    return %c0_i32, %c0_i32_0 : i32, i32
  }
}

</mosaic_0001>

<sc_bundles>
// kernel: kernel.6.cloned.1.call-start
scs
__scs_entry_jumppad:
0x0: {  	(pc) =	sbr.rel $0x88, $3  }
0x1: {  	(tag) =	ssettag $0x0;
	lr =	simm.s32 $0x1  }
0x2: {  	[smem:$0x3F9D] =	sst lr;
	_ =	strace $0xD0000000  }
0x3: {  	_ = 	snop  }
0x4: {  	_ = 	snop  }
0x5: {  	_ = 	snop  }
0x6: {  	_ = 	snop  }
0x7: {  	_ = 	snop  }
__scs_overlays_trampoline_lowered:
0x8: {  	[smem:$0x3FAC] =	sst s0  }
0x9: {  	[smem:$0x3FAD] =	sst s1  }
0xa: {  	[smem:$0x3FAE] =	sst s2  }
0xb: {  	[smem:$0x3FAF] =	sst s3  }
0xc: {  	[smem:$0x3FB0] =	sst s4  }
0xd: {  	[smem:$0x3FB1] =	sst s5  }
0xe: {  	[smem:$0x3FB2] =	sst s6  }
0xf: {  	[smem:$0x3FB3] =	sst s7  }
0x10: {  	[smem:$0x3FB4] =	sst s8  }
0x11: {  	[smem:$0x3FB5] =	sst s9;
	s0 =	simm.s32 @!p0 $0x0  }
0x12: {  	s1 =	sld [smem:$0x3F9B];
	s0 =	simm.s32 @p0 $0x1  }
0x13: {  	[smem:$0x3FB6] =	sst s0;
	s0 =	simm.s32 @!p1 $0x0  }
0x14: {  	s2 =	sld [smem:$0x3F9A];
	s0 =	simm.s32 @p1 $0x1  }
0x15: {  	[smem:$0x3FB7] =	sst s0;
	s0 =	simm.s32 @!p2 $0x0  }
0x16: {  	s3 =	sld [smem:$0x3FDB];
	s0 =	simm.s32 @p2 $0x1  }
0x17: {  	s4 =	simm.s32 $0x1BF5;
	[smem:$0x3FB9] =	sst s0  }
0x18: {  	s0 =	sld [smem:$0x3F9C];
	_ =	swait.ge [sflag:s4], $0x0  }
0x19: {  	s7 =	sld [smem:$0x3F9D]  }
0x1a: {  	s8 =	sadd.s32 $0xFFFFE003, lr  }
0x1b: {  	s9 =	sadd.s32 $0xFFFFFEF7, lr;
	s5 =	simm.s32 $0xFFFFFFFF;
	p2 =	slt.u32 s8, $0xFFFFF086  }
0x1c: {  	p1 =	slt.u32 s9, $0xF7A;
	s5 =	simm.s32 @!p2 $0x0  }
0x1d: {  	s5 =	simm.s32 @p1 $0x1;
	p0 =	seq.s32 s7, s2  }
0x1e: {  	s7 =	smul.u32 @!p0 $0xF7A, s2;
	p2 =	seq.s32 @!p0 s5, $0x0  }
0x1f: {  	s9 =	smul.u32 $0xF7A, s1;
	s8 =	simm.s32 @!p0 $0x1BF5;
	p2 =	por !p2, p0  }
0x20: {  	[sflag:s8] =	ssyncset.s32 @!p0 $0xFFFFF086;
	s6 =	sadd.s32 @!p0 s3, s7;
	s7 =	simm.s32 @!p0 $0x108  }
0x21: {  	s3 =	sadd.s32 s3, s9;
	s6 =	sadd.s32 @!p0 $0x88, s6;
	s7 =	simm.s32 @p2 $0x1082  }
0x22: {  	[simem:s7], [sflag:s8] =	dma.local @!p0 [hbm:s6], $0xF7A  }
0x23: {  	s9 =	sor.u32 $0xD0000000, s2;
	s6 =	simm.s32 $0x108;
	_ =	swait.ge @!p0 [sflag:s8], $0x0  }
0x24: {  	s3 =	sadd.s32 $0x88, s3;
	s6 =	simm.s32 @!p1 $0x1082;
	[sflag:s4] =	ssyncset.s32 $0xFFFFF086  }
0x25: {  	[simem:s6], [sflag:s4] =	dma.local [hbm:s3], $0xF7A  }
0x26: {  	[smem:$0x3F9D] =	sst s1;
	(tag) =	ssettag s2;
	_ =	strace s9  }
0x27: {  	s1 =	sld [smem:$0x3FAD]  }
0x28: {  	s2 =	sld [smem:$0x3FAE]  }
0x29: {  	s4 =	sld [smem:$0x3FB0]  }
0x2a: {  	p0 =	seq.s32 s5, $0x0;
	s5 =	sld [smem:$0x3FB1]  }
0x2b: {  	s6 =	sld [smem:$0x3FB2]  }
0x2c: {  	s7 =	sld [smem:$0x3FB3]  }
0x2d: {  	s3 =	simm.s32 $0x108;
	s8 =	sld [smem:$0x3FB4]  }
0x2e: {  	s3 =	simm.s32 @!p0 $0x1082;
	s9 =	sld [smem:$0x3FB5]  }
0x2f: {  	lr =	sadd.s32 s0, s3;
	s0 =	sld [smem:$0x3FAC]  }
0x30: {  	s3 =	sld [smem:$0x3FAF]  }
0x31: {  	[smem:$0x3FB8] =	sst s10  }
0x32: {  	s10 =	sld [smem:$0x3FB6];
	_ =	sdelay $0x3  }
0x33: {  	p0 =	seq.s32 s10, $0x1;
	s10 =	sld [smem:$0x3FB8];
	_ =	sdelay $0x3  }
0x34: {  	[smem:$0x3FB8] =	sst s10  }
0x35: {  	s10 =	sld [smem:$0x3FB7];
	_ =	sdelay $0x3  }
0x36: {  	p1 =	seq.s32 s10, $0x1;
	s10 =	sld [smem:$0x3FB8];
	_ =	sdelay $0x3  }
0x37: {  	[smem:$0x3FB8] =	sst s10  }
0x38: {  	s10 =	sld [smem:$0x3FB9]  }
0x39: {  	_ = 	snop;
	(pc) =	sbr.ind lr, $3  }
0x3a: {  	_ = 	snop  }
0x3b: {  	_ = 	snop  }
0x3c: {  	p2 =	seq.s32 s10, $0x1;
	s10 =	sld [smem:$0x3FB8]  }
0x3d: {  	_ =	shalt  }
0x3e: {  	_ =	shalt  }
0x3f: {  	_ =	shalt  }
0x40: {  	_ =	shalt  }
0x41: {  	_ =	shalt  }
0x42: {  	_ =	shalt  }
0x43: {  	_ =	shalt  }
0x44: {  	_ =	shalt  }
0x45: {  	_ =	shalt  }
0x46: {  	_ =	shalt  }
0x47: {  	_ =	shalt  }
0x48: {  	_ =	shalt  }
0x49: {  	_ =	shalt  }
0x4a: {  	_ =	shalt  }
0x4b: {  	_ =	shalt  }
0x4c: {  	_ =	shalt  }
0x4d: {  	_ =	shalt  }
0x4e: {  	_ =	shalt  }
0x4f: {  	_ =	shalt  }
0x50: {  	_ =	shalt  }
0x51: {  	_ =	shalt  }
0x52: {  	_ =	shalt  }
0x53: {  	_ =	shalt  }
0x54: {  	_ =	shalt  }
0x55: {  	_ =	shalt  }
0x56: {  	_ =	shalt  }
0x57: {  	_ =	shalt  }
0x58: {  	_ =	shalt  }
0x59: {  	_ =	shalt  }
0x5a: {  	_ =	shalt  }
0x5b: {  	_ =	shalt  }
0x5c: {  	_ =	shalt  }
0x5d: {  	_ =	shalt  }
0x5e: {  	_ =	shalt  }
0x5f: {  	_ =	shalt  }
0x60: {  	_ =	shalt  }
0x61: {  	_ =	shalt  }
0x62: {  	_ =	shalt  }
0x63: {  	_ =	shalt  }
0x64: {  	_ =	shalt  }
0x65: {  	_ =	shalt  }
0x66: {  	_ =	shalt  }
0x67: {  	_ =	shalt  }
0x68: {  	_ =	shalt  }
0x69: {  	_ =	shalt  }
0x6a: {  	_ =	shalt  }
0x6b: {  	_ =	shalt  }
0x6c: {  	_ =	shalt  }
0x6d: {  	_ =	shalt  }
0x6e: {  	_ =	shalt  }
0x6f: {  	_ =	shalt  }
0x70: {  	_ =	shalt  }
0x71: {  	_ =	shalt  }
0x72: {  	_ =	shalt  }
0x73: {  	_ =	shalt  }
0x74: {  	_ =	shalt  }
0x75: {  	_ =	shalt  }
0x76: {  	_ =	shalt  }
0x77: {  	_ =	shalt  }
0x78: {  	_ =	shalt  }
0x79: {  	_ =	shalt  }
0x7a: {  	_ =	shalt  }
0x7b: {  	_ =	shalt  }
0x7c: {  	_ =	shalt  }
0x7d: {  	_ =	shalt  }
0x7e: {  	_ =	shalt  }
0x7f: {  	_ =	shalt  }
0x80: {  	_ =	shalt  }
0x81: {  	_ =	shalt  }
0x82: {  	_ =	shalt  }
0x83: {  	_ =	shalt  }
0x84: {  	_ =	shalt  }
0x85: {  	_ =	shalt  }
0x86: {  	_ =	shalt  }
0x87: {  	_ =	shalt  }
.Lfunc_end0:
.L_simem_size_0:
called_computation_lowered:
.L_overlay_start_0:
0x88: {  	s2 =	sld [smem:$0x3FD9]  }
0x89: {  	s3 =	sld [smem:$0x3FFE];
	_ =	sdelay $0x1  }
0x8a: {  	s1 =	srdreg.scid  }
0x8b: {  	s0 =	sand.u32 $0x1, s1  }
0x8c: {  	s17 =	sshll.u32 s0, $0xA;
	s2 =	sadd.s32 s3, s2  }
0x8d: {  	s2 =	sadd.s32 s2, s17  }
0x8e: {  	[smem:$0x3FC4] =	sst s2  }
0x8f: {  	_ = 	snop  }
0x90: {  	s2 =	sld [smem:$0x3FC8]  }
0x91: {  	s18 =	sld [smem:$0x3FC6];
	(tm) =	ssettm $0x1  }
0x92: {  	s4 =	sld [smem:$0x3FFB];
	_ =	sdelay $0x3  }
0x93: {  	_ =	strace s4  }
0x94: {  	s4 =	sld [smem:$0x3FFC];
	_ =	sdelay $0x3  }
0x95: {  	_ =	strace s4  }
0x96: {  	s4 =	sld [smem:$0x3FFD];
	_ =	sdelay $0x3  }
0x97: {  	_ =	strace s4  }
0x98: {  	_ =	strace $0x8FFFFFFF  }
0x99: {  	s19 =	sld [smem:$0x3FDB];
	_ =	sdelay $0x1  }
0x9a: {  	s5 =	simm.s32 $_scs_section_size  }
0x9b: {  	s6 =	simm.s32 $_size__tile_overlayer_lowered;
	s7 =	simm.s32 $_tile_overlayer_lowered  }
0x9c: {  	s22 =	simm.s32 $0x1BFF;
	s21 =	sshll.u32 s7, $0x1;
	s4 =	sadd.s32 s5, s19  }
0x9d: {  	s8 =	simm.s32 $0x0;
	s20 =	sshll.u32 s6, $0x1;
	s6 =	sadd.s32 s21, s4  }
0x9e: {  	[timem:s8], [sflag:s22] =	dma.local [hbm:s6], s20  }
0x9f: {  	_ =	swait.ge [sflag:s22], s20  }
0xa0: {  	s5 =	ssub.s32 $0x0, s20;
	[sflag:s22] =	ssyncset.done $0x0  }
0xa1: {  	[sflag:s22] =	ssyncadd.s32 s5;
	_ =	sdelay $0x1  }
0xa2: {  	s23 =	simm.s32 $0x1B8B  }
0xa3: {  	_ =	swait.ge [sflag:s23], $0x1  }
0xa4: {  	[sflag:s23] =	ssyncset.done $0x0  }
0xa5: {  	s25 =	simm.s32 $0x1B8E;
	s24 =	sld [smem:$0x3FFE];
	[sflag:s23] =	ssyncadd.s32 $0xFFFFFFFF  }
0xa6: {  	s26 =	simm.s32 $execute0_lowered;
	[smem:$0x3FD2] =	sst s25  }
0xa7: {  	s6 =	sshll.u32 s26, $0x1;
	_ =	strace $0x80000046;
	[dreg:$0x1] =	wrdreg $0xFFFFFFFF  }
0xa8: {  	s28 =	simm.s32 $_size_execute0_lowered;
	s4 =	sadd.s32 s4, s6;
	[dreg:$0x0] =	wrdreg $0x0  }
0xa9: {  	s6 =	sshll.u32 s28, $0x1;
	[dreg:$0x2] =	wrdreg s4  }
0xaa: {  	[dreg:$0x3] =	wrdreg s6  }
0xab: {  	[dreg:$0x4] =	wrdreg $0xC0  }
0xac: {  	_ =	task [dreg:s8], $0x5FFFF  }
0xad: {  	[dreg:$0x1] =	wrdreg $0xFFFFFFFF  }
0xae: {  	[dreg:$0x0] =	wrdreg $0x60  }
0xaf: {  	[dreg:$0x2] =	wrdreg s24  }
0xb0: {  	[dreg:$0x3] =	wrdreg s2  }
0xb1: {  	[dreg:$0x4] =	wrdreg s18  }
0xb2: {  	[dreg:$0x5] =	wrdreg $0x42000  }
0xb3: {  	[dreg:$0x6] =	wrdreg $0x9  }
0xb4: {  	_ =	task.clear_ibuf [dreg:s8], $0x7FFFF;
	_ =	strace $0x90000046  }
0xb5: {  	s29 =	simm.s32 $0x9;
	_ =	strace $0x80000048  }
0xb6: {  	_ =	swait.ge [sflag:s29], $0x1  }
0xb7: {  	[sflag:s29] =	ssyncadd.s32 $0xFFFFFFFF  }
0xb8: {  	_ =	strace $0x90000048  }
0xb9: {  	_ =	sfence  }
0xba: {  	s30 =	sld [smem:$0x0];
	_ =	sdelay $0x2  }
0xbb: {  	s31 =	sshll.u32 s1, $0xD;
	s1 =	sshrl.u32 s1, $0x2  }
0xbc: {  	s3 =	sand.u32 $0x4000, s31;
	s1 =	sadd.s32 s1, s30  }
0xbd: {  	s0 =	sor.u32 s3, s0;
	s1 =	sshll.u32 s1, $0x11  }
0xbe: {  	s0 =	sor.u32 s1, s0  }
0xbf: {  	s0 =	sadd.s32 $0x8F2B, s0  }
0xc0: {  	[sflag:s0] =	ssyncadd.remote.s32 $0x1  }
0xc1: {  	_ =	sfence.sel $0xFFFF  }
0xc2: {  	[dreg:$0x0] =	wrdreg $0xFFFFFFFF;
	(pc) =	sbr.abs _section_cstart, $3  }
0xc3: {  	[dreg:$0x1] =	wrdreg $0xFFFFFFFF  }
0xc4: {  	_ =	task.clear_ibuf [dreg:s8], $0x2FFFF;
	_ =	strace $0x9FFFFFFF  }
0xc5: {  	(tm) =	ssettm $0x7FFFFFFF  }
tec
execute0_lowered:
.L_overlay_start_1:
0x0: {  	(tag) =	ssettag $0x1  }
0x1: {  	s0 =	rddreg [dreg:$0x0]  }
0x2: {  	s1 =	rddreg [dreg:$0x1];
	v0 =	vimm.s32 $0xEDCBA987;
	v1 =	vimm.s32 $0x65432100  }
0x3: {  	s2 =	rddreg [dreg:$0x2];
	v2 =	vimm.s32 $0xDCBA9876;
	v3 =	vimm.s32 $0x54321000;
	v4 =	vimm.s32 $0xBA987654  }
0x4: {  	s11 =	rddreg [dreg:$0x3];
	s4 =	simm.s32 $0x0;
	v5 =	vimm.s32 $0xE40000;
	v6 =	vimm.s32 $0x32100000;
	v0 =	vunpack.c.l.s4.s8 v0  }
0x5: {  	s8 =	stileid.u32;
	s3 =	srdreg.scid;
	s17 =	simm.s32 $0x2;
	v1 =	vunpack.c.l.s4.s8 v1;
	v2 =	vunpack.c.l.s4.s8 v2;
	v4 =	vunpack.c.l.s4.s8 v4  }
0x6: {  	s18 =	simm.s32 $0x6400;
	s19 =	simm.s32 $0x4000;
	s20 =	simm.s32 $0x4400;
	v3 =	vunpack.c.l.s4.s8 v3;
	v5 =	vunpack.c.l.s2.s4 v5;
	v6 =	vunpack.c.l.s4.s8 v6  }
0x7: {  	s21 =	simm.s32 $0x6480;
	s23 =	simm.s32 $0x80;
	s28 =	simm.s32 $0xA680;
	v0 =	vunpack.c.0.s8.s32 v0;
	v2 =	vunpack.c.0.s8.s32 v2;
	v4 =	vunpack.c.0.s8.s32 v4  }
0x8: {  	s29 =	simm.s32 $0xA700;
	s30 =	simm.s32 $0xA780;
	s31 =	simm.s32 $0xA980;
	v1 =	vunpack.c.0.s8.s32 v1;
	v3 =	vunpack.c.0.s8.s32 v3;
	v5 =	vunpack.c.l.s4.s8 v5  }
0x9: {  	[smem:$0x7FF] =	sst s4;
	s3 =	sand.u32 $0x1, s3;
	s5 =	sshll.u32 s8, $0x1;
	v0 =	vand.u32 $0xF, v0;
	v2 =	vand.u32 $0xF, v2;
	v4 =	vand.u32 $0xF, v4  }
0xa: {  	s6 =	sshll.u32 s8, $0xD;
	s10 =	sshll.u32 s8, $0x9;
	_ =	strace $0x80000047;
	v5 =	vunpack.c.0.s8.s32 v5;
	v2 =	vcombine.low v3, v2;
	v3 =	vunpack.c.0.s8.s32 v6  }
0xb: {  	s7 =	sor.u32 s3, s5;
	s5 =	sadd.s32 $0x2000, s0;
	s9 =	sadd.s32 s6, s0;
	v0 =	vcombine.low v1, v0;
	v1 =	vlaneseq.u32;
	v6 =	vimm.s32 $0x7060504  }
0xc: {  	s3 =	ssub.s32 $0x2, s3;
	s10 =	sadd.s32 s10, s11;
	s25 =	sshll.u32 s7, $0x4;
	v3 =	vcombine.low v3, v4;
	v4 =	vunpack.c.0.s8.s32 v6;
	v6 =	vmul.u32 $0x200, v1  }
0xd: {  	vm2 =	vcmask $0x3F30;
	s14 =	sshll.u32 s7, $0x6;
	s26 =	sshrl.u32 s3, $0x1;
	s6 =	sadd.s32 $0x22000, s9;
	v5 =	vand.u32 $0x3, v5  }
0xe: {  	s7 =	sadd.s32 $0x22800, s9;
	s8 =	sadd.s32 $0x23000, s9;
	s9 =	sadd.s32 $0x23800, s9;
	v4 =	vsel vm2, v4, v5;
	v5 =	vor.u32 $0x1FF, v6;
	v6 =	vimm.s32 $0x1000  }
0xf: {  	v7 =	vimm.s32 $0x8;
	s13 =	sadd.s32 s25, s0;
	s0 =	sadd.s32 s14, s0;
	s3 =	ssub.s32 s3, s26  }
0x10: {  	s14 =	sadd.s32 s1, s14;
	s25 =	simm.s32 $0x6680;
	s26 =	simm.s32 $0x1  }
0x11: {  	vm0 =	vmmov $0x3;
	vm1 =	vmmov $0xf;
	v8 =	vimm.s32 $0x0;
	s1 =	simm.s32 $0x0;
	s11 =	sadd.s32 $0x1E00, s13;
	s12 =	sadd.s32 $0x42000, s13  }
0x12: {  	v9 =	vimm.s32 $0x1;
	s13 =	sadd.s32 $0x42A00, s13;
	s15 =	sadd.s32 $0x42200, s0;
	s16 =	smax.u32 s3, $0x1;
	v10 =	vmul.u32 $0x80, v1;
	vm2 =	vmmov $0xff  }
.LBB2_1:
0x13: {  	[tilespmem:s4], [sflag:$0x2] =	stream.linear.gather [hbm4b:s6+s4], $0x4000, $0x38;
	[tilespmem:$0xAB80] =	vst v63  }
0x14: {  	_ =	swait.ge [sflag:s17], $0x4000  }
0x15: {  	[sflag:s17] =	ssyncset.done $0x0  }
0x16: {  	s22 =	simm.s32 $0x0;
	[sflag:s17] =	ssyncadd.s32 $0xFFFFC000  }
0x17: {  	v11 =	vld [tilespmem:s22+$0x0];
	_ =	sdelay $0x1  }
0x18: {  	v12 =	vld [tilespmem:s22+$0x200];
	_ =	sdelay $0x1  }
0x19: {  	v13 =	vld [tilespmem:s22+$0x400]  }
0x1a: {  	v11 =	vadd.f32 $0.0e+00, v11  }
0x1b: {  	v14 =	vld [tilespmem:s22+$0x600]  }
0x1c: {  	v11 =	vadd.f32 v12, v11  }
0x1d: {  	v12 =	vld [tilespmem:s22+$0x800]  }
0x1e: {  	v11 =	vadd.f32 v13, v11  }
0x1f: {  	v13 =	vld [tilespmem:s22+$0xA00]  }
0x20: {  	v11 =	vadd.f32 v14, v11  }
0x21: {  	v14 =	vld [tilespmem:s22+$0xC00]  }
0x22: {  	v11 =	vadd.f32 v12, v11  }
0x23: {  	v12 =	vld [tilespmem:s22+$0xE00]  }
0x24: {  	v11 =	vadd.f32 v13, v11  }
0x25: {  	v13 =	vld [tilespmem:s22+$0x1000]  }
0x26: {  	v11 =	vadd.f32 v14, v11  }
0x27: {  	v14 =	vld [tilespmem:s22+$0x1200]  }
0x28: {  	v11 =	vadd.f32 v12, v11  }
0x29: {  	v12 =	vld [tilespmem:s22+$0x1400]  }
0x2a: {  	v11 =	vadd.f32 v13, v11  }
0x2b: {  	v13 =	vld [tilespmem:s22+$0x1600]  }
0x2c: {  	v11 =	vadd.f32 v14, v11  }
0x2d: {  	v14 =	vld [tilespmem:s22+$0x1800]  }
0x2e: {  	v11 =	vadd.f32 v12, v11  }
0x2f: {  	v12 =	vld [tilespmem:s22+$0x1A00]  }
0x30: {  	v11 =	vadd.f32 v13, v11  }
0x31: {  	v13 =	vld [tilespmem:s22+$0x1C00]  }
0x32: {  	v11 =	vadd.f32 v14, v11  }
0x33: {  	s3 =	simm.s32 $0x10;
	v14 =	vld [tilespmem:s22+$0x1E00]  }
0x34: {  	v15 =	vld [tilespmem:s3+$0x0];
	v11 =	vadd.f32 v12, v11  }
0x35: {  	v12 =	vld [tilespmem:s22+$0x2000]  }
0x36: {  	v16 =	vld [tilespmem:s3+$0x200];
	v11 =	vadd.f32 v13, v11  }
0x37: {  	v13 =	vld [tilespmem:s22+$0x2200]  }
0x38: {  	v17 =	vld [tilespmem:s3+$0x400];
	v11 =	vadd.f32 v14, v11  }
0x39: {  	v14 =	vld [tilespmem:s22+$0x2400]  }
0x3a: {  	v18 =	vld [tilespmem:s3+$0x600];
	v15 =	vadd.f32 $0.0e+00, v15;
	v11 =	vadd.f32 v12, v11  }
0x3b: {  	v12 =	vld [tilespmem:s22+$0x2600]  }
0x3c: {  	v15 =	vadd.f32 v16, v15;
	v16 =	vld [tilespmem:s3+$0x800];
	v11 =	vadd.f32 v13, v11  }
0x3d: {  	v13 =	vld [tilespmem:s22+$0x2800]  }
0x3e: {  	v15 =	vadd.f32 v17, v15;
	v17 =	vld [tilespmem:s3+$0xA00];
	v11 =	vadd.f32 v14, v11  }
0x3f: {  	v14 =	vld [tilespmem:s22+$0x2A00]  }
0x40: {  	v15 =	vadd.f32 v18, v15;
	v18 =	vld [tilespmem:s3+$0xC00];
	v11 =	vadd.f32 v12, v11  }
0x41: {  	v12 =	vld [tilespmem:s22+$0x2C00]  }
0x42: {  	v15 =	vadd.f32 v16, v15;
	v16 =	vld [tilespmem:s3+$0xE00];
	v11 =	vadd.f32 v13, v11  }
0x43: {  	v13 =	vld [tilespmem:s22+$0x2E00]  }
0x44: {  	v15 =	vadd.f32 v17, v15;
	v17 =	vld [tilespmem:s3+$0x1000];
	v11 =	vadd.f32 v14, v11  }
0x45: {  	v14 =	vld [tilespmem:s22+$0x3000]  }
0x46: {  	v15 =	vadd.f32 v18, v15;
	v18 =	vld [tilespmem:s3+$0x1200];
	v11 =	vadd.f32 v12, v11  }
0x47: {  	v12 =	vld [tilespmem:s22+$0x3200]  }
0x48: {  	v15 =	vadd.f32 v16, v15;
	v16 =	vld [tilespmem:s3+$0x1400];
	v11 =	vadd.f32 v13, v11  }
0x49: {  	v13 =	vld [tilespmem:s22+$0x3400]  }
0x4a: {  	v15 =	vadd.f32 v17, v15;
	v17 =	vld [tilespmem:s3+$0x1600];
	v11 =	vadd.f32 v14, v11  }
0x4b: {  	v14 =	vld [tilespmem:s22+$0x3600]  }
0x4c: {  	v15 =	vadd.f32 v18, v15;
	v18 =	vld [tilespmem:s3+$0x1800];
	v11 =	vadd.f32 v12, v11  }
0x4d: {  	v12 =	vld [tilespmem:s22+$0x3800]  }
0x4e: {  	v19 =	vld [tilespmem:s22+$0x3A00];
	v15 =	vadd.f32 v16, v15;
	v11 =	vadd.f32 v13, v11  }
0x4f: {  	v13 =	vld [tilespmem:s3+$0x1A00]  }
0x50: {  	v15 =	vadd.f32 v17, v15;
	v16 =	vadd.f32 v14, v11;
	v11 =	vld [tilespmem:s22+$0x3C00]  }
0x51: {  	v14 =	vld [tilespmem:s3+$0x1C00]  }
0x52: {  	v17 =	vadd.f32 v18, v15;
	v15 =	vld [tilespmem:s3+$0x1E00];
	v18 =	vadd.f32 v12, v16  }
0x53: {  	v12 =	vld [tilespmem:s22+$0x3E00]  }
0x54: {  	s24 =	simm.s32 $0x20;
	s0 =	simm.s32 $0xC0;
	v16 =	vadd.f32 v13, v17;
	v13 =	vld [tilespmem:s3+$0x2000];
	v17 =	vadd.f32 v19, v18  }
.LBB2_2:
0x55: {  	p0 =	sne.s32 s0, $0x7C0;
	v18 =	vld [tilespmem:s24+$0x0]  }
0x56: {  	v14 =	vadd.f32 v14, v16;
	v16 =	vld [tilespmem:s3+$0x2200];
	v11 =	vadd.f32 v11, v17  }
0x57: {  	v17 =	vld [tilespmem:s24+$0x200]  }
0x58: {  	v14 =	vadd.f32 v15, v14;
	v15 =	vld [tilespmem:s3+$0x2400];
	v11 =	vadd.f32 v12, v11  }
0x59: {  	v12 =	vld [tilespmem:s24+$0x400]  }
0x5a: {  	v18 =	vadd.f32 $0.0e+00, v18;
	v13 =	vadd.f32 v13, v14;
	v14 =	vld [tilespmem:s3+$0x2600];
	[tilespmem:s22+$0x4000] =	vst v11;
	s22 =	smov.u32 s3;
	s3 =	smov.u32 s24  }
0x5b: {  	v11 =	vld [tilespmem:s3+$0x600]  }
0x5c: {  	v17 =	vadd.f32 v17, v18;
	v13 =	vadd.f32 v16, v13;
	v16 =	vld [tilespmem:s22+$0x2800]  }
0x5d: {  	v18 =	vld [tilespmem:s3+$0x800]  }
0x5e: {  	v12 =	vadd.f32 v12, v17;
	v13 =	vadd.f32 v15, v13;
	v15 =	vld [tilespmem:s22+$0x2A00]  }
0x5f: {  	v17 =	vld [tilespmem:s3+$0xA00]  }
0x60: {  	v11 =	vadd.f32 v11, v12;
	v12 =	vadd.f32 v14, v13;
	v13 =	vld [tilespmem:s22+$0x2C00]  }
0x61: {  	v14 =	vld [tilespmem:s3+$0xC00]  }
0x62: {  	v11 =	vadd.f32 v18, v11;
	v12 =	vadd.f32 v16, v12;
	v16 =	vld [tilespmem:s22+$0x2E00]  }
0x63: {  	v18 =	vld [tilespmem:s3+$0xE00]  }
0x64: {  	v11 =	vadd.f32 v17, v11;
	v12 =	vadd.f32 v15, v12;
	v15 =	vld [tilespmem:s22+$0x3000]  }
0x65: {  	v17 =	vld [tilespmem:s3+$0x1000]  }
0x66: {  	v11 =	vadd.f32 v14, v11;
	v12 =	vadd.f32 v13, v12;
	v13 =	vld [tilespmem:s22+$0x3200]  }
0x67: {  	v14 =	vld [tilespmem:s3+$0x1200]  }
0x68: {  	v11 =	vadd.f32 v18, v11;
	v12 =	vadd.f32 v16, v12;
	v16 =	vld [tilespmem:s22+$0x3400]  }
0x69: {  	v18 =	vld [tilespmem:s3+$0x1400]  }
0x6a: {  	v11 =	vadd.f32 v17, v11;
	v12 =	vadd.f32 v15, v12;
	v15 =	vld [tilespmem:s22+$0x3600]  }
0x6b: {  	v17 =	vld [tilespmem:s3+$0x1600]  }
0x6c: {  	v11 =	vadd.f32 v14, v11;
	v12 =	vadd.f32 v13, v12;
	v13 =	vld [tilespmem:s22+$0x3800]  }
0x6d: {  	v19 =	vld [tilespmem:s3+$0x1800]  }
0x6e: {  	v11 =	vadd.f32 v18, v11;
	v12 =	vadd.f32 v16, v12;
	v18 =	vld [tilespmem:s22+$0x3A00]  }
0x6f: {  	v16 =	vld [tilespmem:s3+$0x1A00]  }
.Ltmp0:
0x70: {  	v17 =	vadd.f32 v17, v11;
	v12 =	vadd.f32 v15, v12;
	v11 =	vld [tilespmem:s22+$0x3C00];
	(pc) =	sbr.rel @p0 .LBB2_2-.Ltmp0, $4  }
0x71: {  	v14 =	vld [tilespmem:s3+$0x1C00]  }
0x72: {  	v17 =	vadd.f32 v19, v17;
	v19 =	vadd.f32 v13, v12;
	v12 =	vld [tilespmem:s22+$0x3E00]  }
0x73: {  	v15 =	vld [tilespmem:s3+$0x1E00]  }
0x74: {  	s24 =	sshra.s32 s0, $0x2;
	s0 =	sadd.s32 $0x40, s0;
	v16 =	vadd.f32 v16, v17;
	v13 =	vld [tilespmem:s3+$0x2000];
	v17 =	vadd.f32 v18, v19  }
0x75: {  	v18 =	vld [tilespmem:s24+$0x0]  }
0x76: {  	v19 =	vld [tilespmem:s3+$0x2200];
	v11 =	vadd.f32 v11, v17  }
0x77: {  	v63 =	vld [tilespmem:s24+$0x200]  }
0x78: {  	v20 =	vld [tilespmem:s3+$0x2400];
	v14 =	vadd.f32 v14, v16;
	v11 =	vadd.f32 v12, v11  }
0x79: {  	v21 =	vld [tilespmem:s24+$0x400]  }
0x7a: {  	v22 =	vld [tilespmem:s3+$0x2600];
	v14 =	vadd.f32 v15, v14;
	v23 =	vadd.f32 $0.0e+00, v18;
	[tilespmem:s22+$0x4000] =	vst v11  }
0x7b: {  	v11 =	vld [tilespmem:s24+$0x600]  }
0x7c: {  	v13 =	vadd.f32 v13, v14;
	v24 =	vadd.f32 v63, v23  }
0x7d: {  	v25 =	vld [tilespmem:s24+$0x800]  }
0x7e: {  	v26 =	vld [tilespmem:s3+$0x2800];
	v13 =	vadd.f32 v19, v13;
	v12 =	vadd.f32 v21, v24  }
0x7f: {  	v27 =	vld [tilespmem:s24+$0xA00]  }
0x80: {  	v28 =	vld [tilespmem:s3+$0x2A00];
	v13 =	vadd.f32 v20, v13;
	v11 =	vadd.f32 v11, v12  }
0x81: {  	v29 =	vld [tilespmem:s24+$0xC00]  }
0x82: {  	v30 =	vld [tilespmem:s3+$0x2C00];
	v13 =	vadd.f32 v22, v13;
	v11 =	vadd.f32 v25, v11  }
0x83: {  	v31 =	vld [tilespmem:s24+$0xE00]  }
0x84: {  	v32 =	vld [tilespmem:s3+$0x2E00];
	v13 =	vadd.f32 v26, v13;
	v11 =	vadd.f32 v27, v11  }
0x85: {  	v33 =	vld [tilespmem:s24+$0x1000]  }
0x86: {  	v34 =	vld [tilespmem:s3+$0x3000];
	v13 =	vadd.f32 v28, v13;
	v11 =	vadd.f32 v29, v11  }
0x87: {  	v35 =	vld [tilespmem:s24+$0x1200]  }
0x88: {  	v36 =	vld [tilespmem:s3+$0x3200];
	v13 =	vadd.f32 v30, v13;
	v11 =	vadd.f32 v31, v11  }
0x89: {  	v37 =	vld [tilespmem:s24+$0x1400]  }
0x8a: {  	v38 =	vld [tilespmem:s3+$0x3400];
	v13 =	vadd.f32 v32, v13;
	v11 =	vadd.f32 v33, v11  }
0x8b: {  	v39 =	vld [tilespmem:s24+$0x1600]  }
0x8c: {  	v40 =	vld [tilespmem:s3+$0x3600];
	v13 =	vadd.f32 v34, v13;
	v11 =	vadd.f32 v35, v11  }
0x8d: {  	v41 =	vld [tilespmem:s24+$0x1800]  }
0x8e: {  	v42 =	vld [tilespmem:s3+$0x3800];
	v13 =	vadd.f32 v36, v13;
	v11 =	vadd.f32 v37, v11  }
0x8f: {  	v43 =	vld [tilespmem:s24+$0x1A00]  }
0x90: {  	v44 =	vld [tilespmem:s3+$0x3A00];
	v13 =	vadd.f32 v38, v13;
	v11 =	vadd.f32 v39, v11  }
0x91: {  	v45 =	vld [tilespmem:s24+$0x1C00]  }
0x92: {  	v46 =	vld [tilespmem:s3+$0x3C00];
	v13 =	vadd.f32 v40, v13;
	v11 =	vadd.f32 v41, v11  }
0x93: {  	v47 =	vld [tilespmem:s24+$0x1E00]  }
0x94: {  	v48 =	vld [tilespmem:s3+$0x3E00];
	v13 =	vadd.f32 v42, v13;
	v11 =	vadd.f32 v43, v11  }
0x95: {  	v49 =	vld [tilespmem:s24+$0x2000]  }
0x96: {  	v13 =	vadd.f32 v44, v13;
	v11 =	vadd.f32 v45, v11  }
0x97: {  	v50 =	vld [tilespmem:s24+$0x2200]  }
0x98: {  	v13 =	vadd.f32 v46, v13;
	v11 =	vadd.f32 v47, v11  }
0x99: {  	v51 =	vld [tilespmem:s24+$0x2400]  }
0x9a: {  	v13 =	vadd.f32 v48, v13;
	v11 =	vadd.f32 v49, v11  }
0x9b: {  	v52 =	vld [tilespmem:s24+$0x2600]  }
0x9c: {  	[tilespmem:s3+$0x4000] =	vst v13;
	v11 =	vadd.f32 v50, v11  }
0x9d: {  	v13 =	vld [tilespmem:s24+$0x2800]  }
0x9e: {  	v11 =	vadd.f32 v51, v11  }
0x9f: {  	v53 =	vld [tilespmem:s24+$0x2A00]  }
0xa0: {  	v11 =	vadd.f32 v52, v11  }
0xa1: {  	v54 =	vld [tilespmem:s24+$0x2C00]  }
0xa2: {  	v11 =	vadd.f32 v13, v11  }
0xa3: {  	v55 =	vld [tilespmem:s24+$0x2E00]  }
0xa4: {  	v11 =	vadd.f32 v53, v11  }
0xa5: {  	v56 =	vld [tilespmem:s24+$0x3000]  }
0xa6: {  	v11 =	vadd.f32 v54, v11  }
0xa7: {  	v57 =	vld [tilespmem:s24+$0x3200]  }
0xa8: {  	v11 =	vadd.f32 v55, v11  }
0xa9: {  	v58 =	vld [tilespmem:s24+$0x3400]  }
0xaa: {  	v11 =	vadd.f32 v56, v11  }
0xab: {  	v59 =	vld [tilespmem:s24+$0x3600]  }
0xac: {  	v11 =	vadd.f32 v57, v11  }
0xad: {  	v60 =	vld [tilespmem:s24+$0x3800]  }
0xae: {  	v11 =	vadd.f32 v58, v11  }
0xaf: {  	v61 =	vld [tilespmem:s24+$0x3A00]  }
0xb0: {  	v11 =	vadd.f32 v59, v11  }
0xb1: {  	v62 =	vld [tilespmem:s24+$0x3C00]  }
0xb2: {  	v11 =	vadd.f32 v60, v11  }
0xb3: {  	v63 =	vld [tilespmem:s24+$0x3E00]  }
0xb4: {  	v11 =	vadd.f32 v61, v11;
	_ =	sdelay $0x1  }
0xb5: {  	v11 =	vadd.f32 v62, v11;
	_ =	sdelay $0x1  }
0xb6: {  	v11 =	vadd.f32 v63, v11;
	_ =	sdelay $0x1  }
0xb7: {  	s0 =	simm.s32 $0x0;
	[tilespmem:s24+$0x4000] =	vst v11  }
0xb8: {  	[tilespmem:s0], [sflag:$0x2] =	stream.linear.gather [hbm4b:s7+s0], $0x4000, $0x38;
	[tilespmem:$0xAB80] =	vst v63  }
0xb9: {  	_ =	swait.ge [sflag:s17], $0x4000  }
0xba: {  	[sflag:s17] =	ssyncset.done $0x0  }
0xbb: {  	s3 =	simm.s32 $0x0;
	[sflag:s17] =	ssyncadd.s32 $0xFFFFC000  }
0xbc: {  	s22 =	simm.s32 $0x40;
	v11 =	vld [tilespmem:s3+$0x0]  }
.LBB2_4:
0xbd: {  	p0 =	sne.s32 s22, $0x7C0;
	v12 =	vld [tilespmem:s3+$0x4000];
	_ =	sdelay $0x1  }
0xbe: {  	v13 =	vld [tilespmem:s3+$0x200];
	_ =	sdelay $0x1  }
0xbf: {  	v14 =	vld [tilespmem:s3+$0x400]  }
0xc0: {  	v11 =	vadd.f32 v11, v12  }
0xc1: {  	v12 =	vld [tilespmem:s3+$0x600]  }
0xc2: {  	v11 =	vadd.f32 v13, v11  }
0xc3: {  	v13 =	vld [tilespmem:s3+$0x800]  }
0xc4: {  	v11 =	vadd.f32 v14, v11  }
0xc5: {  	v14 =	vld [tilespmem:s3+$0xA00]  }
0xc6: {  	v11 =	vadd.f32 v12, v11  }
0xc7: {  	v12 =	vld [tilespmem:s3+$0xC00]  }
0xc8: {  	v11 =	vadd.f32 v13, v11  }
0xc9: {  	v13 =	vld [tilespmem:s3+$0xE00]  }
0xca: {  	v11 =	vadd.f32 v14, v11  }
0xcb: {  	v14 =	vld [tilespmem:s3+$0x1000]  }
0xcc: {  	v11 =	vadd.f32 v12, v11  }
0xcd: {  	v12 =	vld [tilespmem:s3+$0x1200]  }
0xce: {  	v11 =	vadd.f32 v13, v11  }
0xcf: {  	v13 =	vld [tilespmem:s3+$0x1400]  }
0xd0: {  	v11 =	vadd.f32 v14, v11  }
0xd1: {  	v14 =	vld [tilespmem:s3+$0x1600]  }
0xd2: {  	v11 =	vadd.f32 v12, v11  }
0xd3: {  	v12 =	vld [tilespmem:s3+$0x1800]  }
0xd4: {  	v11 =	vadd.f32 v13, v11  }
0xd5: {  	v13 =	vld [tilespmem:s3+$0x1A00]  }
0xd6: {  	v11 =	vadd.f32 v14, v11  }
0xd7: {  	v14 =	vld [tilespmem:s3+$0x1C00]  }
0xd8: {  	v11 =	vadd.f32 v12, v11  }
0xd9: {  	v12 =	vld [tilespmem:s3+$0x1E00]  }
0xda: {  	v11 =	vadd.f32 v13, v11  }
0xdb: {  	v13 =	vld [tilespmem:s3+$0x2000]  }
0xdc: {  	v11 =	vadd.f32 v14, v11  }
0xdd: {  	v14 =	vld [tilespmem:s3+$0x2200]  }
0xde: {  	v11 =	vadd.f32 v12, v11  }
0xdf: {  	v12 =	vld [tilespmem:s3+$0x2400]  }
0xe0: {  	v11 =	vadd.f32 v13, v11  }
0xe1: {  	v13 =	vld [tilespmem:s3+$0x2600]  }
0xe2: {  	v11 =	vadd.f32 v14, v11  }
0xe3: {  	v14 =	vld [tilespmem:s3+$0x2800]  }
0xe4: {  	v11 =	vadd.f32 v12, v11  }
0xe5: {  	v12 =	vld [tilespmem:s3+$0x2A00]  }
0xe6: {  	v11 =	vadd.f32 v13, v11  }
0xe7: {  	v13 =	vld [tilespmem:s3+$0x2C00]  }
0xe8: {  	v11 =	vadd.f32 v14, v11  }
0xe9: {  	v14 =	vld [tilespmem:s3+$0x2E00]  }
0xea: {  	v11 =	vadd.f32 v12, v11  }
0xeb: {  	v12 =	vld [tilespmem:s3+$0x3000]  }
0xec: {  	v11 =	vadd.f32 v13, v11  }
0xed: {  	v13 =	vld [tilespmem:s3+$0x3200]  }
0xee: {  	v11 =	vadd.f32 v14, v11  }
0xef: {  	v14 =	vld [tilespmem:s3+$0x3400]  }
0xf0: {  	v11 =	vadd.f32 v12, v11  }
0xf1: {  	v12 =	vld [tilespmem:s3+$0x3600]  }
0xf2: {  	v11 =	vadd.f32 v13, v11  }
0xf3: {  	v13 =	vld [tilespmem:s3+$0x3800]  }
0xf4: {  	v11 =	vadd.f32 v14, v11  }
0xf5: {  	v14 =	vld [tilespmem:s3+$0x3A00]  }
0xf6: {  	v11 =	vadd.f32 v12, v11  }
0xf7: {  	v12 =	vld [tilespmem:s3+$0x3C00]  }
0xf8: {  	v11 =	vadd.f32 v13, v11  }
0xf9: {  	v13 =	vld [tilespmem:s3+$0x3E00]  }
0xfa: {  	v11 =	vadd.f32 v14, v11;
	_ =	sdelay $0x1  }
.Ltmp1:
0xfb: {  	v11 =	vadd.f32 v12, v11;
	(pc) =	sbr.rel @p0 .LBB2_4-.Ltmp1, $4  }
0xfc: {  	_ = 	snop  }
0xfd: {  	v12 =	vadd.f32 v13, v11  }
0xfe: {  	s0 =	sshra.s32 s22, $0x2  }
0xff: {  	s22 =	sadd.s32 $0x40, s22;
	v11 =	vld [tilespmem:s0+$0x0];
	[tilespmem:s3+$0x4000] =	vst v12;
	s3 =	smov.u32 s0  }
0x100: {  	v12 =	vld [tilespmem:s3+$0x4000];
	_ =	sdelay $0x1  }
0x101: {  	v13 =	vld [tilespmem:s3+$0x200];
	_ =	sdelay $0x1  }
0x102: {  	v14 =	vld [tilespmem:s3+$0x400]  }
0x103: {  	v11 =	vadd.f32 v11, v12  }
0x104: {  	v35 =	vld [tilespmem:s3+$0x600]  }
0x105: {  	v11 =	vadd.f32 v13, v11  }
0x106: {  	v36 =	vld [tilespmem:s3+$0x800]  }
0x107: {  	v11 =	vadd.f32 v14, v11  }
0x108: {  	v37 =	vld [tilespmem:s3+$0xA00]  }
0x109: {  	v11 =	vadd.f32 v35, v11  }
0x10a: {  	v38 =	vld [tilespmem:s3+$0xC00]  }
0x10b: {  	v11 =	vadd.f32 v36, v11  }
0x10c: {  	v39 =	vld [tilespmem:s3+$0xE00]  }
0x10d: {  	v11 =	vadd.f32 v37, v11  }
0x10e: {  	v40 =	vld [tilespmem:s3+$0x1000]  }
0x10f: {  	v11 =	vadd.f32 v38, v11  }
0x110: {  	v41 =	vld [tilespmem:s3+$0x1200]  }
0x111: {  	v11 =	vadd.f32 v39, v11  }
0x112: {  	v42 =	vld [tilespmem:s3+$0x1400]  }
0x113: {  	v11 =	vadd.f32 v40, v11  }
0x114: {  	v43 =	vld [tilespmem:s3+$0x1600]  }
0x115: {  	v11 =	vadd.f32 v41, v11  }
0x116: {  	v44 =	vld [tilespmem:s3+$0x1800]  }
0x117: {  	v11 =	vadd.f32 v42, v11  }
0x118: {  	v45 =	vld [tilespmem:s3+$0x1A00]  }
0x119: {  	v11 =	vadd.f32 v43, v11  }
0x11a: {  	v46 =	vld [tilespmem:s3+$0x1C00]  }
0x11b: {  	v11 =	vadd.f32 v44, v11  }
0x11c: {  	v47 =	vld [tilespmem:s3+$0x1E00]  }
0x11d: {  	v11 =	vadd.f32 v45, v11  }
0x11e: {  	v48 =	vld [tilespmem:s3+$0x2000]  }
0x11f: {  	v11 =	vadd.f32 v46, v11  }
0x120: {  	v49 =	vld [tilespmem:s3+$0x2200]  }
0x121: {  	v11 =	vadd.f32 v47, v11  }
0x122: {  	v50 =	vld [tilespmem:s3+$0x2400]  }
0x123: {  	v11 =	vadd.f32 v48, v11  }
0x124: {  	v51 =	vld [tilespmem:s3+$0x2600]  }
0x125: {  	v11 =	vadd.f32 v49, v11  }
0x126: {  	v52 =	vld [tilespmem:s3+$0x2800]  }
0x127: {  	v11 =	vadd.f32 v50, v11  }
0x128: {  	v53 =	vld [tilespmem:s3+$0x2A00]  }
0x129: {  	v11 =	vadd.f32 v51, v11  }
0x12a: {  	v54 =	vld [tilespmem:s3+$0x2C00]  }
0x12b: {  	v11 =	vadd.f32 v52, v11  }
0x12c: {  	v55 =	vld [tilespmem:s3+$0x2E00]  }
0x12d: {  	v11 =	vadd.f32 v53, v11  }
0x12e: {  	v56 =	vld [tilespmem:s3+$0x3000]  }
0x12f: {  	v11 =	vadd.f32 v54, v11  }
0x130: {  	v57 =	vld [tilespmem:s3+$0x3200]  }
0x131: {  	v11 =	vadd.f32 v55, v11  }
0x132: {  	v58 =	vld [tilespmem:s3+$0x3400]  }
0x133: {  	v11 =	vadd.f32 v56, v11  }
0x134: {  	v59 =	vld [tilespmem:s3+$0x3600]  }
0x135: {  	v11 =	vadd.f32 v57, v11  }
0x136: {  	v60 =	vld [tilespmem:s3+$0x3800]  }
0x137: {  	v11 =	vadd.f32 v58, v11  }
0x138: {  	v61 =	vld [tilespmem:s3+$0x3A00]  }
0x139: {  	v11 =	vadd.f32 v59, v11  }
0x13a: {  	v62 =	vld [tilespmem:s3+$0x3C00]  }
0x13b: {  	v11 =	vadd.f32 v60, v11  }
0x13c: {  	v63 =	vld [tilespmem:s3+$0x3E00]  }
0x13d: {  	v11 =	vadd.f32 v61, v11;
	_ =	sdelay $0x1  }
0x13e: {  	v11 =	vadd.f32 v62, v11;
	_ =	sdelay $0x1  }
0x13f: {  	v11 =	vadd.f32 v63, v11;
	_ =	sdelay $0x1  }
0x140: {  	s0 =	simm.s32 $0x0;
	[tilespmem:s3+$0x4000] =	vst v11  }
0x141: {  	[tilespmem:s0], [sflag:$0x2] =	stream.linear.gather [hbm4b:s8+s0], $0x4000, $0x38;
	[tilespmem:$0xAB80] =	vst v63  }
0x142: {  	_ =	swait.ge [sflag:s17], $0x4000  }
0x143: {  	[sflag:s17] =	ssyncset.done $0x0  }
0x144: {  	s3 =	simm.s32 $0x0;
	[sflag:s17] =	ssyncadd.s32 $0xFFFFC000  }
0x145: {  	s22 =	simm.s32 $0x40;
	v11 =	vld [tilespmem:s3+$0x0]  }
.LBB2_6:
0x146: {  	p0 =	sne.s32 s22, $0x7C0;
	v12 =	vld [tilespmem:s3+$0x4000];
	_ =	sdelay $0x1  }
0x147: {  	v13 =	vld [tilespmem:s3+$0x200];
	_ =	sdelay $0x1  }
0x148: {  	v14 =	vld [tilespmem:s3+$0x400]  }
0x149: {  	v11 =	vadd.f32 v11, v12  }
0x14a: {  	v12 =	vld [tilespmem:s3+$0x600]  }
0x14b: {  	v11 =	vadd.f32 v13, v11  }
0x14c: {  	v13 =	vld [tilespmem:s3+$0x800]  }
0x14d: {  	v11 =	vadd.f32 v14, v11  }
0x14e: {  	v14 =	vld [tilespmem:s3+$0xA00]  }
0x14f: {  	v11 =	vadd.f32 v12, v11  }
0x150: {  	v12 =	vld [tilespmem:s3+$0xC00]  }
0x151: {  	v11 =	vadd.f32 v13, v11  }
0x152: {  	v13 =	vld [tilespmem:s3+$0xE00]  }
0x153: {  	v11 =	vadd.f32 v14, v11  }
0x154: {  	v14 =	vld [tilespmem:s3+$0x1000]  }
0x155: {  	v11 =	vadd.f32 v12, v11  }
0x156: {  	v12 =	vld [tilespmem:s3+$0x1200]  }
0x157: {  	v11 =	vadd.f32 v13, v11  }
0x158: {  	v13 =	vld [tilespmem:s3+$0x1400]  }
0x159: {  	v11 =	vadd.f32 v14, v11  }
0x15a: {  	v14 =	vld [tilespmem:s3+$0x1600]  }
0x15b: {  	v11 =	vadd.f32 v12, v11  }
0x15c: {  	v12 =	vld [tilespmem:s3+$0x1800]  }
0x15d: {  	v11 =	vadd.f32 v13, v11  }
0x15e: {  	v13 =	vld [tilespmem:s3+$0x1A00]  }
0x15f: {  	v11 =	vadd.f32 v14, v11  }
0x160: {  	v14 =	vld [tilespmem:s3+$0x1C00]  }
0x161: {  	v11 =	vadd.f32 v12, v11  }
0x162: {  	v12 =	vld [tilespmem:s3+$0x1E00]  }
0x163: {  	v11 =	vadd.f32 v13, v11  }
0x164: {  	v13 =	vld [tilespmem:s3+$0x2000]  }
0x165: {  	v11 =	vadd.f32 v14, v11  }
0x166: {  	v14 =	vld [tilespmem:s3+$0x2200]  }
0x167: {  	v11 =	vadd.f32 v12, v11  }
0x168: {  	v12 =	vld [tilespmem:s3+$0x2400]  }
0x169: {  	v11 =	vadd.f32 v13, v11  }
0x16a: {  	v13 =	vld [tilespmem:s3+$0x2600]  }
0x16b: {  	v11 =	vadd.f32 v14, v11  }
0x16c: {  	v14 =	vld [tilespmem:s3+$0x2800]  }
0x16d: {  	v11 =	vadd.f32 v12, v11  }
0x16e: {  	v12 =	vld [tilespmem:s3+$0x2A00]  }
0x16f: {  	v11 =	vadd.f32 v13, v11  }
0x170: {  	v13 =	vld [tilespmem:s3+$0x2C00]  }
0x171: {  	v11 =	vadd.f32 v14, v11  }
0x172: {  	v14 =	vld [tilespmem:s3+$0x2E00]  }
0x173: {  	v11 =	vadd.f32 v12, v11  }
0x174: {  	v12 =	vld [tilespmem:s3+$0x3000]  }
0x175: {  	v11 =	vadd.f32 v13, v11  }
0x176: {  	v13 =	vld [tilespmem:s3+$0x3200]  }
0x177: {  	v11 =	vadd.f32 v14, v11  }
0x178: {  	v14 =	vld [tilespmem:s3+$0x3400]  }
0x179: {  	v11 =	vadd.f32 v12, v11  }
0x17a: {  	v12 =	vld [tilespmem:s3+$0x3600]  }
0x17b: {  	v11 =	vadd.f32 v13, v11  }
0x17c: {  	v13 =	vld [tilespmem:s3+$0x3800]  }
0x17d: {  	v11 =	vadd.f32 v14, v11  }
0x17e: {  	v14 =	vld [tilespmem:s3+$0x3A00]  }
0x17f: {  	v11 =	vadd.f32 v12, v11  }
0x180: {  	v12 =	vld [tilespmem:s3+$0x3C00]  }
0x181: {  	v11 =	vadd.f32 v13, v11  }
0x182: {  	v13 =	vld [tilespmem:s3+$0x3E00]  }
0x183: {  	v11 =	vadd.f32 v14, v11;
	_ =	sdelay $0x1  }
.Ltmp2:
0x184: {  	v11 =	vadd.f32 v12, v11;
	(pc) =	sbr.rel @p0 .LBB2_6-.Ltmp2, $4  }
0x185: {  	_ = 	snop  }
0x186: {  	v12 =	vadd.f32 v13, v11  }
0x187: {  	s0 =	sshra.s32 s22, $0x2  }
0x188: {  	s22 =	sadd.s32 $0x40, s22;
	v11 =	vld [tilespmem:s0+$0x0];
	[tilespmem:s3+$0x4000] =	vst v12;
	s3 =	smov.u32 s0  }
0x189: {  	v12 =	vld [tilespmem:s3+$0x4000];
	_ =	sdelay $0x1  }
0x18a: {  	v13 =	vld [tilespmem:s3+$0x200];
	_ =	sdelay $0x1  }
0x18b: {  	v14 =	vld [tilespmem:s3+$0x400]  }
0x18c: {  	v11 =	vadd.f32 v11, v12  }
0x18d: {  	v35 =	vld [tilespmem:s3+$0x600]  }
0x18e: {  	v11 =	vadd.f32 v13, v11  }
0x18f: {  	v36 =	vld [tilespmem:s3+$0x800]  }
0x190: {  	v11 =	vadd.f32 v14, v11  }
0x191: {  	v37 =	vld [tilespmem:s3+$0xA00]  }
0x192: {  	v11 =	vadd.f32 v35, v11  }
0x193: {  	v38 =	vld [tilespmem:s3+$0xC00]  }
0x194: {  	v11 =	vadd.f32 v36, v11  }
0x195: {  	v39 =	vld [tilespmem:s3+$0xE00]  }
0x196: {  	v11 =	vadd.f32 v37, v11  }
0x197: {  	v40 =	vld [tilespmem:s3+$0x1000]  }
0x198: {  	v11 =	vadd.f32 v38, v11  }
0x199: {  	v41 =	vld [tilespmem:s3+$0x1200]  }
0x19a: {  	v11 =	vadd.f32 v39, v11  }
0x19b: {  	v42 =	vld [tilespmem:s3+$0x1400]  }
0x19c: {  	v11 =	vadd.f32 v40, v11  }
0x19d: {  	v43 =	vld [tilespmem:s3+$0x1600]  }
0x19e: {  	v11 =	vadd.f32 v41, v11  }
0x19f: {  	v44 =	vld [tilespmem:s3+$0x1800]  }
0x1a0: {  	v11 =	vadd.f32 v42, v11  }
0x1a1: {  	v45 =	vld [tilespmem:s3+$0x1A00]  }
0x1a2: {  	v11 =	vadd.f32 v43, v11  }
0x1a3: {  	v46 =	vld [tilespmem:s3+$0x1C00]  }
0x1a4: {  	v11 =	vadd.f32 v44, v11  }
0x1a5: {  	v47 =	vld [tilespmem:s3+$0x1E00]  }
0x1a6: {  	v11 =	vadd.f32 v45, v11  }
0x1a7: {  	v48 =	vld [tilespmem:s3+$0x2000]  }
0x1a8: {  	v11 =	vadd.f32 v46, v11  }
0x1a9: {  	v49 =	vld [tilespmem:s3+$0x2200]  }
0x1aa: {  	v11 =	vadd.f32 v47, v11  }
0x1ab: {  	v50 =	vld [tilespmem:s3+$0x2400]  }
0x1ac: {  	v11 =	vadd.f32 v48, v11  }
0x1ad: {  	v51 =	vld [tilespmem:s3+$0x2600]  }
0x1ae: {  	v11 =	vadd.f32 v49, v11  }
0x1af: {  	v52 =	vld [tilespmem:s3+$0x2800]  }
0x1b0: {  	v11 =	vadd.f32 v50, v11  }
0x1b1: {  	v53 =	vld [tilespmem:s3+$0x2A00]  }
0x1b2: {  	v11 =	vadd.f32 v51, v11  }
0x1b3: {  	v54 =	vld [tilespmem:s3+$0x2C00]  }
0x1b4: {  	v11 =	vadd.f32 v52, v11  }
0x1b5: {  	v55 =	vld [tilespmem:s3+$0x2E00]  }
0x1b6: {  	v11 =	vadd.f32 v53, v11  }
0x1b7: {  	v56 =	vld [tilespmem:s3+$0x3000]  }
0x1b8: {  	v11 =	vadd.f32 v54, v11  }
0x1b9: {  	v57 =	vld [tilespmem:s3+$0x3200]  }
0x1ba: {  	v11 =	vadd.f32 v55, v11  }
0x1bb: {  	v58 =	vld [tilespmem:s3+$0x3400]  }
0x1bc: {  	v11 =	vadd.f32 v56, v11  }
0x1bd: {  	v59 =	vld [tilespmem:s3+$0x3600]  }
0x1be: {  	v11 =	vadd.f32 v57, v11  }
0x1bf: {  	v60 =	vld [tilespmem:s3+$0x3800]  }
0x1c0: {  	v11 =	vadd.f32 v58, v11  }
0x1c1: {  	v61 =	vld [tilespmem:s3+$0x3A00]  }
0x1c2: {  	v11 =	vadd.f32 v59, v11  }
0x1c3: {  	v62 =	vld [tilespmem:s3+$0x3C00]  }
0x1c4: {  	v11 =	vadd.f32 v60, v11  }
0x1c5: {  	v63 =	vld [tilespmem:s3+$0x3E00]  }
0x1c6: {  	v11 =	vadd.f32 v61, v11;
	_ =	sdelay $0x1  }
0x1c7: {  	v11 =	vadd.f32 v62, v11;
	_ =	sdelay $0x1  }
0x1c8: {  	v11 =	vadd.f32 v63, v11;
	_ =	sdelay $0x1  }
0x1c9: {  	s0 =	simm.s32 $0x0;
	[tilespmem:s3+$0x4000] =	vst v11  }
0x1ca: {  	[tilespmem:s0], [sflag:$0x2] =	stream.linear.gather [hbm4b:s9+s0], $0x4000, $0x38;
	[tilespmem:$0xAB80] =	vst v63  }
0x1cb: {  	_ =	swait.ge [sflag:s17], $0x4000  }
0x1cc: {  	[sflag:s17] =	ssyncset.done $0x0  }
0x1cd: {  	s3 =	simm.s32 $0x0;
	[sflag:s17] =	ssyncadd.s32 $0xFFFFC000  }
0x1ce: {  	s22 =	simm.s32 $0x40;
	v11 =	vld [tilespmem:s3+$0x0]  }
.LBB2_8:
0x1cf: {  	p0 =	sne.s32 s22, $0x7C0;
	v12 =	vld [tilespmem:s3+$0x4000];
	_ =	sdelay $0x1  }
0x1d0: {  	v13 =	vld [tilespmem:s3+$0x200];
	_ =	sdelay $0x1  }
0x1d1: {  	v14 =	vld [tilespmem:s3+$0x400]  }
0x1d2: {  	v11 =	vadd.f32 v11, v12  }
0x1d3: {  	v12 =	vld [tilespmem:s3+$0x600]  }
0x1d4: {  	v11 =	vadd.f32 v13, v11  }
0x1d5: {  	v13 =	vld [tilespmem:s3+$0x800]  }
0x1d6: {  	v11 =	vadd.f32 v14, v11  }
0x1d7: {  	v14 =	vld [tilespmem:s3+$0xA00]  }
0x1d8: {  	v11 =	vadd.f32 v12, v11  }
0x1d9: {  	v12 =	vld [tilespmem:s3+$0xC00]  }
0x1da: {  	v11 =	vadd.f32 v13, v11  }
0x1db: {  	v13 =	vld [tilespmem:s3+$0xE00]  }
0x1dc: {  	v11 =	vadd.f32 v14, v11  }
0x1dd: {  	v14 =	vld [tilespmem:s3+$0x1000]  }
0x1de: {  	v11 =	vadd.f32 v12, v11  }
0x1df: {  	v12 =	vld [tilespmem:s3+$0x1200]  }
0x1e0: {  	v11 =	vadd.f32 v13, v11  }
0x1e1: {  	v13 =	vld [tilespmem:s3+$0x1400]  }
0x1e2: {  	v11 =	vadd.f32 v14, v11  }
0x1e3: {  	v14 =	vld [tilespmem:s3+$0x1600]  }
0x1e4: {  	v11 =	vadd.f32 v12, v11  }
0x1e5: {  	v12 =	vld [tilespmem:s3+$0x1800]  }
0x1e6: {  	v11 =	vadd.f32 v13, v11  }
0x1e7: {  	v13 =	vld [tilespmem:s3+$0x1A00]  }
0x1e8: {  	v11 =	vadd.f32 v14, v11  }
0x1e9: {  	v14 =	vld [tilespmem:s3+$0x1C00]  }
0x1ea: {  	v11 =	vadd.f32 v12, v11  }
0x1eb: {  	v12 =	vld [tilespmem:s3+$0x1E00]  }
0x1ec: {  	v11 =	vadd.f32 v13, v11  }
0x1ed: {  	v13 =	vld [tilespmem:s3+$0x2000]  }
0x1ee: {  	v11 =	vadd.f32 v14, v11  }
0x1ef: {  	v14 =	vld [tilespmem:s3+$0x2200]  }
0x1f0: {  	v11 =	vadd.f32 v12, v11  }
0x1f1: {  	v12 =	vld [tilespmem:s3+$0x2400]  }
0x1f2: {  	v11 =	vadd.f32 v13, v11  }
0x1f3: {  	v13 =	vld [tilespmem:s3+$0x2600]  }
0x1f4: {  	v11 =	vadd.f32 v14, v11  }
0x1f5: {  	v14 =	vld [tilespmem:s3+$0x2800]  }
0x1f6: {  	v11 =	vadd.f32 v12, v11  }
0x1f7: {  	v12 =	vld [tilespmem:s3+$0x2A00]  }
0x1f8: {  	v11 =	vadd.f32 v13, v11  }
0x1f9: {  	v13 =	vld [tilespmem:s3+$0x2C00]  }
0x1fa: {  	v11 =	vadd.f32 v14, v11  }
0x1fb: {  	v14 =	vld [tilespmem:s3+$0x2E00]  }
0x1fc: {  	v11 =	vadd.f32 v12, v11  }
0x1fd: {  	v12 =	vld [tilespmem:s3+$0x3000]  }
0x1fe: {  	v11 =	vadd.f32 v13, v11  }
0x1ff: {  	v13 =	vld [tilespmem:s3+$0x3200]  }
0x200: {  	v11 =	vadd.f32 v14, v11  }
0x201: {  	v14 =	vld [tilespmem:s3+$0x3400]  }
0x202: {  	v11 =	vadd.f32 v12, v11  }
0x203: {  	v12 =	vld [tilespmem:s3+$0x3600]  }
0x204: {  	v11 =	vadd.f32 v13, v11  }
0x205: {  	v13 =	vld [tilespmem:s3+$0x3800]  }
0x206: {  	v11 =	vadd.f32 v14, v11  }
0x207: {  	v14 =	vld [tilespmem:s3+$0x3A00]  }
0x208: {  	v11 =	vadd.f32 v12, v11  }
0x209: {  	v12 =	vld [tilespmem:s3+$0x3C00]  }
0x20a: {  	v11 =	vadd.f32 v13, v11  }
0x20b: {  	v13 =	vld [tilespmem:s3+$0x3E00]  }
0x20c: {  	v11 =	vadd.f32 v14, v11;
	_ =	sdelay $0x1  }
.Ltmp3:
0x20d: {  	v11 =	vadd.f32 v12, v11;
	(pc) =	sbr.rel @p0 .LBB2_8-.Ltmp3, $4  }
0x20e: {  	_ = 	snop  }
0x20f: {  	v12 =	vadd.f32 v13, v11  }
0x210: {  	s0 =	sshra.s32 s22, $0x2  }
0x211: {  	s22 =	sadd.s32 $0x40, s22;
	v11 =	vld [tilespmem:s0+$0x0];
	[tilespmem:s3+$0x4000] =	vst v12;
	s3 =	smov.u32 s0  }
0x212: {  	v12 =	vld [tilespmem:s3+$0x4000];
	_ =	sdelay $0x1  }
0x213: {  	v13 =	vld [tilespmem:s3+$0x200];
	_ =	sdelay $0x1  }
0x214: {  	v14 =	vld [tilespmem:s3+$0x400]  }
0x215: {  	v11 =	vadd.f32 v11, v12  }
0x216: {  	v29 =	vld [tilespmem:s3+$0x600]  }
0x217: {  	v11 =	vadd.f32 v13, v11  }
0x218: {  	v30 =	vld [tilespmem:s3+$0x800]  }
0x219: {  	v11 =	vadd.f32 v14, v11  }
0x21a: {  	v31 =	vld [tilespmem:s3+$0xA00]  }
0x21b: {  	v11 =	vadd.f32 v29, v11  }
0x21c: {  	v32 =	vld [tilespmem:s3+$0xC00]  }
0x21d: {  	v11 =	vadd.f32 v30, v11  }
0x21e: {  	v33 =	vld [tilespmem:s3+$0xE00]  }
0x21f: {  	v11 =	vadd.f32 v31, v11  }
0x220: {  	v34 =	vld [tilespmem:s3+$0x1000]  }
0x221: {  	v11 =	vadd.f32 v32, v11  }
0x222: {  	v35 =	vld [tilespmem:s3+$0x1200]  }
0x223: {  	v11 =	vadd.f32 v33, v11  }
0x224: {  	v36 =	vld [tilespmem:s3+$0x1400]  }
0x225: {  	v11 =	vadd.f32 v34, v11  }
0x226: {  	v37 =	vld [tilespmem:s3+$0x1600]  }
0x227: {  	v11 =	vadd.f32 v35, v11  }
0x228: {  	v38 =	vld [tilespmem:s3+$0x1800]  }
0x229: {  	v11 =	vadd.f32 v36, v11  }
0x22a: {  	v39 =	vld [tilespmem:s3+$0x1A00]  }
0x22b: {  	v11 =	vadd.f32 v37, v11  }
0x22c: {  	v40 =	vld [tilespmem:s3+$0x1C00]  }
0x22d: {  	v11 =	vadd.f32 v38, v11  }
0x22e: {  	v41 =	vld [tilespmem:s3+$0x1E00]  }
0x22f: {  	v11 =	vadd.f32 v39, v11  }
0x230: {  	v42 =	vld [tilespmem:s3+$0x2000]  }
0x231: {  	v11 =	vadd.f32 v40, v11  }
0x232: {  	v43 =	vld [tilespmem:s3+$0x2200]  }
0x233: {  	v11 =	vadd.f32 v41, v11  }
0x234: {  	v44 =	vld [tilespmem:s3+$0x2400]  }
0x235: {  	v11 =	vadd.f32 v42, v11  }
0x236: {  	v45 =	vld [tilespmem:s3+$0x2600]  }
0x237: {  	v11 =	vadd.f32 v43, v11  }
0x238: {  	v46 =	vld [tilespmem:s3+$0x2800]  }
0x239: {  	v11 =	vadd.f32 v44, v11  }
0x23a: {  	v47 =	vld [tilespmem:s3+$0x2A00]  }
0x23b: {  	v11 =	vadd.f32 v45, v11  }
0x23c: {  	v48 =	vld [tilespmem:s3+$0x2C00]  }
0x23d: {  	v11 =	vadd.f32 v46, v11  }
0x23e: {  	v49 =	vld [tilespmem:s3+$0x2E00]  }
0x23f: {  	v11 =	vadd.f32 v47, v11  }
0x240: {  	v50 =	vld [tilespmem:s3+$0x3000]  }
0x241: {  	v11 =	vadd.f32 v48, v11  }
0x242: {  	v51 =	vld [tilespmem:s3+$0x3200]  }
0x243: {  	v11 =	vadd.f32 v49, v11  }
0x244: {  	v52 =	vld [tilespmem:s3+$0x3400]  }
0x245: {  	v11 =	vadd.f32 v50, v11  }
0x246: {  	v53 =	vld [tilespmem:s3+$0x3600]  }
0x247: {  	v11 =	vadd.f32 v51, v11  }
0x248: {  	v54 =	vld [tilespmem:s3+$0x3800]  }
0x249: {  	v11 =	vadd.f32 v52, v11  }
0x24a: {  	v55 =	vld [tilespmem:s3+$0x3A00]  }
0x24b: {  	v11 =	vadd.f32 v53, v11  }
0x24c: {  	v56 =	vld [tilespmem:s3+$0x3C00]  }
0x24d: {  	v11 =	vadd.f32 v54, v11  }
0x24e: {  	v57 =	vld [tilespmem:s3+$0x3E00]  }
0x24f: {  	v11 =	vadd.f32 v55, v11;
	_ =	sdelay $0x1  }
0x250: {  	v11 =	vadd.f32 v56, v11;
	_ =	sdelay $0x1  }
0x251: {  	v11 =	vadd.f32 v57, v11;
	_ =	sdelay $0x1  }
0x252: {  	s0 =	simm.s32 $0x4000;
	[tilespmem:s3+$0x4000] =	vst v11  }
0x253: {  	v11 =	vld [tilespmem:s0+$0x0];
	_ =	sdelay $0x4  }
0x254: {  	[tilespmem:$0x6400] =	vst v11  }
0x255: {  	v58 =	vld.idx.msk [tilespmem:v0+s18+$0x0], $0xffff;
	_ =	sdelay $0x3  }
0x256: {  	vm3 =	veq.s32 v1, $0x0  }
0x257: {  	v12 =	vsel vm3, $0x0, v58  }
0x258: {  	v11 =	vadd.f32 v12, v11;
	_ =	sdelay $0x1  }
0x259: {  	[tilespmem:$0x6400] =	vst v11  }
0x25a: {  	v59 =	vld.idx.msk [tilespmem:v2+s18+$0x0], $0xffff;
	_ =	sdelay $0x4  }
0x25b: {  	v12 =	vsel vm0, $0x0, v59  }
0x25c: {  	v11 =	vadd.f32 v12, v11;
	_ =	sdelay $0x1  }
0x25d: {  	[tilespmem:$0x6400] =	vst v11  }
0x25e: {  	v60 =	vld.idx.msk [tilespmem:v3+s18+$0x0], $0xffff;
	_ =	sdelay $0x4  }
0x25f: {  	v12 =	vsel vm1, $0x0, v60  }
0x260: {  	v11 =	vadd.f32 v12, v11;
	_ =	sdelay $0x1  }
0x261: {  	[tilespmem:$0x6400] =	vst v11  }
0x262: {  	v61 =	vld.idx.msk [tilespmem:v4+s18+$0x0], $0xffff;
	_ =	sdelay $0x4  }
0x263: {  	v12 =	vsel vm2, $0x0, v61  }
0x264: {  	s24 =	simm.s32 $0xF;
	v11 =	vadd.f32 v12, v11  }
0x265: {  	v62 =	vimm.f32 $0.0e+00;
	v63 =	vmov s24  }
0x266: {  	v12 =	vadd.f32 v11, v62;
	v11 =	vor.u32 $0x7, v63  }
0x267: {  	v11 =	vbroadcast v11, $0x0;
	_ =	sdelay $0x3  }
0x268: {  	s22 =	simm.s32 $0x2F;
	s3 =	simm.s32 $0x1F;
	[tilespmem:s0+$0x0] =	vst v12;
	s0 =	simm.s32 $0x4010  }
.LBB2_10:
0x269: {  	p0 =	sne.s32 s22, $0x1FF;
	v12 =	vld [tilespmem:s0+$0x0];
	s24 =	smov.u32 s22;
	s22 =	sadd.s32 $0x10, s22  }
0x26a: {  	v13 =	vld.idx.msk [tilespmem:v11+s19+$0x0], $0xffff;
	_ =	sdelay $0x3  }
0x26b: {  	[tilespmem:$0x6400] =	vst v12  }
0x26c: {  	v11 =	vld.idx.msk [tilespmem:v0+s18+$0x0], $0xffff;
	_ =	sdelay $0x5  }
0x26d: {  	v11 =	vsel vm3, $0x0, v11  }
0x26e: {  	v11 =	vadd.f32 v11, v12;
	_ =	sdelay $0x1  }
0x26f: {  	[tilespmem:$0x6400] =	vst v11  }
0x270: {  	v12 =	vld.idx.msk [tilespmem:v2+s18+$0x0], $0xffff;
	_ =	sdelay $0x5  }
0x271: {  	v12 =	vsel vm0, $0x0, v12  }
0x272: {  	v11 =	vadd.f32 v12, v11;
	_ =	sdelay $0x1  }
0x273: {  	[tilespmem:$0x6400] =	vst v11  }
0x274: {  	v12 =	vld.idx.msk [tilespmem:v3+s18+$0x0], $0xffff;
	_ =	sdelay $0x5  }
0x275: {  	v12 =	vsel vm1, $0x0, v12  }
0x276: {  	v12 =	vadd.f32 v12, v11;
	_ =	sdelay $0x1  }
0x277: {  	[tilespmem:$0x6400] =	vst v12  }
0x278: {  	v11 =	vld.idx.msk [tilespmem:v4+s18+$0x0], $0xffff;
	_ =	sdelay $0x3  }
0x279: {  	v14 =	vmov s3;
	s3 =	smov.u32 s24  }
0x27a: {  	v14 =	vor.u32 $0x7, v14  }
0x27b: {  	v15 =	vsel vm2, $0x0, v11;
	v11 =	vbroadcast v14, $0x0  }
.Ltmp4:
0x27c: {  	v12 =	vadd.f32 v15, v12;
	(pc) =	sbr.rel @p0 .LBB2_10-.Ltmp4, $3  }
0x27d: {  	_ = 	snop  }
0x27e: {  	v12 =	vadd.f32 v12, v13;
	_ =	sdelay $0x1  }
0x27f: {  	[tilespmem:s0+$0x0] =	vst v12;
	s0 =	sadd.s32 $0x10, s0  }
0x280: {  	v12 =	vld [tilespmem:s0+$0x0];
	_ =	sdelay $0x4  }
0x281: {  	v11 =	vld.idx.msk [tilespmem:v11+s19+$0x0], $0xffff;
	[tilespmem:$0x6400] =	vst v12  }
0x282: {  	v13 =	vld.idx.msk [tilespmem:v0+s18+$0x0], $0xffff;
	_ =	sdelay $0x3  }
0x283: {  	vm3 =	veq.s32 v1, $0x0  }
0x284: {  	v13 =	vsel vm3, $0x0, v13  }
0x285: {  	v12 =	vadd.f32 v13, v12;
	_ =	sdelay $0x1  }
0x286: {  	[tilespmem:$0x6400] =	vst v12  }
0x287: {  	v57 =	vld.idx.msk [tilespmem:v2+s18+$0x0], $0xffff;
	_ =	sdelay $0x4  }
0x288: {  	v13 =	vsel vm0, $0x0, v57  }
0x289: {  	v12 =	vadd.f32 v13, v12;
	_ =	sdelay $0x1  }
0x28a: {  	[tilespmem:$0x6400] =	vst v12  }
0x28b: {  	v58 =	vld.idx.msk [tilespmem:v3+s18+$0x0], $0xffff;
	_ =	sdelay $0x4  }
0x28c: {  	v13 =	vsel vm1, $0x0, v58  }
0x28d: {  	v12 =	vadd.f32 v13, v12;
	_ =	sdelay $0x1  }
0x28e: {  	[tilespmem:$0x6400] =	vst v12  }
0x28f: {  	v59 =	vld.idx.msk [tilespmem:v4+s18+$0x0], $0xffff;
	_ =	sdelay $0x4  }
0x290: {  	v13 =	vsel vm2, $0x0, v59  }
0x291: {  	v12 =	vadd.f32 v13, v12;
	_ =	sdelay $0x1  }
0x292: {  	v11 =	vadd.f32 v12, v11;
	_ =	sdelay $0x1  }
0x293: {  	[tilespmem:s0+$0x0] =	vst v11  }
0x294: {  	[spmem:s10] =	stream.linear.scatter [tilespmem:s19], [sflag:$0x2], $0x200, $0x38;
	[tilespmem:$0xAB80] =	vst v63  }
0x295: {  	_ =	swait.ge [sflag:s17], $0x200  }
0x296: {  	[sflag:s17] =	ssyncset.done $0x0  }
0x297: {  	[sflag:s17] =	ssyncadd.s32 $0xFFFFFE00  }
0x298: {  	[bflag:$0x0] =	sbarrier.arrive $0xFFFF  }
0x299: {  	s22 =	rddreg [dreg:$0x3]  }
0x29a: {  	[tilespmem:s20], [sflag:$0x2] =	stream.linear.gather [spmem:s22], $0x2000, $0x38;
	[tilespmem:$0xAB80] =	vst v63  }
0x29b: {  	_ =	swait.ge [sflag:s17], $0x2000  }
0x29c: {  	[sflag:s17] =	ssyncset.done $0x0  }
0x29d: {  	[sflag:s17] =	ssyncadd.s32 $0xFFFFE000  }
0x29e: {  	v11 =	vld.idx.msk [tilespmem:v5+s20+$0x0], $0xffff;
	_ =	sdelay $0x4  }
0x29f: {  	[tilespmem:$0x6480] =	vst v11  }
0x2a0: {  	v60 =	vld.idx.msk [tilespmem:v0+s21+$0x0], $0xffff;
	_ =	sdelay $0x4  }
0x2a1: {  	v12 =	vsel vm3, $0x0, v60  }
0x2a2: {  	v11 =	vadd.f32 v12, v11;
	_ =	sdelay $0x1  }
0x2a3: {  	[tilespmem:$0x6480] =	vst v11  }
0x2a4: {  	v61 =	vld.idx.msk [tilespmem:v2+s21+$0x0], $0xffff;
	_ =	sdelay $0x4  }
0x2a5: {  	v12 =	vsel vm0, $0x0, v61  }
0x2a6: {  	v11 =	vadd.f32 v12, v11;
	_ =	sdelay $0x1  }
0x2a7: {  	[tilespmem:$0x6480] =	vst v11  }
0x2a8: {  	v62 =	vld.idx.msk [tilespmem:v3+s21+$0x0], $0xffff;
	_ =	sdelay $0x4  }
0x2a9: {  	v12 =	vsel vm1, $0x0, v62  }
0x2aa: {  	v11 =	vadd.f32 v12, v11;
	_ =	sdelay $0x1  }
0x2ab: {  	[tilespmem:$0x6480] =	vst v11  }
0x2ac: {  	v63 =	vld.idx.msk [tilespmem:v4+s21+$0x0], $0xffff;
	_ =	sdelay $0x4  }
0x2ad: {  	v12 =	vsel vm2, $0x0, v63  }
0x2ae: {  	v11 =	vadd.f32 v12, v11;
	_ =	sdelay $0x1  }
0x2af: {  	[tilespmem:$0x6400] =	vst v11  }
0x2b0: {  	v11 =	vld.idx.msk [tilespmem:v0+s18+$0x0], $0xffff;
	_ =	sdelay $0x4  }
0x2b1: {  	v11 =	vsel vm3, $0x0, v11  }
0x2b2: {  	s3 =	simm.s32 $0x0;
	s24 =	simm.s32 $0x6500;
	[tilespmem:$0x6480] =	vst v11  }
0x2b3: {  	[tilespmem:s24], [sflag:$0x2] =	stream.linear.gather [hbm4b:s11+s3], $0x80, $0x38;
	[tilespmem:$0xAB80] =	vst v63  }
0x2b4: {  	_ =	swait.ge [sflag:s17], $0x80  }
0x2b5: {  	[sflag:s17] =	ssyncset.done $0x0  }
0x2b6: {  	[sflag:s17] =	ssyncadd.s32 $0xFFFFFF80  }
.LBB2_12:
0x2b7: {  	v12 =	vld.idx.msk [tilespmem:v6+s20+$0x0], $0xffff  }
0x2b8: {  	v13 =	vld.idx.msk [tilespmem:v7+s21+$0x0], $0xffff  }
0x2b9: {  	s22 =	sshra.s32 s3, $0x2  }
0x2ba: {  	v11 =	vld [tilespmem:s22+$0x6500];
	_ =	sdelay $0x2  }
0x2bb: {  	v12 =	vadd.f32 v13, v12;
	_ =	sdelay $0x1  }
0x2bc: {  	vm3 =	vlt.f32 v12, v11  }
0x2bd: {  	v12 =	vsel vm3, $0x3001, v6  }
0x2be: {  	v25 =	vshrl.u32 v12, $0x1  }
0x2bf: {  	v12 =	vshrl.u32 v12, $0xA;
	_ =	sdelay $0x3  }
0x2c0: {  	v14 =	vld.idx.msk [tilespmem:v25+s20+$0x0], $0xffff  }
0x2c1: {  	v12 =	vld.idx.msk [tilespmem:v12+s21+$0x0], $0xffff;
	_ =	sdelay $0x4  }
0x2c2: {  	v12 =	vadd.f32 v12, v14;
	_ =	sdelay $0x1  }
0x2c3: {  	v26 =	vsel vm3, $0x2000, v6;
	vm4 =	vlt.f32 v12, v11  }
0x2c4: {  	v27 =	vsel vm3, $0x1001, v8;
	v15 =	vor.u32 $0x1, v25;
	v13 =	vsel vm4, v26, v25  }
0x2c5: {  	v12 =	vsel vm4, v15, v27;
	v14 =	vadd.s32 $0xFFFFFFFF, v13  }
0x2c6: {  	v16 =	vadd.s32 v12, v13;
	v15 =	vxor.u32 v14, v12  }
0x2c7: {  	v14 =	vor.u32 v14, v12;
	v28 =	vshrl.u32 v16, $0xA;
	v15 =	vshrl.u32 v15, $0x1  }
0x2c8: {  	v14 =	vsub.s32 v14, v15;
	_ =	sdelay $0x3  }
0x2c9: {  	v15 =	vld.idx.msk [tilespmem:v28+s21+$0x0], $0xffff  }
0x2ca: {  	v29 =	vld.idx.msk [tilespmem:v14+s20+$0x0], $0xffff;
	_ =	sdelay $0x4  }
0x2cb: {  	v15 =	vadd.f32 v15, v29;
	_ =	sdelay $0x1  }
0x2cc: {  	v30 =	vor.u32 $0x1, v14;
	vm3 =	vlt.f32 v15, v11  }
0x2cd: {  	v12 =	vsel vm3, v30, v12;
	v13 =	vsel vm3, v13, v14  }
0x2ce: {  	v14 =	vxor.u32 v12, v13;
	v31 =	vadd.s32 v12, v13  }
0x2cf: {  	v15 =	vand.u32 v12, v13;
	v14 =	vshrl.u32 v14, $0x1;
	v32 =	vshrl.u32 v31, $0xA  }
0x2d0: {  	v14 =	vadd.s32 v14, v15;
	_ =	sdelay $0x3  }
0x2d1: {  	v15 =	vld.idx.msk [tilespmem:v32+s21+$0x0], $0xffff  }
0x2d2: {  	v33 =	vld.idx.msk [tilespmem:v14+s20+$0x0], $0xffff;
	_ =	sdelay $0x4  }
0x2d3: {  	v15 =	vadd.f32 v15, v33;
	_ =	sdelay $0x1  }
0x2d4: {  	v34 =	vadd.s32 $0x1, v14;
	vm3 =	vlt.f32 v15, v11  }
0x2d5: {  	v12 =	vsel vm3, v34, v12;
	v13 =	vsel vm3, v13, v14  }
0x2d6: {  	v14 =	vxor.u32 v12, v13;
	v35 =	vadd.s32 v12, v13  }
0x2d7: {  	v15 =	vand.u32 v12, v13;
	v14 =	vshrl.u32 v14, $0x1;
	v36 =	vshrl.u32 v35, $0xA  }
0x2d8: {  	v14 =	vadd.s32 v14, v15;
	_ =	sdelay $0x3  }
0x2d9: {  	v15 =	vld.idx.msk [tilespmem:v36+s21+$0x0], $0xffff  }
0x2da: {  	v37 =	vld.idx.msk [tilespmem:v14+s20+$0x0], $0xffff;
	_ =	sdelay $0x4  }
0x2db: {  	v15 =	vadd.f32 v15, v37;
	_ =	sdelay $0x1  }
0x2dc: {  	v38 =	vadd.s32 $0x1, v14;
	vm3 =	vlt.f32 v15, v11  }
0x2dd: {  	v12 =	vsel vm3, v38, v12;
	v13 =	vsel vm3, v13, v14  }
0x2de: {  	v14 =	vadd.s32 v12, v13  }
0x2df: {  	v39 =	vshrl.u32 v14, $0x1  }
0x2e0: {  	v14 =	vshrl.u32 v14, $0xA;
	_ =	sdelay $0x3  }
0x2e1: {  	v40 =	vld.idx.msk [tilespmem:v39+s20+$0x0], $0xffff  }
0x2e2: {  	v14 =	vld.idx.msk [tilespmem:v14+s21+$0x0], $0xffff;
	_ =	sdelay $0x4  }
0x2e3: {  	v14 =	vadd.f32 v14, v40;
	_ =	sdelay $0x1  }
0x2e4: {  	v41 =	vadd.s32 $0x1, v39;
	vm3 =	vlt.f32 v14, v11  }
0x2e5: {  	v12 =	vsel vm3, v41, v12;
	v13 =	vsel vm3, v13, v39  }
0x2e6: {  	v14 =	vadd.s32 v12, v13  }
0x2e7: {  	v42 =	vshrl.u32 v14, $0x1  }
0x2e8: {  	v14 =	vshrl.u32 v14, $0xA;
	_ =	sdelay $0x3  }
0x2e9: {  	v43 =	vld.idx.msk [tilespmem:v42+s20+$0x0], $0xffff  }
0x2ea: {  	v14 =	vld.idx.msk [tilespmem:v14+s21+$0x0], $0xffff;
	_ =	sdelay $0x4  }
0x2eb: {  	v14 =	vadd.f32 v14, v43;
	_ =	sdelay $0x1  }
0x2ec: {  	v44 =	vadd.s32 $0x1, v42;
	vm3 =	vlt.f32 v14, v11  }
0x2ed: {  	v12 =	vsel vm3, v44, v12;
	v13 =	vsel vm3, v13, v42  }
0x2ee: {  	v14 =	vadd.s32 v12, v13  }
0x2ef: {  	v45 =	vshrl.u32 v14, $0x1  }
0x2f0: {  	v14 =	vshrl.u32 v14, $0xA;
	_ =	sdelay $0x3  }
0x2f1: {  	v46 =	vld.idx.msk [tilespmem:v45+s20+$0x0], $0xffff  }
0x2f2: {  	v14 =	vld.idx.msk [tilespmem:v14+s21+$0x0], $0xffff;
	_ =	sdelay $0x4  }
0x2f3: {  	v14 =	vadd.f32 v14, v46;
	_ =	sdelay $0x1  }
0x2f4: {  	v47 =	vadd.s32 $0x1, v45;
	vm3 =	vlt.f32 v14, v11  }
0x2f5: {  	v12 =	vsel vm3, v47, v12;
	v13 =	vsel vm3, v13, v45  }
0x2f6: {  	v14 =	vadd.s32 v12, v13  }
0x2f7: {  	v48 =	vshrl.u32 v14, $0x1  }
0x2f8: {  	v14 =	vshrl.u32 v14, $0xA;
	_ =	sdelay $0x3  }
0x2f9: {  	v49 =	vld.idx.msk [tilespmem:v48+s20+$0x0], $0xffff  }
0x2fa: {  	v14 =	vld.idx.msk [tilespmem:v14+s21+$0x0], $0xffff;
	_ =	sdelay $0x4  }
0x2fb: {  	v14 =	vadd.f32 v14, v49;
	_ =	sdelay $0x1  }
0x2fc: {  	v50 =	vadd.s32 $0x1, v48;
	vm3 =	vlt.f32 v14, v11  }
0x2fd: {  	v12 =	vsel vm3, v50, v12;
	v13 =	vsel vm3, v13, v48  }
0x2fe: {  	v14 =	vadd.s32 v12, v13  }
0x2ff: {  	v51 =	vshrl.u32 v14, $0x1  }
0x300: {  	v14 =	vshrl.u32 v14, $0xA;
	_ =	sdelay $0x3  }
0x301: {  	v52 =	vld.idx.msk [tilespmem:v51+s20+$0x0], $0xffff  }
0x302: {  	v14 =	vld.idx.msk [tilespmem:v14+s21+$0x0], $0xffff;
	_ =	sdelay $0x4  }
0x303: {  	v14 =	vadd.f32 v14, v52;
	_ =	sdelay $0x1  }
0x304: {  	v53 =	vadd.s32 $0x1, v51;
	vm3 =	vlt.f32 v14, v11  }
0x305: {  	v12 =	vsel vm3, v53, v12;
	v13 =	vsel vm3, v13, v51  }
0x306: {  	v14 =	vadd.s32 v12, v13  }
0x307: {  	v54 =	vshrl.u32 v14, $0x1  }
0x308: {  	v14 =	vshrl.u32 v14, $0xA;
	_ =	sdelay $0x3  }
0x309: {  	v55 =	vld.idx.msk [tilespmem:v54+s20+$0x0], $0xffff  }
0x30a: {  	v14 =	vld.idx.msk [tilespmem:v14+s21+$0x0], $0xffff;
	_ =	sdelay $0x4  }
0x30b: {  	v14 =	vadd.f32 v14, v55;
	_ =	sdelay $0x1  }
0x30c: {  	v56 =	vadd.s32 $0x1, v54;
	vm3 =	vlt.f32 v14, v11  }
0x30d: {  	v12 =	vsel vm3, v56, v12;
	v13 =	vsel vm3, v13, v54  }
0x30e: {  	v14 =	vadd.s32 v12, v13  }
0x30f: {  	v57 =	vshrl.u32 v14, $0x1  }
0x310: {  	v14 =	vshrl.u32 v14, $0xA;
	_ =	sdelay $0x3  }
0x311: {  	v58 =	vld.idx.msk [tilespmem:v57+s20+$0x0], $0xffff  }
0x312: {  	v14 =	vld.idx.msk [tilespmem:v14+s21+$0x0], $0xffff;
	_ =	sdelay $0x4  }
0x313: {  	v14 =	vadd.f32 v14, v58;
	_ =	sdelay $0x1  }
0x314: {  	v59 =	vadd.s32 $0x1, v57;
	vm3 =	vlt.f32 v14, v11  }
0x315: {  	v12 =	vsel vm3, v59, v12;
	v13 =	vsel vm3, v13, v57  }
0x316: {  	v13 =	vadd.s32 v12, v13  }
0x317: {  	v60 =	vshrl.u32 v13, $0x1  }
0x318: {  	v13 =	vshrl.u32 v13, $0xA;
	_ =	sdelay $0x3  }
0x319: {  	v61 =	vld.idx.msk [tilespmem:v60+s20+$0x0], $0xffff  }
0x31a: {  	v13 =	vld.idx.msk [tilespmem:v13+s21+$0x0], $0xffff;
	_ =	sdelay $0x4  }
0x31b: {  	v13 =	vadd.f32 v13, v61;
	_ =	sdelay $0x1  }
0x31c: {  	vm3 =	vlt.f32 v13, v11;
	v11 =	vadd.s32 $0x1, v60  }
0x31d: {  	v11 =	vsel vm3, v11, v12  }
0x31e: {  	v12 =	vmax.u32 v11, $0x1  }
0x31f: {  	v12 =	vsub.s32 v12, v9  }
0x320: {  	v62 =	vshrl.u32 v12, $0x9;
	_ =	sdelay $0x1  }
0x321: {  	v63 =	vmin.u32 v11, $0x1FFF  }
0x322: {  	[tilespmem:s22+$0x6580] =	vst v63  }
0x323: {  	v12 =	vld.idx.msk [tilespmem:v12+s20+$0x0], $0xffff  }
0x324: {  	v13 =	vld.idx.msk [tilespmem:v62+s21+$0x0], $0xffff;
	_ =	sdelay $0x2  }
0x325: {  	p0 =	sne.s32 s3, $0x1C0  }
.Ltmp5:
0x326: {  	_ = 	snop;
	(pc) =	sbr.rel @p0 .LBB2_12-.Ltmp5, $4  }
0x327: {  	v12 =	vadd.f32 v13, v12  }
0x328: {  	vm3 =	veq.s32 v11, $0x0  }
0x329: {  	v11 =	vsel vm3, $0x0, v12  }
0x32a: {  	s3 =	sadd.s32 $0x40, s3;
	[tilespmem:s22+$0x6600] =	vst v11  }
0x32b: {  	s0 =	simm.s32 $0x6580  }
0x32c: {  	[tilespmem:s25], [sflag:$0x1] =	stream.indirect.gather [hbm4b:s5+s23], $0x80, s0, s23, $0xb8;
	[tilespmem:$0xAB80] =	vst v63  }
0x32d: {  	_ =	swait.ge [sflag:s26], $0x4000  }
0x32e: {  	[sflag:s26] =	ssyncset.done $0x0  }
0x32f: {  	s3 =	simm.s32 $0x0;
	s0 =	simm.s32 $0x0;
	[sflag:s26] =	ssyncadd.s32 $0xFFFFC000  }
.LBB2_14:
0x330: {  	s22 =	sshll.u32 s3, $0x4;
	v11 =	vmov s0  }
0x331: {  	v12 =	vmov s22;
	v11 =	vand.u32 $0x7F, v11  }
0x332: {  	v12 =	vshll.u32 v12, $0x7;
	v11 =	vbroadcast v11, $0x0  }
0x333: {  	v12 =	vor.u32 v10, v12  }
0x334: {  	v11 =	vor.u32 v12, v11  }
0x335: {  	s24 =	simm.s32 $0x1  }
0x336: {  	v13 =	vmov s24  }
0x337: {  	v13 =	vand.u32 $0x7F, v13  }
0x338: {  	v13 =	vbroadcast v13, $0x0  }
0x339: {  	v14 =	vld.idx.msk [tilespmem:v11+s25+$0x0], $0xffff  }
0x33a: {  	s24 =	simm.s32 $0x2;
	v16 =	vor.u32 v12, v13  }
0x33b: {  	v13 =	vmov s24;
	v11 =	vld [tilespmem:s22+$0x6600]  }
0x33c: {  	v13 =	vand.u32 $0x7F, v13  }
0x33d: {  	v15 =	vimm.f32 $0.0e+00;
	v17 =	vbroadcast v13, $0x0;
	v13 =	vld [tilespmem:s22+$0x6500]  }
0x33e: {  	v15 =	vadd.f32 v14, v15  }
0x33f: {  	v17 =	vor.u32 v12, v17;
	v16 =	vld.idx.msk [tilespmem:v16+s25+$0x0], $0xffff  }
0x340: {  	s24 =	simm.s32 $0x3;
	v14 =	vimm.s32 $0x0;
	v18 =	vadd.f32 v15, v11  }
.LBB2_15:
0x341: {  	v19 =	vmov s24;
	p0 =	sne.s32 s24, $0x7F;
	s24 =	sadd.s32 $0x1, s24  }
.Ltmp6:
0x342: {  	v19 =	vand.u32 $0x7F, v19;
	vm3 =	vlt.f32 v18, v13;
	(pc) =	sbr.rel @p0 .LBB2_15-.Ltmp6, $4  }
0x343: {  	v18 =	vbroadcast v19, $0x0;
	v19 =	vsel vm3, $0x1, v8  }
0x344: {  	v15 =	vadd.f32 v16, v15;
	v16 =	vld.idx.msk [tilespmem:v17+s25+$0x0], $0xffff;
	v14 =	vadd.s32 v19, v14  }
0x345: {  	v17 =	vor.u32 v12, v18  }
0x346: {  	v18 =	vadd.f32 v15, v11  }
0x347: {  	_ =	sdelay $0x3  }
0x348: {  	v12 =	vld.idx.msk [tilespmem:v17+s25+$0x0], $0xffff;
	_ =	sdelay $0x2  }
0x349: {  	v15 =	vadd.f32 v16, v15;
	_ =	sdelay $0x1  }
0x34a: {  	v12 =	vadd.f32 v12, v15  }
0x34b: {  	v59 =	vld [tilespmem:s22+$0x6580];
	v15 =	vadd.f32 v15, v11  }
0x34c: {  	vm3 =	vlt.f32 v18, v13;
	v11 =	vadd.f32 v12, v11  }
0x34d: {  	v60 =	vsel vm3, $0x1, v8;
	vm3 =	vlt.f32 v15, v13  }
0x34e: {  	s3 =	sadd.s32 $0x1, s3;
	v12 =	vadd.s32 v60, v14;
	v61 =	vsel vm3, $0x1, v8;
	vm3 =	vlt.f32 v11, v13  }
0x34f: {  	p0 =	sne.s32 s3, $0x8;
	v11 =	vadd.s32 v61, v12;
	v62 =	vsel vm3, $0x1, v8  }
.Ltmp7:
0x350: {  	v63 =	vshll.u32 v59, $0x7;
	v11 =	vadd.s32 v62, v11;
	(pc) =	sbr.rel @p0 .LBB2_14-.Ltmp7, $4  }
0x351: {  	v11 =	vadd.s32 v11, v63  }
0x352: {  	vm3 =	vlt.s32 v11, $0xF423F  }
0x353: {  	v11 =	vnsel vm3, $0xF423F, v11  }
0x354: {  	[tilespmem:s22+$0xA680] =	vst v11  }
0x355: {  	[hbm4b:s12+s4] =	stream.linear.scatter [tilespmem:s28], [sflag:$0x2], $0x80, $0x38;
	[tilespmem:$0xAB80] =	vst v63  }
0x356: {  	_ =	swait.ge [sflag:s17], $0x80  }
0x357: {  	[sflag:s17] =	ssyncset.done $0x0  }
0x358: {  	[sflag:s17] =	ssyncadd.s32 $0xFFFFFF80  }
0x359: {  	[tilespmem:s29], [sflag:$0x1] =	stream.indirect.gather [hbm4b:s2+s23], $0x1, s28, s23, $0xb8;
	[tilespmem:$0xAB80] =	vst v63  }
0x35a: {  	_ =	swait.ge [sflag:s26], $0x80  }
0x35b: {  	[sflag:s26] =	ssyncset.done $0x0  }
0x35c: {  	[sflag:s26] =	ssyncadd.s32 $0xFFFFFF80  }
0x35d: {  	[hbm4b:s13+s4] =	stream.linear.scatter [tilespmem:s29], [sflag:$0x2], $0x80, $0x38;
	[tilespmem:$0xAB80] =	vst v63  }
0x35e: {  	_ =	swait.ge [sflag:s17], $0x80  }
0x35f: {  	[sflag:s17] =	ssyncset.done $0x0  }
0x360: {  	[sflag:s17] =	ssyncadd.s32 $0xFFFFFF80  }
0x361: {  	[tilespmem:s30], [sflag:$0x2] =	stream.linear.gather [hbm4b:s14+s4], $0x200, $0x38;
	[tilespmem:$0xAB80] =	vst v63  }
0x362: {  	_ =	swait.ge [sflag:s17], $0x200  }
0x363: {  	[sflag:s17] =	ssyncset.done $0x0  }
0x364: {  	[sflag:s17] =	ssyncadd.s32 $0xFFFFFE00  }
0x365: {  	[tilespmem:s31], [sflag:$0x1] =	stream.indirect.gather [hbm4b:s2+s23], $0x1, s30, s23, $0xb8;
	[tilespmem:$0xAB80] =	vst v63  }
0x366: {  	_ =	swait.ge [sflag:s26], $0x80  }
0x367: {  	[sflag:s26] =	ssyncset.done $0x0  }
0x368: {  	s0 =	simm.s32 $0xA800;
	s3 =	simm.s32 $0xAA00;
	[sflag:s26] =	ssyncadd.s32 $0xFFFFFF80  }
0x369: {  	[tilespmem:s3], [sflag:$0x1] =	stream.indirect.gather [hbm4b:s2+s23], $0x1, s0, s23, $0xb8;
	[tilespmem:$0xAB80] =	vst v63  }
0x36a: {  	_ =	swait.ge [sflag:s26], $0x80  }
0x36b: {  	[sflag:s26] =	ssyncset.done $0x0  }
0x36c: {  	s22 =	simm.s32 $0xA880;
	s24 =	simm.s32 $0xAA80;
	[sflag:s26] =	ssyncadd.s32 $0xFFFFFF80  }
0x36d: {  	[tilespmem:s24], [sflag:$0x1] =	stream.indirect.gather [hbm4b:s2+s23], $0x1, s22, s23, $0xb8;
	[tilespmem:$0xAB80] =	vst v63  }
0x36e: {  	_ =	swait.ge [sflag:s26], $0x80  }
0x36f: {  	[sflag:s26] =	ssyncset.done $0x0  }
0x370: {  	s22 =	simm.s32 $0xA900;
	s24 =	simm.s32 $0xAB00;
	[sflag:s26] =	ssyncadd.s32 $0xFFFFFF80  }
0x371: {  	[tilespmem:s24], [sflag:$0x1] =	stream.indirect.gather [hbm4b:s2+s23], $0x1, s22, s23, $0xb8;
	[tilespmem:$0xAB80] =	vst v63  }
0x372: {  	s1 =	sadd.s32 $0x1, s1;
	_ =	swait.ge [sflag:s26], $0x80  }
0x373: {  	p0 =	sne.s32 s1, s16;
	[sflag:s26] =	ssyncset.done $0x0  }
.Ltmp8:
0x374: {  	[sflag:s26] =	ssyncadd.s32 $0xFFFFFF80;
	(pc) =	sbr.rel @p0 .LBB2_1-.Ltmp8, $4  }
0x375: {  	[hbm4b:s15+s4] =	stream.linear.scatter [tilespmem:s31], [sflag:$0x2], $0x200, $0x38;
	[tilespmem:$0xAB80] =	vst v63  }
0x376: {  	_ =	swait.ge [sflag:s17], $0x200  }
0x377: {  	[sflag:s17] =	ssyncset.done $0x0  }
0x378: {  	[sflag:s17] =	ssyncadd.s32 $0xFFFFFE00  }
0x379: {  	_ =	sfence.sel $0x180000  }
0x37a: {  	[bflag:$0x0] =	sbarrier.arrive $0xFFFF  }
0x37b: {  	_ =	strace $0x90000047  }
0x37c: {  	s0 =	stileid.u32;
	[bflag:$0x2] =	sbarrier.arrive $0xFFFF  }
0x37d: {  	p0 =	sne.s32 s0, $0x0;
	s0 =	rddreg [dreg:$0x4]  }
0x37e: {  	s0 =	sadd.s32 @!p0 $0x100000, s0  }
0x37f: {  	[sflag:s0] =	ssyncadd.tile.s32 @!p0 $0x1;
	_ =	shalt  }
.Lfunc_end2:
_tile_overlayer_lowered:
.L_overlay_start_2:
0x380: {  	(tag) =	ssettag $0x2  }
0x381: {  	s0 =	rddreg [dreg:$0x0];
	s2 =	stileid.u32  }
0x382: {  	s1 =	rddreg [dreg:$0x1];
	p0 =	sne.s32 s2, $0x0  }
0x383: {  	s3 =	rddreg [dreg:$0x2];
	[bflag:$0x3] =	sbarrier.arrive $0xFFFF;
	s2 =	simm.s32 @!p0 $0x1C02  }
0x384: {  	[timem:s3], [sflag:s2] =	dma.local @!p0 [hbm:s0], s1  }
0x385: {  	s0 =	simm.s32 @!p0 $0x2  }
0x386: {  	_ =	swait.ge @!p0 [sflag:s0], s1  }
0x387: {  	s1 =	ssub.s32 @!p0 $0x0, s1;
	[sflag:s0] =	ssyncset.done @!p0 $0x0  }
0x388: {  	[sflag:s0] =	ssyncadd.s32 @!p0 s1  }
0x389: {  	[bflag:$0x3] =	sbarrier.arrive $0xFFFF  }
0x38a: {  	_ =	shalt  }

// kernel: kernel.9.cloned.1.call-start
scs
__scs_entry_jumppad:
0x0: {  	(pc) =	sbr.rel $0x88, $3  }
0x1: {  	(tag) =	ssettag $0x0;
	lr =	simm.s32 $0x1  }
0x2: {  	[smem:$0x3F9D] =	sst lr;
	_ =	strace $0xD0000000  }
0x3: {  	_ = 	snop  }
0x4: {  	_ = 	snop  }
0x5: {  	_ = 	snop  }
0x6: {  	_ = 	snop  }
0x7: {  	_ = 	snop  }
__scs_overlays_trampoline_lowered:
0x8: {  	[smem:$0x3FAC] =	sst s0  }
0x9: {  	[smem:$0x3FAD] =	sst s1  }
0xa: {  	[smem:$0x3FAE] =	sst s2  }
0xb: {  	[smem:$0x3FAF] =	sst s3  }
0xc: {  	[smem:$0x3FB0] =	sst s4  }
0xd: {  	[smem:$0x3FB1] =	sst s5  }
0xe: {  	[smem:$0x3FB2] =	sst s6  }
0xf: {  	[smem:$0x3FB3] =	sst s7  }
0x10: {  	[smem:$0x3FB4] =	sst s8  }
0x11: {  	[smem:$0x3FB5] =	sst s9;
	s0 =	simm.s32 @!p0 $0x0  }
0x12: {  	s1 =	sld [smem:$0x3F9B];
	s0 =	simm.s32 @p0 $0x1  }
0x13: {  	[smem:$0x3FB6] =	sst s0;
	s0 =	simm.s32 @!p1 $0x0  }
0x14: {  	s2 =	sld [smem:$0x3F9A];
	s0 =	simm.s32 @p1 $0x1  }
0x15: {  	[smem:$0x3FB7] =	sst s0;
	s0 =	simm.s32 @!p2 $0x0  }
0x16: {  	s3 =	sld [smem:$0x3FDB];
	s0 =	simm.s32 @p2 $0x1  }
0x17: {  	s4 =	simm.s32 $0x1BF5;
	[smem:$0x3FB9] =	sst s0  }
0x18: {  	s0 =	sld [smem:$0x3F9C];
	_ =	swait.ge [sflag:s4], $0x0  }
0x19: {  	s7 =	sld [smem:$0x3F9D]  }
0x1a: {  	s8 =	sadd.s32 $0xFFFFE003, lr  }
0x1b: {  	s9 =	sadd.s32 $0xFFFFFEF7, lr;
	s5 =	simm.s32 $0xFFFFFFFF;
	p2 =	slt.u32 s8, $0xFFFFF086  }
0x1c: {  	p1 =	slt.u32 s9, $0xF7A;
	s5 =	simm.s32 @!p2 $0x0  }
0x1d: {  	s5 =	simm.s32 @p1 $0x1;
	p0 =	seq.s32 s7, s2  }
0x1e: {  	s7 =	smul.u32 @!p0 $0xF7A, s2;
	p2 =	seq.s32 @!p0 s5, $0x0  }
0x1f: {  	s9 =	smul.u32 $0xF7A, s1;
	s8 =	simm.s32 @!p0 $0x1BF5;
	p2 =	por !p2, p0  }
0x20: {  	[sflag:s8] =	ssyncset.s32 @!p0 $0xFFFFF086;
	s6 =	sadd.s32 @!p0 s3, s7;
	s7 =	simm.s32 @!p0 $0x108  }
0x21: {  	s3 =	sadd.s32 s3, s9;
	s6 =	sadd.s32 @!p0 $0x88, s6;
	s7 =	simm.s32 @p2 $0x1082  }
0x22: {  	[simem:s7], [sflag:s8] =	dma.local @!p0 [hbm:s6], $0xF7A  }
0x23: {  	s9 =	sor.u32 $0xD0000000, s2;
	s6 =	simm.s32 $0x108;
	_ =	swait.ge @!p0 [sflag:s8], $0x0  }
0x24: {  	s3 =	sadd.s32 $0x88, s3;
	s6 =	simm.s32 @!p1 $0x1082;
	[sflag:s4] =	ssyncset.s32 $0xFFFFF086  }
0x25: {  	[simem:s6], [sflag:s4] =	dma.local [hbm:s3], $0xF7A  }
0x26: {  	[smem:$0x3F9D] =	sst s1;
	(tag) =	ssettag s2;
	_ =	strace s9  }
0x27: {  	s1 =	sld [smem:$0x3FAD]  }
0x28: {  	s2 =	sld [smem:$0x3FAE]  }
0x29: {  	s4 =	sld [smem:$0x3FB0]  }
0x2a: {  	p0 =	seq.s32 s5, $0x0;
	s5 =	sld [smem:$0x3FB1]  }
0x2b: {  	s6 =	sld [smem:$0x3FB2]  }
0x2c: {  	s7 =	sld [smem:$0x3FB3]  }
0x2d: {  	s3 =	simm.s32 $0x108;
	s8 =	sld [smem:$0x3FB4]  }
0x2e: {  	s3 =	simm.s32 @!p0 $0x1082;
	s9 =	sld [smem:$0x3FB5]  }
0x2f: {  	lr =	sadd.s32 s0, s3;
	s0 =	sld [smem:$0x3FAC]  }
0x30: {  	s3 =	sld [smem:$0x3FAF]  }
0x31: {  	[smem:$0x3FB8] =	sst s10  }
0x32: {  	s10 =	sld [smem:$0x3FB6];
	_ =	sdelay $0x3  }
0x33: {  	p0 =	seq.s32 s10, $0x1;
	s10 =	sld [smem:$0x3FB8];
	_ =	sdelay $0x3  }
0x34: {  	[smem:$0x3FB8] =	sst s10  }
0x35: {  	s10 =	sld [smem:$0x3FB7];
	_ =	sdelay $0x3  }
0x36: {  	p1 =	seq.s32 s10, $0x1;
	s10 =	sld [smem:$0x3FB8];
	_ =	sdelay $0x3  }
0x37: {  	[smem:$0x3FB8] =	sst s10  }
0x38: {  	s10 =	sld [smem:$0x3FB9]  }
0x39: {  	_ = 	snop;
	(pc) =	sbr.ind lr, $3  }
0x3a: {  	_ = 	snop  }
0x3b: {  	_ = 	snop  }
0x3c: {  	p2 =	seq.s32 s10, $0x1;
	s10 =	sld [smem:$0x3FB8]  }
0x3d: {  	_ =	shalt  }
0x3e: {  	_ =	shalt  }
0x3f: {  	_ =	shalt  }
0x40: {  	_ =	shalt  }
0x41: {  	_ =	shalt  }
0x42: {  	_ =	shalt  }
0x43: {  	_ =	shalt  }
0x44: {  	_ =	shalt  }
0x45: {  	_ =	shalt  }
0x46: {  	_ =	shalt  }
0x47: {  	_ =	shalt  }
0x48: {  	_ =	shalt  }
0x49: {  	_ =	shalt  }
0x4a: {  	_ =	shalt  }
0x4b: {  	_ =	shalt  }
0x4c: {  	_ =	shalt  }
0x4d: {  	_ =	shalt  }
0x4e: {  	_ =	shalt  }
0x4f: {  	_ =	shalt  }
0x50: {  	_ =	shalt  }
0x51: {  	_ =	shalt  }
0x52: {  	_ =	shalt  }
0x53: {  	_ =	shalt  }
0x54: {  	_ =	shalt  }
0x55: {  	_ =	shalt  }
0x56: {  	_ =	shalt  }
0x57: {  	_ =	shalt  }
0x58: {  	_ =	shalt  }
0x59: {  	_ =	shalt  }
0x5a: {  	_ =	shalt  }
0x5b: {  	_ =	shalt  }
0x5c: {  	_ =	shalt  }
0x5d: {  	_ =	shalt  }
0x5e: {  	_ =	shalt  }
0x5f: {  	_ =	shalt  }
0x60: {  	_ =	shalt  }
0x61: {  	_ =	shalt  }
0x62: {  	_ =	shalt  }
0x63: {  	_ =	shalt  }
0x64: {  	_ =	shalt  }
0x65: {  	_ =	shalt  }
0x66: {  	_ =	shalt  }
0x67: {  	_ =	shalt  }
0x68: {  	_ =	shalt  }
0x69: {  	_ =	shalt  }
0x6a: {  	_ =	shalt  }
0x6b: {  	_ =	shalt  }
0x6c: {  	_ =	shalt  }
0x6d: {  	_ =	shalt  }
0x6e: {  	_ =	shalt  }
0x6f: {  	_ =	shalt  }
0x70: {  	_ =	shalt  }
0x71: {  	_ =	shalt  }
0x72: {  	_ =	shalt  }
0x73: {  	_ =	shalt  }
0x74: {  	_ =	shalt  }
0x75: {  	_ =	shalt  }
0x76: {  	_ =	shalt  }
0x77: {  	_ =	shalt  }
0x78: {  	_ =	shalt  }
0x79: {  	_ =	shalt  }
0x7a: {  	_ =	shalt  }
0x7b: {  	_ =	shalt  }
0x7c: {  	_ =	shalt  }
0x7d: {  	_ =	shalt  }
0x7e: {  	_ =	shalt  }
0x7f: {  	_ =	shalt  }
0x80: {  	_ =	shalt  }
0x81: {  	_ =	shalt  }
0x82: {  	_ =	shalt  }
0x83: {  	_ =	shalt  }
0x84: {  	_ =	shalt  }
0x85: {  	_ =	shalt  }
0x86: {  	_ =	shalt  }
0x87: {  	_ =	shalt  }
.Lfunc_end0:
.L_simem_size_0:
called_computation.1_lowered:
.L_overlay_start_0:
0x88: {  	s2 =	sld [smem:$0x3FD9]  }
0x89: {  	s3 =	sld [smem:$0x3FFE];
	_ =	sdelay $0x1  }
0x8a: {  	s1 =	srdreg.scid  }
0x8b: {  	s0 =	sand.u32 $0x1, s1  }
0x8c: {  	s17 =	sshll.u32 s0, $0xA;
	s2 =	sadd.s32 s3, s2  }
0x8d: {  	s2 =	sadd.s32 s2, s17  }
0x8e: {  	[smem:$0x3FC4] =	sst s2  }
0x8f: {  	_ = 	snop  }
0x90: {  	s2 =	sld [smem:$0x3FC8];
	(tm) =	ssettm $0x1  }
0x91: {  	s18 =	sld [smem:$0x3FFB];
	_ =	sdelay $0x3  }
0x92: {  	_ =	strace s18  }
0x93: {  	s3 =	sld [smem:$0x3FFC];
	_ =	sdelay $0x3  }
0x94: {  	_ =	strace s3  }
0x95: {  	s3 =	sld [smem:$0x3FFD];
	_ =	sdelay $0x3  }
0x96: {  	_ =	strace s3  }
0x97: {  	_ =	strace $0x8FFFFFFF  }
0x98: {  	s19 =	sld [smem:$0x3FDB];
	_ =	sdelay $0x1  }
0x99: {  	s4 =	simm.s32 $_scs_section_size  }
0x9a: {  	s5 =	simm.s32 $_size__tile_overlayer_lowered;
	s6 =	simm.s32 $_tile_overlayer_lowered  }
0x9b: {  	s22 =	simm.s32 $0x1BFF;
	s21 =	sshll.u32 s6, $0x1;
	s3 =	sadd.s32 s4, s19  }
0x9c: {  	s7 =	simm.s32 $0x0;
	s20 =	sshll.u32 s5, $0x1;
	s5 =	sadd.s32 s21, s3  }
0x9d: {  	[timem:s7], [sflag:s22] =	dma.local [hbm:s5], s20  }
0x9e: {  	_ =	swait.ge [sflag:s22], s20  }
0x9f: {  	s4 =	ssub.s32 $0x0, s20;
	[sflag:s22] =	ssyncset.done $0x0  }
0xa0: {  	[sflag:s22] =	ssyncadd.s32 s4;
	_ =	sdelay $0x1  }
0xa1: {  	s23 =	simm.s32 $0x1B8B  }
0xa2: {  	_ =	swait.ge [sflag:s23], $0x1  }
0xa3: {  	[sflag:s23] =	ssyncset.done $0x0  }
0xa4: {  	s25 =	simm.s32 $0x1B8E;
	s24 =	sld [smem:$0x3FFE];
	[sflag:s23] =	ssyncadd.s32 $0xFFFFFFFF  }
0xa5: {  	s26 =	simm.s32 $execute0_lowered;
	[smem:$0x3FD2] =	sst s25  }
0xa6: {  	s5 =	sshll.u32 s26, $0x1;
	_ =	strace $0x80000049;
	[dreg:$0x1] =	wrdreg $0xFFFFFFFF  }
0xa7: {  	s28 =	simm.s32 $_size_execute0_lowered;
	s3 =	sadd.s32 s3, s5;
	[dreg:$0x0] =	wrdreg $0x0  }
0xa8: {  	s5 =	sshll.u32 s28, $0x1;
	[dreg:$0x2] =	wrdreg s3  }
0xa9: {  	[dreg:$0x3] =	wrdreg s5  }
0xaa: {  	[dreg:$0x4] =	wrdreg $0xC0  }
0xab: {  	_ =	task [dreg:s7], $0x5FFFF  }
0xac: {  	[dreg:$0x1] =	wrdreg $0xFFFFFFFF  }
0xad: {  	[dreg:$0x0] =	wrdreg $0x60  }
0xae: {  	[dreg:$0x2] =	wrdreg s24  }
0xaf: {  	[dreg:$0x3] =	wrdreg s2  }
0xb0: {  	[dreg:$0x4] =	wrdreg $0x9  }
0xb1: {  	_ =	task.clear_ibuf [dreg:s7], $0x5FFFF;
	_ =	strace $0x90000049  }
0xb2: {  	s29 =	simm.s32 $0x9;
	_ =	strace $0x8000004B  }
0xb3: {  	_ =	swait.ge [sflag:s29], $0x1  }
0xb4: {  	[sflag:s29] =	ssyncadd.s32 $0xFFFFFFFF  }
0xb5: {  	_ =	strace $0x9000004B  }
0xb6: {  	_ =	sfence  }
0xb7: {  	s30 =	sld [smem:$0x0];
	_ =	sdelay $0x2  }
0xb8: {  	s31 =	sshll.u32 s1, $0xD;
	s1 =	sshrl.u32 s1, $0x2  }
0xb9: {  	s3 =	sand.u32 $0x4000, s31;
	s1 =	sadd.s32 s1, s30  }
0xba: {  	s0 =	sor.u32 s3, s0;
	s1 =	sshll.u32 s1, $0x11  }
0xbb: {  	s0 =	sor.u32 s1, s0  }
0xbc: {  	s0 =	sadd.s32 $0x8F2B, s0  }
0xbd: {  	[sflag:s0] =	ssyncadd.remote.s32 $0x1  }
0xbe: {  	_ =	sfence.sel $0xFFFF  }
0xbf: {  	[dreg:$0x0] =	wrdreg $0xFFFFFFFF;
	(pc) =	sbr.abs _section_cstart, $3  }
0xc0: {  	[dreg:$0x1] =	wrdreg $0xFFFFFFFF  }
0xc1: {  	_ =	task.clear_ibuf [dreg:s7], $0x2FFFF;
	_ =	strace $0x9FFFFFFF  }
0xc2: {  	(tm) =	ssettm $0x7FFFFFFF  }
0xc3: {  	_ =	shalt  }
tec
execute0_lowered:
.L_overlay_start_1:
0x0: {  	(tag) =	ssettag $0x1  }
0x1: {  	s4 =	rddreg [dreg:$0x0]  }
0x2: {  	s6 =	rddreg [dreg:$0x1]  }
0x3: {  	s0 =	rddreg [dreg:$0x2]  }
0x4: {  	s3 =	srdreg.scid;
	s1 =	stileid.u32;
	s2 =	simm.s32 $0x0  }
0x5: {  	s12 =	simm.s32 $0x1080;
	s13 =	simm.s32 $0x1280;
	s14 =	simm.s32 $0x1100  }
0x6: {  	s15 =	simm.s32 $0x2280;
	s16 =	simm.s32 $0x1180;
	s17 =	simm.s32 $0x3280  }
0x7: {  	s18 =	simm.s32 $0x1200;
	s19 =	simm.s32 $0x4280;
	s20 =	simm.s32 $0x0  }
0x8: {  	s5 =	sand.u32 $0x1, s3;
	s31 =	sshll.u32 s1, $0x1;
	[smem:$0x7FF] =	sst s2  }
0x9: {  	s3 =	sadd.s32 $0x42C00, s4;
	s7 =	sor.u32 s5, s31;
	_ =	strace $0x8000004A  }
0xa: {  	s5 =	ssub.s32 $0x2, s5;
	s8 =	sshll.u32 s7, $0x4;
	s9 =	sshll.u32 s7, $0x9  }
0xb: {  	s10 =	sshll.u32 s7, $0xB;
	s11 =	sshrl.u32 s5, $0x1;
	s7 =	sshll.u32 s7, $0x6  }
0xc: {  	s8 =	sadd.s32 s8, s4;
	s9 =	sadd.s32 s9, s4;
	s10 =	sadd.s32 s10, s4  }
0xd: {  	s11 =	ssub.s32 s5, s11;
	s6 =	sadd.s32 s6, s7;
	s4 =	sadd.s32 $0x42000, s8  }
0xe: {  	s5 =	sadd.s32 $0x11E00, s9;
	s7 =	sadd.s32 $0x1E00, s10;
	s8 =	smax.u32 s11, $0x1  }
0xf: {  	s9 =	simm.s32 $0x2;
	s10 =	simm.s32 $0x80;
	s11 =	simm.s32 $0x1  }
.LBB2_1:
0x10: {  	[tilespmem:s2], [sflag:$0x2] =	stream.linear.gather [hbm4b:s4+s2], $0x80, $0x38;
	[tilespmem:$0x5280] =	vst v63  }
0x11: {  	_ =	swait.ge [sflag:s9], $0x80  }
0x12: {  	[sflag:s9] =	ssyncset.done $0x0  }
0x13: {  	[sflag:s9] =	ssyncadd.s32 $0xFFFFFF80  }
0x14: {  	v0 =	vld [tilespmem:$0x0]  }
0x15: {  	v1 =	vld [tilespmem:$0x10]  }
0x16: {  	v3 =	vld [tilespmem:$0x20]  }
0x17: {  	v41 =	vld [tilespmem:$0x30]  }
0x18: {  	v7 =	vld [tilespmem:$0x40]  }
0x19: {  	v44 =	vld [tilespmem:$0x50];
	v2 =	vshll.u32 v0, $0x2  }
0x1a: {  	v48 =	vld [tilespmem:$0x60];
	v4 =	vand.u32 $0xFFFF8000, v0;
	v0 =	vshrl.u32 v0, $0xD;
	v42 =	vand.u32 $0xFFFF8000, v1  }
0x1b: {  	v9 =	vld [tilespmem:$0x70];
	v5 =	vshrl.u32 v1, $0xD;
	v1 =	vshll.u32 v1, $0x2;
	v6 =	vshll.u32 v3, $0x2  }
0x1c: {  	v8 =	vand.u32 $0xFFFF8000, v3;
	v3 =	vshrl.u32 v3, $0xD;
	v45 =	vshll.u32 v41, $0x2  }
0x1d: {  	v46 =	vand.u32 $0xFFFF8000, v41;
	v47 =	vshll.u32 v7, $0x2;
	v49 =	vand.u32 $0xFFFF8000, v7  }
0x1e: {  	v7 =	vshrl.u32 v7, $0xD;
	v50 =	vshll.u32 v44, $0x2;
	v10 =	vand.u32 $0xFFFF8000, v44  }
0x1f: {  	v54 =	vshll.u32 v48, $0x2;
	v55 =	vand.u32 $0xFFFF8000, v48;
	v56 =	vshrl.u32 v48, $0xD  }
0x20: {  	v58 =	vshll.u32 v9, $0x2;
	v59 =	vand.u32 $0xFFFF8000, v9;
	v60 =	vshrl.u32 v9, $0xD  }
0x21: {  	v2 =	vand.u32 $0x7FFC, v2;
	v0 =	vand.u32 $0x3, v0;
	v5 =	vand.u32 $0x3, v5  }
0x22: {  	v1 =	vand.u32 $0x7FFC, v1;
	v6 =	vand.u32 $0x7FFC, v6;
	v3 =	vand.u32 $0x3, v3  }
0x23: {  	v52 =	vand.u32 $0x3, v7;
	v57 =	vand.u32 $0x3, v56;
	v2 =	vor.u32 v4, v2  }
0x24: {  	v1 =	vor.u32 v42, v1;
	v43 =	vor.u32 v8, v6;
	v4 =	vand.u32 $0x7FFC, v45  }
0x25: {  	v6 =	vshrl.u32 v44, $0xD;
	v0 =	vor.u32 v0, v2;
	v1 =	vor.u32 v5, v1  }
0x26: {  	v3 =	vor.u32 v3, v43;
	v2 =	vshrl.u32 v41, $0xD;
	v4 =	vor.u32 v46, v4;
	[tilespmem:$0x0] =	vst v0  }
0x27: {  	v5 =	vand.u32 $0x7FFC, v47;
	v6 =	vand.u32 $0x3, v6;
	v2 =	vand.u32 $0x3, v2;
	[tilespmem:$0x10] =	vst v1  }
0x28: {  	[tilespmem:$0x20] =	vst v3;
	v2 =	vor.u32 v2, v4;
	v4 =	vor.u32 v49, v5;
	v5 =	vand.u32 $0x7FFC, v50  }
0x29: {  	v51 =	vor.u32 v10, v5;
	v53 =	vor.u32 v52, v4;
	v4 =	vand.u32 $0x7FFC, v54;
	[tilespmem:$0x30] =	vst v2  }
0x2a: {  	v0 =	vor.u32 v6, v51;
	v3 =	vor.u32 v55, v4;
	[tilespmem:$0x40] =	vst v53;
	v4 =	vand.u32 $0x7FFC, v58  }
0x2b: {  	v62 =	vand.u32 $0x3, v60;
	[tilespmem:$0x50] =	vst v0;
	v61 =	vor.u32 v57, v3;
	v1 =	vor.u32 v59, v4  }
0x2c: {  	[tilespmem:$0x60] =	vst v61;
	v63 =	vor.u32 v62, v1  }
0x2d: {  	[tilespmem:$0x70] =	vst v63  }
0x2e: {  	[tilespmem:s10], [sflag:$0x1] =	stream.indirect.gather [hbm4b:s3+s10], $0x20, s2, s10, $0xb8;
	[tilespmem:$0x5280] =	vst v63  }
0x2f: {  	_ =	swait.ge [sflag:s11], $0x1000  }
0x30: {  	[sflag:s11] =	ssyncset.done $0x0  }
0x31: {  	[sflag:s11] =	ssyncadd.s32 $0xFFFFF000  }
0x32: {  	[hbm4b:s5+s2] =	stream.linear.scatter [tilespmem:s10], [sflag:$0x2], $0x1000, $0x38;
	[tilespmem:$0x5280] =	vst v63  }
0x33: {  	_ =	swait.ge [sflag:s9], $0x1000  }
0x34: {  	[sflag:s9] =	ssyncset.done $0x0  }
0x35: {  	[sflag:s9] =	ssyncadd.s32 $0xFFFFF000  }
0x36: {  	[tilespmem:s12], [sflag:$0x2] =	stream.linear.gather [hbm4b:s6+s2], $0x200, $0x38;
	[tilespmem:$0x5280] =	vst v63  }
0x37: {  	_ =	swait.ge [sflag:s9], $0x200  }
0x38: {  	[sflag:s9] =	ssyncset.done $0x0  }
0x39: {  	s21 =	simm.s32 $0x0;
	s22 =	simm.s32 $0x40;
	[sflag:s9] =	ssyncadd.s32 $0xFFFFFE00  }
.LBB2_2:
0x3a: {  	p0 =	sne.s32 s22, $0x7C0;
	v0 =	vld [tilespmem:s21+$0x1080];
	_ =	sdelay $0x4  }
.Ltmp0:
0x3b: {  	v1 =	vshll.u32 v0, $0x2;
	(pc) =	sbr.rel @p0 .LBB2_2-.Ltmp0, $4  }
0x3c: {  	v2 =	vand.u32 $0xFFFF8000, v0;
	v0 =	vshrl.u32 v0, $0xD;
	v1 =	vand.u32 $0x7FFC, v1  }
0x3d: {  	v0 =	vand.u32 $0x3, v0;
	v1 =	vor.u32 v2, v1  }
0x3e: {  	v0 =	vor.u32 v0, v1  }
0x3f: {  	[tilespmem:s21+$0x1080] =	vst v0;
	s21 =	sshra.s32 s22, $0x2;
	s22 =	sadd.s32 $0x40, s22  }
0x40: {  	v0 =	vld [tilespmem:s21+$0x1080];
	_ =	sdelay $0x4  }
0x41: {  	v1 =	vshll.u32 v0, $0x2  }
0x42: {  	v2 =	vand.u32 $0xFFFF8000, v0;
	v0 =	vshrl.u32 v0, $0xD;
	v1 =	vand.u32 $0x7FFC, v1  }
0x43: {  	v0 =	vand.u32 $0x3, v0;
	v1 =	vor.u32 v2, v1  }
0x44: {  	v0 =	vor.u32 v0, v1  }
0x45: {  	[tilespmem:s21+$0x1080] =	vst v0  }
0x46: {  	[tilespmem:s13], [sflag:$0x1] =	stream.indirect.gather [hbm4b:s3+s10], $0x20, s12, s10, $0xb8;
	[tilespmem:$0x5280] =	vst v63  }
0x47: {  	_ =	swait.ge [sflag:s11], $0x1000  }
0x48: {  	[sflag:s11] =	ssyncset.done $0x0  }
0x49: {  	[sflag:s11] =	ssyncadd.s32 $0xFFFFF000  }
0x4a: {  	[tilespmem:s15], [sflag:$0x1] =	stream.indirect.gather [hbm4b:s3+s10], $0x20, s14, s10, $0xb8;
	[tilespmem:$0x5280] =	vst v63  }
0x4b: {  	_ =	swait.ge [sflag:s11], $0x1000  }
0x4c: {  	[sflag:s11] =	ssyncset.done $0x0  }
0x4d: {  	[sflag:s11] =	ssyncadd.s32 $0xFFFFF000  }
0x4e: {  	[tilespmem:s17], [sflag:$0x1] =	stream.indirect.gather [hbm4b:s3+s10], $0x20, s16, s10, $0xb8;
	[tilespmem:$0x5280] =	vst v63  }
0x4f: {  	_ =	swait.ge [sflag:s11], $0x1000  }
0x50: {  	[sflag:s11] =	ssyncset.done $0x0  }
0x51: {  	[sflag:s11] =	ssyncadd.s32 $0xFFFFF000  }
0x52: {  	[tilespmem:s19], [sflag:$0x1] =	stream.indirect.gather [hbm4b:s3+s10], $0x20, s18, s10, $0xb8;
	[tilespmem:$0x5280] =	vst v63  }
0x53: {  	s20 =	sadd.s32 $0x1, s20;
	_ =	swait.ge [sflag:s11], $0x1000  }
0x54: {  	p0 =	sne.s32 s20, s8;
	[sflag:s11] =	ssyncset.done $0x0  }
.Ltmp1:
0x55: {  	[sflag:s11] =	ssyncadd.s32 $0xFFFFF000;
	(pc) =	sbr.rel @p0 .LBB2_1-.Ltmp1, $4  }
0x56: {  	[hbm4b:s7+s2] =	stream.linear.scatter [tilespmem:s13], [sflag:$0x2], $0x4000, $0x38;
	[tilespmem:$0x5280] =	vst v63  }
0x57: {  	_ =	swait.ge [sflag:s9], $0x4000  }
0x58: {  	[sflag:s9] =	ssyncset.done $0x0  }
0x59: {  	[sflag:s9] =	ssyncadd.s32 $0xFFFFC000  }
0x5a: {  	_ =	sfence.sel $0x180000  }
0x5b: {  	[bflag:$0x0] =	sbarrier.arrive $0xFFFF  }
0x5c: {  	p0 =	sne.s32 s1, $0x0;
	_ =	strace $0x9000004A  }
0x5d: {  	s0 =	sadd.s32 @!p0 $0x100000, s0;
	[bflag:$0x2] =	sbarrier.arrive $0xFFFF  }
0x5e: {  	[sflag:s0] =	ssyncadd.tile.s32 @!p0 $0x1;
	_ =	shalt  }
.Lfunc_end2:
_tile_overlayer_lowered:
.L_overlay_start_2:
0x5f: {  	(tag) =	ssettag $0x2  }
0x60: {  	s0 =	rddreg [dreg:$0x0];
	s2 =	stileid.u32  }
0x61: {  	s1 =	rddreg [dreg:$0x1];
	p0 =	sne.s32 s2, $0x0  }
0x62: {  	s3 =	rddreg [dreg:$0x2];
	[bflag:$0x3] =	sbarrier.arrive $0xFFFF;
	s2 =	simm.s32 @!p0 $0x1C02  }
0x63: {  	[timem:s3], [sflag:s2] =	dma.local @!p0 [hbm:s0], s1  }
0x64: {  	s0 =	simm.s32 @!p0 $0x2  }
0x65: {  	_ =	swait.ge @!p0 [sflag:s0], s1  }
0x66: {  	s1 =	ssub.s32 @!p0 $0x0, s1;
	[sflag:s0] =	ssyncset.done @!p0 $0x0  }
0x67: {  	[sflag:s0] =	ssyncadd.s32 @!p0 s1  }
0x68: {  	[bflag:$0x3] =	sbarrier.arrive $0xFFFF  }
0x69: {  	_ =	shalt  }

</sc_bundles>
